<compile_context>
chip_gen: v7x
topology: tpu7x:2x2x1
jax: 0.10.2.dev20260603
libtpu: 0.0.44.dev20260713+nightly
codegen_flags: <defaults>
</compile_context>

<pallas_src>
import functools

import jax
import jax.numpy as jnp
from jax import lax
from jax.experimental import pallas as pl
from jax.experimental.pallas import tpu as pltpu
from jax.experimental.pallas import tpu_sc as plsc

N = 10000
E = 320000
IN_DIM = 128
HID = 128
OUT = 40
OUTP = 128
EPS = 1e-5

NC = 2
NS = 16
NW = NC * NS
C = 128
CH = 80
EPW = CH * C
E_PAD = EPW * NW
N_PAD = 10240
RPS = N_PAD // NS

_f32 = jnp.float32


@functools.cache
def _make_sc_agg(D, with_deg):
    mesh = plsc.VectorSubcoreMesh(core_axis_name="c", subcore_axis_name="s",
                                  num_cores=NC, num_subcores=NS)
    DR = N_PAD // C
    out_type = [jax.ShapeDtypeStruct((NC, N_PAD, D), _f32)]
    scratch = [
        [pltpu.VMEM((C,), jnp.int32)] * 2,
        [pltpu.VMEM((C,), jnp.int32)] * 2,
        [pltpu.VMEM((C, D), _f32)] * 2,
        pltpu.VMEM_SHARED((N_PAD, D), _f32),
        [pltpu.SemaphoreType.DMA] * 2,
        [pltpu.SemaphoreType.DMA] * 2,
        [pltpu.SemaphoreType.DMA] * 2,
        [pltpu.SemaphoreType.DMA] * 2,
    ]
    params = pltpu.CompilerParams(needs_layout_passes=False)
    if with_deg:
        out_type.append(jax.ShapeDtypeStruct((NC * DR, C), _f32))
        scratch += [
            [pltpu.VMEM((C,), jnp.int32)] * 2,
            pltpu.VMEM((DR, C), _f32),
            pltpu.VMEM((DR,), jnp.int32),
            pltpu.VMEM_SHARED((DR, C), _f32),
        ]
        params = pltpu.CompilerParams(needs_layout_passes=False)

    def body(*refs):
        if with_deg:
            (table, src3, dst3, zrows, iota_in,
             agg_out, deg_out, src_v, dst_v, rows_v, acc,
             isem, dsem, gsem, ssem,
             dst2_v, degtile, iota_v, degsh) = refs
        else:
            (table, src3, dst3, zrows,
             agg_out, src_v, dst_v, rows_v, acc,
             isem, dsem, gsem, ssem) = refs
        cid = lax.axis_index("c")
        sid = lax.axis_index("s")
        wid = sid * NC + cid
        pwid = sid * NC + (1 - cid)
        r0 = pl.multiple_of(sid * RPS, 8)
        pltpu.sync_copy(zrows.at[pl.ds(r0, RPS), :], acc.at[pl.ds(r0, RPS), :])
        if with_deg:
            @pl.when(sid < DR // 8)
            def _():
                pltpu.sync_copy(zrows.at[pl.ds(0, 8), :],
                                degsh.at[pl.ds(sid * 8, 8), :])
            pltpu.sync_copy(zrows.at[pl.ds(0, DR), :], degtile)
            pltpu.sync_copy(iota_in, iota_v)
        plsc.subcore_barrier()
        ones = jnp.ones((16,), _f32)

        def src_start(i, b):
            pltpu.async_copy(src3.at[wid, i], src_v[b], isem[b])

        def src_wait(b):
            pltpu.make_async_copy(src3.at[0, 0], src_v[b], isem[b]).wait()

        def dst_start(i, b):
            pltpu.async_copy(dst3.at[wid, i], dst_v[b], dsem[b])
            if with_deg:
                pltpu.async_copy(dst3.at[pwid, i], dst2_v[b], dsem[b])

        def dst_wait(b):
            pltpu.make_async_copy(dst3.at[0, 0], dst_v[b], dsem[b]).wait()
            if with_deg:
                pltpu.make_async_copy(dst3.at[0, 0], dst2_v[b],
                                      dsem[b]).wait()

        def gather_start(b):
            pltpu.async_copy(table.at[src_v[b]], rows_v[b], gsem[b])

        def gather_wait(b):
            pltpu.make_async_copy(table.at[src_v[b]], rows_v[b],
                                  gsem[b]).wait()

        def hist(dv):
            for j in range(C // 16):
                d = dv[pl.ds(j * 16, 16)]
                plsc.addupdate_scatter(
                    degtile, [lax.shift_right_logical(d, 7),
                              jnp.bitwise_and(d, 127)], ones)

        def scatter_start(b):
            if with_deg:
                hist(dst_v[b])
                hist(dst2_v[b])
            pltpu.async_copy(rows_v[b], acc.at[dst_v[b]], ssem[b], add=True)

        def scatter_wait(b):
            pltpu.make_async_copy(rows_v[b], acc.at[dst_v[b]],
                                  ssem[b]).wait()

        src_start(0, 0)
        dst_start(0, 0)
        src_start(1, 1)
        src_wait(0)
        gather_start(0)

        def half(i, b):
            nb = 1 - b

            @pl.when(i >= 1)
            def _():
                scatter_wait(nb)

            @pl.when(i + 1 < CH)
            def _():
                src_wait(nb)
                dst_start(i + 1, nb)
                gather_start(nb)

            gather_wait(b)
            dst_wait(b)
            scatter_start(b)

            @pl.when(i + 2 < CH)
            def _():
                src_start(i + 2, b)

        def step(g, carry):
            half(2 * g, 0)
            half(2 * g + 1, 1)
            return carry

        lax.fori_loop(0, CH // 2, step, 0)
        scatter_wait(1)

        plsc.subcore_barrier()
        pltpu.sync_copy(acc.at[pl.ds(r0, RPS), :],
                        agg_out.at[cid, pl.ds(r0, RPS), :])
        if with_deg:
            pltpu.sync_copy(degtile, degsh.at[iota_v], add=True)
            plsc.subcore_barrier()

            @pl.when(sid < DR // 8)
            def _():
                pltpu.sync_copy(
                    degsh.at[pl.ds(sid * 8, 8), :],
                    deg_out.at[pl.ds(cid * DR + sid * 8, 8), :])

    k = pl.kernel(body, out_type=out_type, mesh=mesh, compiler_params=params,
                  scratch_types=scratch, name=f"sc_agg_{D}_{int(with_deg)}")
    if with_deg:
        return k
    return lambda *a: k(*a)[0]


def _mm2_body(x_ref, wa_ref, wb_ref, oa_ref, ob_ref):
    x = x_ref[...]
    oa_ref[...] = jnp.dot(x, wa_ref[...], preferred_element_type=_f32)
    ob_ref[...] = jnp.dot(x, wb_ref[...], preferred_element_type=_f32)


def _dual_matmul(x, wa, wb):
    h = wa.shape[1]
    return pl.pallas_call(
        _mm2_body,
        out_shape=[jax.ShapeDtypeStruct((x.shape[0], h), _f32)] * 2,
    )(x, wa, wb)


def _combine_first_body(xs_ref, agg_ref, deg_ref, g_ref, b_ref, ws_ref,
                        wn_ref, oxs_ref, oxn_ref, ordeg_ref):
    rdeg = 1.0 / jnp.maximum(deg_ref[...], 1.0)
    _combine_common(xs_ref, agg_ref, rdeg, g_ref, b_ref, ws_ref, wn_ref,
                    oxs_ref, oxn_ref)
    ordeg_ref[...] = rdeg


def _combine_next_body(xs_ref, agg_ref, rdeg_ref, g_ref, b_ref, ws_ref,
                       wn_ref, oxs_ref, oxn_ref):
    _combine_common(xs_ref, agg_ref, rdeg_ref[...], g_ref, b_ref, ws_ref,
                    wn_ref, oxs_ref, oxn_ref)


def _combine_common(xs_ref, agg_ref, rdeg, g_ref, b_ref, ws_ref, wn_ref,
                    oxs_ref, oxn_ref):
    h = xs_ref[...] + (agg_ref[0] + agg_ref[1]) * rdeg
    mu = jnp.mean(h, axis=0, keepdims=True)
    var = jnp.mean((h - mu) ** 2, axis=0, keepdims=True)
    h = (h - mu) * lax.rsqrt(var + EPS) * g_ref[...] + b_ref[...]
    h = jnp.maximum(h, 0.0)
    oxs_ref[...] = jnp.dot(h, ws_ref[...], preferred_element_type=_f32)
    oxn_ref[...] = jnp.dot(h, wn_ref[...], preferred_element_type=_f32)


def _final_body(xs_ref, agg_ref, rdeg_ref, bias_ref, o_ref):
    o_ref[...] = (xs_ref[...] + (agg_ref[0] + agg_ref[1]) * rdeg_ref[...]
                  + bias_ref[...])


def kernel(feat, edge_index, W_self_0, W_neigh_0, W_self_1, W_neigh_1,
           W_self_2, W_neigh_2, bias_2, bn_g_0, bn_b_0, bn_g_1, bn_b_1):
    src = edge_index[0]
    dst = edge_index[1]
    pad = E_PAD - E
    src_p = jnp.concatenate([src, jnp.zeros((pad,), jnp.int32)])
    dst_pad = N + (jnp.arange(pad, dtype=jnp.int32) % (N_PAD - N))
    dst_p = jnp.concatenate([dst, dst_pad])
    src3 = src_p.reshape(NW, CH, C)
    dst3 = dst_p.reshape(NW, CH, C)
    zeros128 = jnp.zeros((N_PAD, HID), _f32)
    iota80 = jnp.arange(N_PAD // C, dtype=jnp.int32)
    ws2p = jnp.zeros((HID, OUTP), _f32).at[:, :OUT].set(W_self_2)
    wn2p = jnp.zeros((HID, OUTP), _f32).at[:, :OUT].set(W_neigh_2)
    bias2p = jnp.zeros((1, OUTP), _f32).at[0, :OUT].set(bias_2)
    g0 = bn_g_0.reshape(1, HID)
    b0 = bn_b_0.reshape(1, HID)
    g1 = bn_g_1.reshape(1, HID)
    b1 = bn_b_1.reshape(1, HID)

    _sc_agg_deg = _make_sc_agg(HID, True)
    _sc_agg128 = _make_sc_agg(HID, False)
    _sc_agg64 = _make_sc_agg(OUTP, False)

    xs0, xn0 = _dual_matmul(feat, W_self_0, W_neigh_0)
    agg0p, deg2d = _sc_agg_deg(xn0, src3, dst3, zeros128, iota80)
    deg_col = deg2d[:N_PAD // C].reshape(N_PAD)[:N, None]
    xs1, xn1, rdeg = pl.pallas_call(
        _combine_first_body,
        out_shape=[jax.ShapeDtypeStruct((N, HID), _f32),
                   jax.ShapeDtypeStruct((N, HID), _f32),
                   jax.ShapeDtypeStruct((N, 1), _f32)],
    )(xs0, agg0p[:, :N], deg_col, g0, b0, W_self_1, W_neigh_1)

    agg1p = _sc_agg128(xn1, src3, dst3, zeros128)
    xs2, xn2 = pl.pallas_call(
        _combine_next_body,
        out_shape=[jax.ShapeDtypeStruct((N, OUTP), _f32)] * 2,
    )(xs1, agg1p[:, :N], rdeg, g1, b1, ws2p, wn2p)

    agg2p = _sc_agg64(xn2, src3, dst3, zeros128)
    out = pl.pallas_call(
        _final_body,
        out_shape=jax.ShapeDtypeStruct((N, OUTP), _f32),
    )(xs2, agg2p[:, :N], rdeg, bias2p)
    return out[:, :OUT]

# --- scband reference (transcript-rebuilt; emitter-appended) ---
"""Pipeline reference for scband-sage-12695923327564 (READ-ONLY COPY).

The authoritative reference and input builder live on the scoring server;
editing this copy changes nothing except your own understanding.
"""

import jax, jax.numpy as jnp
import numpy as np

N = 10000
E = 320000
IN_DIM = 128
HID = 128
OUT = 40
EPS = 1e-5


def setup_inputs(seed: int = 0) -> dict:
    key = jax.random.key(seed)
    ks = jax.random.split(key, 16)
    feat = jax.random.normal(ks[0], (N, IN_DIM), dtype=jnp.float32)
    edge_index = jax.random.randint(ks[1], (2, E), 0, N, dtype=jnp.int32)
    s = 0.05
    return {
        "feat": feat,
        "edge_index": edge_index,
        "W_self_0": jax.random.normal(ks[2], (IN_DIM, HID), dtype=jnp.float32) * s,
        "W_neigh_0": jax.random.normal(ks[3], (IN_DIM, HID), dtype=jnp.float32) * s,
        "W_self_1": jax.random.normal(ks[4], (HID, HID), dtype=jnp.float32) * s,
        "W_neigh_1": jax.random.normal(ks[5], (HID, HID), dtype=jnp.float32) * s,
        "W_self_2": jax.random.normal(ks[6], (HID, OUT), dtype=jnp.float32) * s,
        "W_neigh_2": jax.random.normal(ks[7], (HID, OUT), dtype=jnp.float32) * s,
        "bias_2": jnp.zeros((OUT,), dtype=jnp.float32),
        "bn_g_0": jnp.ones((HID,), dtype=jnp.float32),
        "bn_b_0": jnp.zeros((HID,), dtype=jnp.float32),
        "bn_g_1": jnp.ones((HID,), dtype=jnp.float32),
        "bn_b_1": jnp.zeros((HID,), dtype=jnp.float32),
    }


def _sage_conv(x, src, dst, W_self, W_neigh, bias=None):
    # DGL SAGEConv 'mean': rst = x @ W_self + mean_neigh(x) @ W_neigh (+ bias)
    msg = jnp.take(x, src, axis=0)                       # gather over edges
    agg = jax.ops.segment_sum(msg, dst, num_segments=N)  # scatter-add
    deg = jax.ops.segment_sum(jnp.ones((src.shape[0], 1), x.dtype), dst, num_segments=N)
    mean = agg / jnp.maximum(deg, 1.0)
    h = x @ W_self + mean @ W_neigh
    if bias is not None:
        h = h + bias
    return h


def _batchnorm(h, g, b):
    mu = jnp.mean(h, axis=0)
    var = jnp.var(h, axis=0)
    return (h - mu) / jnp.sqrt(var + EPS) * g + b


def reference(feat, edge_index, W_self_0, W_neigh_0, W_self_1, W_neigh_1,
              W_self_2, W_neigh_2, bias_2, bn_g_0, bn_b_0, bn_g_1, bn_b_1):
    src = edge_index[0]
    dst = edge_index[1]
    # dropout layers are identity in eval mode
    h = _sage_conv(feat, src, dst, W_self_0, W_neigh_0)
    h = _batchnorm(h, bn_g_0, bn_b_0)
    h = jax.nn.relu(h)
    h = _sage_conv(h, src, dst, W_self_1, W_neigh_1)
    h = _batchnorm(h, bn_g_1, bn_b_1)
    h = jax.nn.relu(h)
    h = _sage_conv(h, src, dst, W_self_2, W_neigh_2, bias_2)
    return h

if __name__ == "__main__":
    import jax
    _d = setup_inputs()
    print(jax.jit(kernel)(*tuple(_d.values())))

</pallas_src>

<mosaic_0001>
#map = affine_map<(d0, d1) -> (0, 0)>
#map1 = affine_map<(d0, d1) -> (0, 0, 0)>
module attributes {stable_mosaic.version = 14 : i64} {
  func.func @sc_agg_128_0(%arg0: i32, %arg1: i32, %arg2: memref<10000x128xf32, #tpu.memory_space<hbm>>, %arg3: memref<32x80x128xi32, #tpu.memory_space<hbm>>, %arg4: memref<32x80x128xi32, #tpu.memory_space<hbm>>, %arg5: memref<10240x128xf32, #tpu.memory_space<hbm>>, %arg6: memref<2x10240x128xf32, #tpu.memory_space<hbm>>, %arg7: memref<128xi32, #tpu.memory_space<vmem>>, %arg8: memref<128xi32, #tpu.memory_space<vmem>>, %arg9: memref<128xi32, #tpu.memory_space<vmem>>, %arg10: memref<128xi32, #tpu.memory_space<vmem>>, %arg11: memref<128x128xf32, #tpu.memory_space<vmem>>, %arg12: memref<128x128xf32, #tpu.memory_space<vmem>>, %arg13: memref<10240x128xf32, #tpu.memory_space<vmem_shared>>, %arg14: memref<!tpu.dma_semaphore, #tpu.memory_space<semaphore_mem>>, %arg15: memref<!tpu.dma_semaphore, #tpu.memory_space<semaphore_mem>>, %arg16: memref<!tpu.dma_semaphore, #tpu.memory_space<semaphore_mem>>, %arg17: memref<!tpu.dma_semaphore, #tpu.memory_space<semaphore_mem>>, %arg18: memref<!tpu.dma_semaphore, #tpu.memory_space<semaphore_mem>>, %arg19: memref<!tpu.dma_semaphore, #tpu.memory_space<semaphore_mem>>, %arg20: memref<!tpu.dma_semaphore, #tpu.memory_space<semaphore_mem>>, %arg21: memref<!tpu.dma_semaphore, #tpu.memory_space<semaphore_mem>>) attributes {dimension_semantics = [#tpu.dimension_semantics<core_parallel>, #tpu.dimension_semantics<subcore_parallel>], iteration_bounds = array<i64: 2, 16>, scalar_prefetch = 0 : i64, scratch_operands = 15 : i64, tpu.core_type = #tpu.core_type<sc_vector_subcore>, window_params = [{transform_indices = #map}, {transform_indices = #map1}, {transform_indices = #map1}, {transform_indices = #map}, {transform_indices = #map1}]} {
    %mul3A = arith.constant 2 : i32
    %mul3A_0 = arith.muli %arg1, %mul3A : i32
    %add3A = arith.addi %mul3A_0, %arg0 : i32
    %mul3A_1 = arith.constant 2 : i32
    %mul3A_2 = arith.muli %arg1, %mul3A_1 : i32
    %sub3A = arith.constant 1 : i32
    %sub3A_3 = arith.subi %sub3A, %arg0 : i32
    %add3A_4 = arith.addi %mul3A_2, %sub3A_3 : i32
    %mul3A_5 = arith.constant 640 : i32
    %mul3A_6 = arith.muli %arg1, %mul3A_5 : i32
    %multiple_of3A = tpu.assume_multiple %mul3A_6, 8 : i32
    "tpu.region"() ({
      %run_scoped3A = tpu.sem_alloc : memref<!tpu.dma_semaphore, #tpu.memory_space<semaphore_mem>>
      %dma_start3A_47 = arith.constant 0 : i32
      %dma_start3A_48 = tpu.memref_slice %arg13[%multiple_of3A, %dma_start3A_47] : memref<10240x128xf32, #tpu.memory_space<vmem_shared>> -> memref<640x128xf32, #tpu.memory_space<vmem_shared>>
      %dma_start3A_49 = arith.constant 0 : i32
      %dma_start3A_50 = tpu.memref_slice %arg5[%multiple_of3A, %dma_start3A_49] : memref<10240x128xf32, #tpu.memory_space<hbm>> -> memref<640x128xf32, #tpu.memory_space<hbm>>
      tpu.enqueue_dma source(%dma_start3A_50 : memref<640x128xf32, #tpu.memory_space<hbm>>) target(%dma_start3A_48 : memref<640x128xf32, #tpu.memory_space<vmem_shared>>) target_semaphore(%run_scoped3A : memref<!tpu.dma_semaphore, #tpu.memory_space<semaphore_mem>>)
      %dma_wait3A_51 = arith.constant 0 : i32
      %dma_wait3A_52 = tpu.memref_slice %arg13[%multiple_of3A, %dma_wait3A_51] : memref<10240x128xf32, #tpu.memory_space<vmem_shared>> -> memref<640x128xf32, #tpu.memory_space<vmem_shared>>
      %dma_wait3A_53 = arith.constant 0 : i32
      %dma_wait3A_54 = tpu.memref_slice %arg5[%multiple_of3A, %dma_wait3A_53] : memref<10240x128xf32, #tpu.memory_space<hbm>> -> memref<640x128xf32, #tpu.memory_space<hbm>>
      tpu.wait_dma2 semaphore(%run_scoped3A : memref<!tpu.dma_semaphore, #tpu.memory_space<semaphore_mem>>) src(%dma_wait3A_54 : memref<640x128xf32, #tpu.memory_space<hbm>>) dst(%dma_wait3A_52 : memref<640x128xf32, #tpu.memory_space<vmem_shared>>)
      tpu.yield
    }) : () -> ()
    %barrier3A = arith.constant 0 : index
    tpu.barrier barrier_id(%barrier3A)
    %broadcast_in_dim3A = arith.constant 1.000000e+00 : f32
    %broadcast_in_dim3A_7 = vector.broadcast %broadcast_in_dim3A : f32 to vector<16xf32>
    %dma_start3A = arith.constant 0 : i32
    %dma_start3A_8 = arith.constant 0 : i32
    %dma_start3A_9 = tpu.memref_slice %arg3[%add3A, %dma_start3A, %dma_start3A_8] : memref<32x80x128xi32, #tpu.memory_space<hbm>> -> memref<1x1x128xi32, #tpu.memory_space<hbm>>
    %dma_start3A_10 = tpu.memref_squeeze %dma_start3A_9 : memref<1x1x128xi32, #tpu.memory_space<hbm>> -> memref<128xi32, #tpu.memory_space<hbm>>
    %dma_start3A_11 = arith.constant 0 : i32
    %dma_start3A_12 = tpu.memref_slice %arg3[%add3A, %dma_start3A, %dma_start3A_11] : memref<32x80x128xi32, #tpu.memory_space<hbm>> -> memref<1x1x128xi32, #tpu.memory_space<hbm>>
    %dma_start3A_13 = tpu.memref_squeeze %dma_start3A_12 : memref<1x1x128xi32, #tpu.memory_space<hbm>> -> memref<128xi32, #tpu.memory_space<hbm>>
    tpu.enqueue_dma source(%dma_start3A_13 : memref<128xi32, #tpu.memory_space<hbm>>) target(%arg7 : memref<128xi32, #tpu.memory_space<vmem>>) target_semaphore(%arg14 : memref<!tpu.dma_semaphore, #tpu.memory_space<semaphore_mem>>)
    %dma_start3A_14 = arith.constant 0 : i32
    %dma_start3A_15 = arith.constant 0 : i32
    %dma_start3A_16 = tpu.memref_slice %arg4[%add3A, %dma_start3A_14, %dma_start3A_15] : memref<32x80x128xi32, #tpu.memory_space<hbm>> -> memref<1x1x128xi32, #tpu.memory_space<hbm>>
    %dma_start3A_17 = tpu.memref_squeeze %dma_start3A_16 : memref<1x1x128xi32, #tpu.memory_space<hbm>> -> memref<128xi32, #tpu.memory_space<hbm>>
    %dma_start3A_18 = arith.constant 0 : i32
    %dma_start3A_19 = tpu.memref_slice %arg4[%add3A, %dma_start3A_14, %dma_start3A_18] : memref<32x80x128xi32, #tpu.memory_space<hbm>> -> memref<1x1x128xi32, #tpu.memory_space<hbm>>
    %dma_start3A_20 = tpu.memref_squeeze %dma_start3A_19 : memref<1x1x128xi32, #tpu.memory_space<hbm>> -> memref<128xi32, #tpu.memory_space<hbm>>
    tpu.enqueue_dma source(%dma_start3A_20 : memref<128xi32, #tpu.memory_space<hbm>>) target(%arg9 : memref<128xi32, #tpu.memory_space<vmem>>) target_semaphore(%arg16 : memref<!tpu.dma_semaphore, #tpu.memory_space<semaphore_mem>>)
    %dma_start3A_21 = arith.constant 1 : i32
    %dma_start3A_22 = arith.constant 0 : i32
    %dma_start3A_23 = tpu.memref_slice %arg3[%add3A, %dma_start3A_21, %dma_start3A_22] : memref<32x80x128xi32, #tpu.memory_space<hbm>> -> memref<1x1x128xi32, #tpu.memory_space<hbm>>
    %dma_start3A_24 = tpu.memref_squeeze %dma_start3A_23 : memref<1x1x128xi32, #tpu.memory_space<hbm>> -> memref<128xi32, #tpu.memory_space<hbm>>
    %dma_start3A_25 = arith.constant 0 : i32
    %dma_start3A_26 = tpu.memref_slice %arg3[%add3A, %dma_start3A_21, %dma_start3A_25] : memref<32x80x128xi32, #tpu.memory_space<hbm>> -> memref<1x1x128xi32, #tpu.memory_space<hbm>>
    %dma_start3A_27 = tpu.memref_squeeze %dma_start3A_26 : memref<1x1x128xi32, #tpu.memory_space<hbm>> -> memref<128xi32, #tpu.memory_space<hbm>>
    tpu.enqueue_dma source(%dma_start3A_27 : memref<128xi32, #tpu.memory_space<hbm>>) target(%arg8 : memref<128xi32, #tpu.memory_space<vmem>>) target_semaphore(%arg15 : memref<!tpu.dma_semaphore, #tpu.memory_space<semaphore_mem>>)
    %dma_wait3A = arith.constant 0 : i32
    %dma_wait3A_28 = arith.constant 0 : i32
    %dma_wait3A_29 = arith.constant 0 : i32
    %dma_wait3A_30 = tpu.memref_slice %arg3[%dma_wait3A, %dma_wait3A_28, %dma_wait3A_29] : memref<32x80x128xi32, #tpu.memory_space<hbm>> -> memref<1x1x128xi32, #tpu.memory_space<hbm>>
    %dma_wait3A_31 = tpu.memref_squeeze %dma_wait3A_30 : memref<1x1x128xi32, #tpu.memory_space<hbm>> -> memref<128xi32, #tpu.memory_space<hbm>>
    %dma_wait3A_32 = arith.constant 0 : i32
    %dma_wait3A_33 = tpu.memref_slice %arg3[%dma_wait3A, %dma_wait3A_28, %dma_wait3A_32] : memref<32x80x128xi32, #tpu.memory_space<hbm>> -> memref<1x1x128xi32, #tpu.memory_space<hbm>>
    %dma_wait3A_34 = tpu.memref_squeeze %dma_wait3A_33 : memref<1x1x128xi32, #tpu.memory_space<hbm>> -> memref<128xi32, #tpu.memory_space<hbm>>
    tpu.wait_dma2 semaphore(%arg14 : memref<!tpu.dma_semaphore, #tpu.memory_space<semaphore_mem>>) src(%dma_wait3A_34 : memref<128xi32, #tpu.memory_space<hbm>>) dst(%arg7 : memref<128xi32, #tpu.memory_space<vmem>>)
    %dma_start3A_35 = arith.constant 0 : i32
    %dma_start3A_36 = arith.constant 0 : i32
    %dma_start3A_37 = tpu.memref_slice %arg2[%dma_start3A_35, %dma_start3A_36] : memref<10000x128xf32, #tpu.memory_space<hbm>> -> memref<10000x128xf32, #tpu.memory_space<hbm>>
    tpu.enqueue_indirect_dma source(%dma_start3A_37 : memref<10000x128xf32, #tpu.memory_space<hbm>>) target(%arg11 : memref<128x128xf32, #tpu.memory_space<vmem>>) offsets(%arg7 : memref<128xi32, #tpu.memory_space<vmem>>) semaphore(%arg18 : memref<!tpu.dma_semaphore, #tpu.memory_space<semaphore_mem>>)
    %scan3A = arith.constant 0 : i32
    %scan3A_38 = arith.constant 0 : i32
    %scan3A_39 = arith.constant 40 : i32
    %scan3A_40 = arith.addi %scan3A_38, %scan3A_39 : i32
    %scan3A_41 = arith.constant 1 : i32
    scf.for %scan3A_47 = %scan3A_38 to %scan3A_40 step %scan3A_41  : i32 {
      %mul3A_48 = arith.constant 2 : i32
      %mul3A_49 = arith.muli %mul3A_48, %scan3A_47 : i32
      %ge3A = arith.constant 1 : i32
      %ge3A_50 = arith.cmpi sge, %mul3A_49, %ge3A : i32
      %convert_element_type3A = arith.extui %ge3A_50 : i1 to i32
      %cond3A = arith.constant 0 : i32
      %cond3A_51 = arith.cmpi ne, %convert_element_type3A, %cond3A : i32
      scf.if %cond3A_51 {
        %dma_wait3A_116 = arith.constant 0 : i32
        %dma_wait3A_117 = arith.constant 0 : i32
        %dma_wait3A_118 = tpu.memref_slice %arg13[%dma_wait3A_116, %dma_wait3A_117] : memref<10240x128xf32, #tpu.memory_space<vmem_shared>> -> memref<10240x128xf32, #tpu.memory_space<vmem_shared>>
        tpu.wait_indirect_dma semaphore(%arg21 : memref<!tpu.dma_semaphore, #tpu.memory_space<semaphore_mem>>) src(%arg12 : memref<128x128xf32, #tpu.memory_space<vmem>>) dst(%dma_wait3A_118 : memref<10240x128xf32, #tpu.memory_space<vmem_shared>>)
      } else {
      }
      %add3A_52 = arith.constant 1 : i32
      %add3A_53 = arith.addi %mul3A_49, %add3A_52 : i32
      %lt3A = arith.constant 80 : i32
      %lt3A_54 = arith.cmpi slt, %add3A_53, %lt3A : i32
      %convert_element_type3A_55 = arith.extui %lt3A_54 : i1 to i32
      %cond3A_56 = arith.constant 0 : i32
      %cond3A_57 = arith.cmpi ne, %convert_element_type3A_55, %cond3A_56 : i32
      scf.if %cond3A_57 {
        %dma_wait3A_116 = arith.constant 0 : i32
        %dma_wait3A_117 = arith.constant 0 : i32
        %dma_wait3A_118 = arith.constant 0 : i32
        %dma_wait3A_119 = tpu.memref_slice %arg3[%dma_wait3A_116, %dma_wait3A_117, %dma_wait3A_118] : memref<32x80x128xi32, #tpu.memory_space<hbm>> -> memref<1x1x128xi32, #tpu.memory_space<hbm>>
        %dma_wait3A_120 = tpu.memref_squeeze %dma_wait3A_119 : memref<1x1x128xi32, #tpu.memory_space<hbm>> -> memref<128xi32, #tpu.memory_space<hbm>>
        %dma_wait3A_121 = arith.constant 0 : i32
        %dma_wait3A_122 = tpu.memref_slice %arg3[%dma_wait3A_116, %dma_wait3A_117, %dma_wait3A_121] : memref<32x80x128xi32, #tpu.memory_space<hbm>> -> memref<1x1x128xi32, #tpu.memory_space<hbm>>
        %dma_wait3A_123 = tpu.memref_squeeze %dma_wait3A_122 : memref<1x1x128xi32, #tpu.memory_space<hbm>> -> memref<128xi32, #tpu.memory_space<hbm>>
        tpu.wait_dma2 semaphore(%arg15 : memref<!tpu.dma_semaphore, #tpu.memory_space<semaphore_mem>>) src(%dma_wait3A_123 : memref<128xi32, #tpu.memory_space<hbm>>) dst(%arg8 : memref<128xi32, #tpu.memory_space<vmem>>)
        %add3A_124 = arith.constant 1 : i32
        %add3A_125 = arith.addi %mul3A_49, %add3A_124 : i32
        %dma_start3A_126 = arith.constant 0 : i32
        %dma_start3A_127 = tpu.memref_slice %arg4[%add3A, %add3A_125, %dma_start3A_126] : memref<32x80x128xi32, #tpu.memory_space<hbm>> -> memref<1x1x128xi32, #tpu.memory_space<hbm>>
        %dma_start3A_128 = tpu.memref_squeeze %dma_start3A_127 : memref<1x1x128xi32, #tpu.memory_space<hbm>> -> memref<128xi32, #tpu.memory_space<hbm>>
        %dma_start3A_129 = arith.constant 0 : i32
        %dma_start3A_130 = tpu.memref_slice %arg4[%add3A, %add3A_125, %dma_start3A_129] : memref<32x80x128xi32, #tpu.memory_space<hbm>> -> memref<1x1x128xi32, #tpu.memory_space<hbm>>
        %dma_start3A_131 = tpu.memref_squeeze %dma_start3A_130 : memref<1x1x128xi32, #tpu.memory_space<hbm>> -> memref<128xi32, #tpu.memory_space<hbm>>
        tpu.enqueue_dma source(%dma_start3A_131 : memref<128xi32, #tpu.memory_space<hbm>>) target(%arg10 : memref<128xi32, #tpu.memory_space<vmem>>) target_semaphore(%arg17 : memref<!tpu.dma_semaphore, #tpu.memory_space<semaphore_mem>>)
        %dma_start3A_132 = arith.constant 0 : i32
        %dma_start3A_133 = arith.constant 0 : i32
        %dma_start3A_134 = tpu.memref_slice %arg2[%dma_start3A_132, %dma_start3A_133] : memref<10000x128xf32, #tpu.memory_space<hbm>> -> memref<10000x128xf32, #tpu.memory_space<hbm>>
        tpu.enqueue_indirect_dma source(%dma_start3A_134 : memref<10000x128xf32, #tpu.memory_space<hbm>>) target(%arg12 : memref<128x128xf32, #tpu.memory_space<vmem>>) offsets(%arg8 : memref<128xi32, #tpu.memory_space<vmem>>) semaphore(%arg19 : memref<!tpu.dma_semaphore, #tpu.memory_space<semaphore_mem>>)
      } else {
      }
      %dma_wait3A_58 = arith.constant 0 : i32
      %dma_wait3A_59 = arith.constant 0 : i32
      %dma_wait3A_60 = tpu.memref_slice %arg2[%dma_wait3A_58, %dma_wait3A_59] : memref<10000x128xf32, #tpu.memory_space<hbm>> -> memref<10000x128xf32, #tpu.memory_space<hbm>>
      tpu.wait_indirect_dma semaphore(%arg18 : memref<!tpu.dma_semaphore, #tpu.memory_space<semaphore_mem>>) src(%dma_wait3A_60 : memref<10000x128xf32, #tpu.memory_space<hbm>>) dst(%arg11 : memref<128x128xf32, #tpu.memory_space<vmem>>)
      %dma_wait3A_61 = arith.constant 0 : i32
      %dma_wait3A_62 = arith.constant 0 : i32
      %dma_wait3A_63 = arith.constant 0 : i32
      %dma_wait3A_64 = tpu.memref_slice %arg4[%dma_wait3A_61, %dma_wait3A_62, %dma_wait3A_63] : memref<32x80x128xi32, #tpu.memory_space<hbm>> -> memref<1x1x128xi32, #tpu.memory_space<hbm>>
      %dma_wait3A_65 = tpu.memref_squeeze %dma_wait3A_64 : memref<1x1x128xi32, #tpu.memory_space<hbm>> -> memref<128xi32, #tpu.memory_space<hbm>>
      %dma_wait3A_66 = arith.constant 0 : i32
      %dma_wait3A_67 = tpu.memref_slice %arg4[%dma_wait3A_61, %dma_wait3A_62, %dma_wait3A_66] : memref<32x80x128xi32, #tpu.memory_space<hbm>> -> memref<1x1x128xi32, #tpu.memory_space<hbm>>
      %dma_wait3A_68 = tpu.memref_squeeze %dma_wait3A_67 : memref<1x1x128xi32, #tpu.memory_space<hbm>> -> memref<128xi32, #tpu.memory_space<hbm>>
      tpu.wait_dma2 semaphore(%arg16 : memref<!tpu.dma_semaphore, #tpu.memory_space<semaphore_mem>>) src(%dma_wait3A_68 : memref<128xi32, #tpu.memory_space<hbm>>) dst(%arg9 : memref<128xi32, #tpu.memory_space<vmem>>)
      %dma_start3A_69 = arith.constant 0 : i32
      %dma_start3A_70 = arith.constant 0 : i32
      %dma_start3A_71 = tpu.memref_slice %arg13[%dma_start3A_69, %dma_start3A_70] : memref<10240x128xf32, #tpu.memory_space<vmem_shared>> -> memref<10240x128xf32, #tpu.memory_space<vmem_shared>>
      tpu.enqueue_indirect_dma source(%arg11 : memref<128x128xf32, #tpu.memory_space<vmem>>) target(%dma_start3A_71 : memref<10240x128xf32, #tpu.memory_space<vmem_shared>>) offsets(%arg9 : memref<128xi32, #tpu.memory_space<vmem>>) semaphore(%arg20 : memref<!tpu.dma_semaphore, #tpu.memory_space<semaphore_mem>>) {add = true}
      %add3A_72 = arith.constant 2 : i32
      %add3A_73 = arith.addi %mul3A_49, %add3A_72 : i32
      %lt3A_74 = arith.constant 80 : i32
      %lt3A_75 = arith.cmpi slt, %add3A_73, %lt3A_74 : i32
      %convert_element_type3A_76 = arith.extui %lt3A_75 : i1 to i32
      %cond3A_77 = arith.constant 0 : i32
      %cond3A_78 = arith.cmpi ne, %convert_element_type3A_76, %cond3A_77 : i32
      scf.if %cond3A_78 {
        %add3A_116 = arith.constant 2 : i32
        %add3A_117 = arith.addi %mul3A_49, %add3A_116 : i32
        %dma_start3A_118 = arith.constant 0 : i32
        %dma_start3A_119 = tpu.memref_slice %arg3[%add3A, %add3A_117, %dma_start3A_118] : memref<32x80x128xi32, #tpu.memory_space<hbm>> -> memref<1x1x128xi32, #tpu.memory_space<hbm>>
        %dma_start3A_120 = tpu.memref_squeeze %dma_start3A_119 : memref<1x1x128xi32, #tpu.memory_space<hbm>> -> memref<128xi32, #tpu.memory_space<hbm>>
        %dma_start3A_121 = arith.constant 0 : i32
        %dma_start3A_122 = tpu.memref_slice %arg3[%add3A, %add3A_117, %dma_start3A_121] : memref<32x80x128xi32, #tpu.memory_space<hbm>> -> memref<1x1x128xi32, #tpu.memory_space<hbm>>
        %dma_start3A_123 = tpu.memref_squeeze %dma_start3A_122 : memref<1x1x128xi32, #tpu.memory_space<hbm>> -> memref<128xi32, #tpu.memory_space<hbm>>
        tpu.enqueue_dma source(%dma_start3A_123 : memref<128xi32, #tpu.memory_space<hbm>>) target(%arg7 : memref<128xi32, #tpu.memory_space<vmem>>) target_semaphore(%arg14 : memref<!tpu.dma_semaphore, #tpu.memory_space<semaphore_mem>>)
      } else {
      }
      %mul3A_79 = arith.constant 2 : i32
      %mul3A_80 = arith.muli %mul3A_79, %scan3A_47 : i32
      %add3A_81 = arith.constant 1 : i32
      %add3A_82 = arith.addi %mul3A_80, %add3A_81 : i32
      %ge3A_83 = arith.constant 1 : i32
      %ge3A_84 = arith.cmpi sge, %add3A_82, %ge3A_83 : i32
      %convert_element_type3A_85 = arith.extui %ge3A_84 : i1 to i32
      %cond3A_86 = arith.constant 0 : i32
      %cond3A_87 = arith.cmpi ne, %convert_element_type3A_85, %cond3A_86 : i32
      scf.if %cond3A_87 {
        %dma_wait3A_116 = arith.constant 0 : i32
        %dma_wait3A_117 = arith.constant 0 : i32
        %dma_wait3A_118 = tpu.memref_slice %arg13[%dma_wait3A_116, %dma_wait3A_117] : memref<10240x128xf32, #tpu.memory_space<vmem_shared>> -> memref<10240x128xf32, #tpu.memory_space<vmem_shared>>
        tpu.wait_indirect_dma semaphore(%arg20 : memref<!tpu.dma_semaphore, #tpu.memory_space<semaphore_mem>>) src(%arg11 : memref<128x128xf32, #tpu.memory_space<vmem>>) dst(%dma_wait3A_118 : memref<10240x128xf32, #tpu.memory_space<vmem_shared>>)
      } else {
      }
      %add3A_88 = arith.constant 1 : i32
      %add3A_89 = arith.addi %add3A_82, %add3A_88 : i32
      %lt3A_90 = arith.constant 80 : i32
      %lt3A_91 = arith.cmpi slt, %add3A_89, %lt3A_90 : i32
      %convert_element_type3A_92 = arith.extui %lt3A_91 : i1 to i32
      %cond3A_93 = arith.constant 0 : i32
      %cond3A_94 = arith.cmpi ne, %convert_element_type3A_92, %cond3A_93 : i32
      scf.if %cond3A_94 {
        %dma_wait3A_116 = arith.constant 0 : i32
        %dma_wait3A_117 = arith.constant 0 : i32
        %dma_wait3A_118 = arith.constant 0 : i32
        %dma_wait3A_119 = tpu.memref_slice %arg3[%dma_wait3A_116, %dma_wait3A_117, %dma_wait3A_118] : memref<32x80x128xi32, #tpu.memory_space<hbm>> -> memref<1x1x128xi32, #tpu.memory_space<hbm>>
        %dma_wait3A_120 = tpu.memref_squeeze %dma_wait3A_119 : memref<1x1x128xi32, #tpu.memory_space<hbm>> -> memref<128xi32, #tpu.memory_space<hbm>>
        %dma_wait3A_121 = arith.constant 0 : i32
        %dma_wait3A_122 = tpu.memref_slice %arg3[%dma_wait3A_116, %dma_wait3A_117, %dma_wait3A_121] : memref<32x80x128xi32, #tpu.memory_space<hbm>> -> memref<1x1x128xi32, #tpu.memory_space<hbm>>
        %dma_wait3A_123 = tpu.memref_squeeze %dma_wait3A_122 : memref<1x1x128xi32, #tpu.memory_space<hbm>> -> memref<128xi32, #tpu.memory_space<hbm>>
        tpu.wait_dma2 semaphore(%arg14 : memref<!tpu.dma_semaphore, #tpu.memory_space<semaphore_mem>>) src(%dma_wait3A_123 : memref<128xi32, #tpu.memory_space<hbm>>) dst(%arg7 : memref<128xi32, #tpu.memory_space<vmem>>)
        %add3A_124 = arith.constant 1 : i32
        %add3A_125 = arith.addi %add3A_82, %add3A_124 : i32
        %dma_start3A_126 = arith.constant 0 : i32
        %dma_start3A_127 = tpu.memref_slice %arg4[%add3A, %add3A_125, %dma_start3A_126] : memref<32x80x128xi32, #tpu.memory_space<hbm>> -> memref<1x1x128xi32, #tpu.memory_space<hbm>>
        %dma_start3A_128 = tpu.memref_squeeze %dma_start3A_127 : memref<1x1x128xi32, #tpu.memory_space<hbm>> -> memref<128xi32, #tpu.memory_space<hbm>>
        %dma_start3A_129 = arith.constant 0 : i32
        %dma_start3A_130 = tpu.memref_slice %arg4[%add3A, %add3A_125, %dma_start3A_129] : memref<32x80x128xi32, #tpu.memory_space<hbm>> -> memref<1x1x128xi32, #tpu.memory_space<hbm>>
        %dma_start3A_131 = tpu.memref_squeeze %dma_start3A_130 : memref<1x1x128xi32, #tpu.memory_space<hbm>> -> memref<128xi32, #tpu.memory_space<hbm>>
        tpu.enqueue_dma source(%dma_start3A_131 : memref<128xi32, #tpu.memory_space<hbm>>) target(%arg9 : memref<128xi32, #tpu.memory_space<vmem>>) target_semaphore(%arg16 : memref<!tpu.dma_semaphore, #tpu.memory_space<semaphore_mem>>)
        %dma_start3A_132 = arith.constant 0 : i32
        %dma_start3A_133 = arith.constant 0 : i32
        %dma_start3A_134 = tpu.memref_slice %arg2[%dma_start3A_132, %dma_start3A_133] : memref<10000x128xf32, #tpu.memory_space<hbm>> -> memref<10000x128xf32, #tpu.memory_space<hbm>>
        tpu.enqueue_indirect_dma source(%dma_start3A_134 : memref<10000x128xf32, #tpu.memory_space<hbm>>) target(%arg11 : memref<128x128xf32, #tpu.memory_space<vmem>>) offsets(%arg7 : memref<128xi32, #tpu.memory_space<vmem>>) semaphore(%arg18 : memref<!tpu.dma_semaphore, #tpu.memory_space<semaphore_mem>>)
      } else {
      }
      %dma_wait3A_95 = arith.constant 0 : i32
      %dma_wait3A_96 = arith.constant 0 : i32
      %dma_wait3A_97 = tpu.memref_slice %arg2[%dma_wait3A_95, %dma_wait3A_96] : memref<10000x128xf32, #tpu.memory_space<hbm>> -> memref<10000x128xf32, #tpu.memory_space<hbm>>
      tpu.wait_indirect_dma semaphore(%arg19 : memref<!tpu.dma_semaphore, #tpu.memory_space<semaphore_mem>>) src(%dma_wait3A_97 : memref<10000x128xf32, #tpu.memory_space<hbm>>) dst(%arg12 : memref<128x128xf32, #tpu.memory_space<vmem>>)
      %dma_wait3A_98 = arith.constant 0 : i32
      %dma_wait3A_99 = arith.constant 0 : i32
      %dma_wait3A_100 = arith.constant 0 : i32
      %dma_wait3A_101 = tpu.memref_slice %arg4[%dma_wait3A_98, %dma_wait3A_99, %dma_wait3A_100] : memref<32x80x128xi32, #tpu.memory_space<hbm>> -> memref<1x1x128xi32, #tpu.memory_space<hbm>>
      %dma_wait3A_102 = tpu.memref_squeeze %dma_wait3A_101 : memref<1x1x128xi32, #tpu.memory_space<hbm>> -> memref<128xi32, #tpu.memory_space<hbm>>
      %dma_wait3A_103 = arith.constant 0 : i32
      %dma_wait3A_104 = tpu.memref_slice %arg4[%dma_wait3A_98, %dma_wait3A_99, %dma_wait3A_103] : memref<32x80x128xi32, #tpu.memory_space<hbm>> -> memref<1x1x128xi32, #tpu.memory_space<hbm>>
      %dma_wait3A_105 = tpu.memref_squeeze %dma_wait3A_104 : memref<1x1x128xi32, #tpu.memory_space<hbm>> -> memref<128xi32, #tpu.memory_space<hbm>>
      tpu.wait_dma2 semaphore(%arg17 : memref<!tpu.dma_semaphore, #tpu.memory_space<semaphore_mem>>) src(%dma_wait3A_105 : memref<128xi32, #tpu.memory_space<hbm>>) dst(%arg10 : memref<128xi32, #tpu.memory_space<vmem>>)
      %dma_start3A_106 = arith.constant 0 : i32
      %dma_start3A_107 = arith.constant 0 : i32
      %dma_start3A_108 = tpu.memref_slice %arg13[%dma_start3A_106, %dma_start3A_107] : memref<10240x128xf32, #tpu.memory_space<vmem_shared>> -> memref<10240x128xf32, #tpu.memory_space<vmem_shared>>
      tpu.enqueue_indirect_dma source(%arg12 : memref<128x128xf32, #tpu.memory_space<vmem>>) target(%dma_start3A_108 : memref<10240x128xf32, #tpu.memory_space<vmem_shared>>) offsets(%arg10 : memref<128xi32, #tpu.memory_space<vmem>>) semaphore(%arg21 : memref<!tpu.dma_semaphore, #tpu.memory_space<semaphore_mem>>) {add = true}
      %add3A_109 = arith.constant 2 : i32
      %add3A_110 = arith.addi %add3A_82, %add3A_109 : i32
      %lt3A_111 = arith.constant 80 : i32
      %lt3A_112 = arith.cmpi slt, %add3A_110, %lt3A_111 : i32
      %convert_element_type3A_113 = arith.extui %lt3A_112 : i1 to i32
      %cond3A_114 = arith.constant 0 : i32
      %cond3A_115 = arith.cmpi ne, %convert_element_type3A_113, %cond3A_114 : i32
      scf.if %cond3A_115 {
        %add3A_116 = arith.constant 2 : i32
        %add3A_117 = arith.addi %add3A_82, %add3A_116 : i32
        %dma_start3A_118 = arith.constant 0 : i32
        %dma_start3A_119 = tpu.memref_slice %arg3[%add3A, %add3A_117, %dma_start3A_118] : memref<32x80x128xi32, #tpu.memory_space<hbm>> -> memref<1x1x128xi32, #tpu.memory_space<hbm>>
        %dma_start3A_120 = tpu.memref_squeeze %dma_start3A_119 : memref<1x1x128xi32, #tpu.memory_space<hbm>> -> memref<128xi32, #tpu.memory_space<hbm>>
        %dma_start3A_121 = arith.constant 0 : i32
        %dma_start3A_122 = tpu.memref_slice %arg3[%add3A, %add3A_117, %dma_start3A_121] : memref<32x80x128xi32, #tpu.memory_space<hbm>> -> memref<1x1x128xi32, #tpu.memory_space<hbm>>
        %dma_start3A_123 = tpu.memref_squeeze %dma_start3A_122 : memref<1x1x128xi32, #tpu.memory_space<hbm>> -> memref<128xi32, #tpu.memory_space<hbm>>
        tpu.enqueue_dma source(%dma_start3A_123 : memref<128xi32, #tpu.memory_space<hbm>>) target(%arg8 : memref<128xi32, #tpu.memory_space<vmem>>) target_semaphore(%arg15 : memref<!tpu.dma_semaphore, #tpu.memory_space<semaphore_mem>>)
      } else {
      }
    }
    %scan3A_42 = arith.constant 40 : i32
    %dma_wait3A_43 = arith.constant 0 : i32
    %dma_wait3A_44 = arith.constant 0 : i32
    %dma_wait3A_45 = tpu.memref_slice %arg13[%dma_wait3A_43, %dma_wait3A_44] : memref<10240x128xf32, #tpu.memory_space<vmem_shared>> -> memref<10240x128xf32, #tpu.memory_space<vmem_shared>>
    tpu.wait_indirect_dma semaphore(%arg21 : memref<!tpu.dma_semaphore, #tpu.memory_space<semaphore_mem>>) src(%arg12 : memref<128x128xf32, #tpu.memory_space<vmem>>) dst(%dma_wait3A_45 : memref<10240x128xf32, #tpu.memory_space<vmem_shared>>)
    %barrier3A_46 = arith.constant 0 : index
    tpu.barrier barrier_id(%barrier3A_46)
    "tpu.region"() ({
      %run_scoped3A = tpu.sem_alloc : memref<!tpu.dma_semaphore, #tpu.memory_space<semaphore_mem>>
      %dma_start3A_47 = arith.constant 0 : i32
      %dma_start3A_48 = tpu.memref_slice %arg6[%arg0, %multiple_of3A, %dma_start3A_47] : memref<2x10240x128xf32, #tpu.memory_space<hbm>> -> memref<1x640x128xf32, #tpu.memory_space<hbm>>
      %dma_start3A_49 = tpu.memref_squeeze %dma_start3A_48 : memref<1x640x128xf32, #tpu.memory_space<hbm>> -> memref<640x128xf32, #tpu.memory_space<hbm>>
      %dma_start3A_50 = arith.constant 0 : i32
      %dma_start3A_51 = tpu.memref_slice %arg13[%multiple_of3A, %dma_start3A_50] : memref<10240x128xf32, #tpu.memory_space<vmem_shared>> -> memref<640x128xf32, #tpu.memory_space<vmem_shared>>
      tpu.enqueue_dma source(%dma_start3A_51 : memref<640x128xf32, #tpu.memory_space<vmem_shared>>) target(%dma_start3A_49 : memref<640x128xf32, #tpu.memory_space<hbm>>) target_semaphore(%run_scoped3A : memref<!tpu.dma_semaphore, #tpu.memory_space<semaphore_mem>>)
      %dma_wait3A_52 = arith.constant 0 : i32
      %dma_wait3A_53 = tpu.memref_slice %arg6[%arg0, %multiple_of3A, %dma_wait3A_52] : memref<2x10240x128xf32, #tpu.memory_space<hbm>> -> memref<1x640x128xf32, #tpu.memory_space<hbm>>
      %dma_wait3A_54 = tpu.memref_squeeze %dma_wait3A_53 : memref<1x640x128xf32, #tpu.memory_space<hbm>> -> memref<640x128xf32, #tpu.memory_space<hbm>>
      %dma_wait3A_55 = arith.constant 0 : i32
      %dma_wait3A_56 = tpu.memref_slice %arg13[%multiple_of3A, %dma_wait3A_55] : memref<10240x128xf32, #tpu.memory_space<vmem_shared>> -> memref<640x128xf32, #tpu.memory_space<vmem_shared>>
      tpu.wait_dma2 semaphore(%run_scoped3A : memref<!tpu.dma_semaphore, #tpu.memory_space<semaphore_mem>>) src(%dma_wait3A_56 : memref<640x128xf32, #tpu.memory_space<vmem_shared>>) dst(%dma_wait3A_54 : memref<640x128xf32, #tpu.memory_space<hbm>>)
      tpu.yield
    }) : () -> ()
    return
  }
}

#map = affine_map<(d0, d1) -> (0, 0)>
#map1 = affine_map<(d0, d1) -> (0, 0, 0)>
module attributes {stable_mosaic.version = 14 : i64} {
  func.func @sc_agg_128_0(%arg0: i32, %arg1: i32, %arg2: memref<10000x128xf32, #tpu.memory_space<hbm>>, %arg3: memref<32x80x128xi32, #tpu.memory_space<hbm>>, %arg4: memref<32x80x128xi32, #tpu.memory_space<hbm>>, %arg5: memref<10240x128xf32, #tpu.memory_space<hbm>>, %arg6: memref<2x10240x128xf32, #tpu.memory_space<hbm>>, %arg7: memref<128xi32, #tpu.memory_space<vmem>>, %arg8: memref<128xi32, #tpu.memory_space<vmem>>, %arg9: memref<128xi32, #tpu.memory_space<vmem>>, %arg10: memref<128xi32, #tpu.memory_space<vmem>>, %arg11: memref<128x128xf32, #tpu.memory_space<vmem>>, %arg12: memref<128x128xf32, #tpu.memory_space<vmem>>, %arg13: memref<10240x128xf32, #tpu.memory_space<vmem_shared>>, %arg14: memref<!tpu.dma_semaphore, #tpu.memory_space<semaphore_mem>>, %arg15: memref<!tpu.dma_semaphore, #tpu.memory_space<semaphore_mem>>, %arg16: memref<!tpu.dma_semaphore, #tpu.memory_space<semaphore_mem>>, %arg17: memref<!tpu.dma_semaphore, #tpu.memory_space<semaphore_mem>>, %arg18: memref<!tpu.dma_semaphore, #tpu.memory_space<semaphore_mem>>, %arg19: memref<!tpu.dma_semaphore, #tpu.memory_space<semaphore_mem>>, %arg20: memref<!tpu.dma_semaphore, #tpu.memory_space<semaphore_mem>>, %arg21: memref<!tpu.dma_semaphore, #tpu.memory_space<semaphore_mem>>) attributes {dimension_semantics = [#tpu.dimension_semantics<core_parallel>, #tpu.dimension_semantics<subcore_parallel>], iteration_bounds = array<i64: 2, 16>, scalar_prefetch = 0 : i64, scratch_operands = 15 : i64, tpu.core_type = #tpu.core_type<sc_vector_subcore>, window_params = [{transform_indices = #map}, {transform_indices = #map1}, {transform_indices = #map1}, {transform_indices = #map}, {transform_indices = #map1}]} {
    %mul3A = arith.constant 2 : i32
    %mul3A_0 = arith.muli %arg1, %mul3A : i32
    %add3A = arith.addi %mul3A_0, %arg0 : i32
    %mul3A_1 = arith.constant 2 : i32
    %mul3A_2 = arith.muli %arg1, %mul3A_1 : i32
    %sub3A = arith.constant 1 : i32
    %sub3A_3 = arith.subi %sub3A, %arg0 : i32
    %add3A_4 = arith.addi %mul3A_2, %sub3A_3 : i32
    %mul3A_5 = arith.constant 640 : i32
    %mul3A_6 = arith.muli %arg1, %mul3A_5 : i32
    %multiple_of3A = tpu.assume_multiple %mul3A_6, 8 : i32
    "tpu.region"() ({
      %run_scoped3A = tpu.sem_alloc : memref<!tpu.dma_semaphore, #tpu.memory_space<semaphore_mem>>
      %dma_start3A_47 = arith.constant 0 : i32
      %dma_start3A_48 = tpu.memref_slice %arg13[%multiple_of3A, %dma_start3A_47] : memref<10240x128xf32, #tpu.memory_space<vmem_shared>> -> memref<640x128xf32, #tpu.memory_space<vmem_shared>>
      %dma_start3A_49 = arith.constant 0 : i32
      %dma_start3A_50 = tpu.memref_slice %arg5[%multiple_of3A, %dma_start3A_49] : memref<10240x128xf32, #tpu.memory_space<hbm>> -> memref<640x128xf32, #tpu.memory_space<hbm>>
      tpu.enqueue_dma source(%dma_start3A_50 : memref<640x128xf32, #tpu.memory_space<hbm>>) target(%dma_start3A_48 : memref<640x128xf32, #tpu.memory_space<vmem_shared>>) target_semaphore(%run_scoped3A : memref<!tpu.dma_semaphore, #tpu.memory_space<semaphore_mem>>)
      %dma_wait3A_51 = arith.constant 0 : i32
      %dma_wait3A_52 = tpu.memref_slice %arg13[%multiple_of3A, %dma_wait3A_51] : memref<10240x128xf32, #tpu.memory_space<vmem_shared>> -> memref<640x128xf32, #tpu.memory_space<vmem_shared>>
      %dma_wait3A_53 = arith.constant 0 : i32
      %dma_wait3A_54 = tpu.memref_slice %arg5[%multiple_of3A, %dma_wait3A_53] : memref<10240x128xf32, #tpu.memory_space<hbm>> -> memref<640x128xf32, #tpu.memory_space<hbm>>
      tpu.wait_dma2 semaphore(%run_scoped3A : memref<!tpu.dma_semaphore, #tpu.memory_space<semaphore_mem>>) src(%dma_wait3A_54 : memref<640x128xf32, #tpu.memory_space<hbm>>) dst(%dma_wait3A_52 : memref<640x128xf32, #tpu.memory_space<vmem_shared>>)
      tpu.yield
    }) : () -> ()
    %barrier3A = arith.constant 0 : index
    tpu.barrier barrier_id(%barrier3A)
    %broadcast_in_dim3A = arith.constant 1.000000e+00 : f32
    %broadcast_in_dim3A_7 = vector.broadcast %broadcast_in_dim3A : f32 to vector<16xf32>
    %dma_start3A = arith.constant 0 : i32
    %dma_start3A_8 = arith.constant 0 : i32
    %dma_start3A_9 = tpu.memref_slice %arg3[%add3A, %dma_start3A, %dma_start3A_8] : memref<32x80x128xi32, #tpu.memory_space<hbm>> -> memref<1x1x128xi32, #tpu.memory_space<hbm>>
    %dma_start3A_10 = tpu.memref_squeeze %dma_start3A_9 : memref<1x1x128xi32, #tpu.memory_space<hbm>> -> memref<128xi32, #tpu.memory_space<hbm>>
    %dma_start3A_11 = arith.constant 0 : i32
    %dma_start3A_12 = tpu.memref_slice %arg3[%add3A, %dma_start3A, %dma_start3A_11] : memref<32x80x128xi32, #tpu.memory_space<hbm>> -> memref<1x1x128xi32, #tpu.memory_space<hbm>>
    %dma_start3A_13 = tpu.memref_squeeze %dma_start3A_12 : memref<1x1x128xi32, #tpu.memory_space<hbm>> -> memref<128xi32, #tpu.memory_space<hbm>>
    tpu.enqueue_dma source(%dma_start3A_13 : memref<128xi32, #tpu.memory_space<hbm>>) target(%arg7 : memref<128xi32, #tpu.memory_space<vmem>>) target_semaphore(%arg14 : memref<!tpu.dma_semaphore, #tpu.memory_space<semaphore_mem>>)
    %dma_start3A_14 = arith.constant 0 : i32
    %dma_start3A_15 = arith.constant 0 : i32
    %dma_start3A_16 = tpu.memref_slice %arg4[%add3A, %dma_start3A_14, %dma_start3A_15] : memref<32x80x128xi32, #tpu.memory_space<hbm>> -> memref<1x1x128xi32, #tpu.memory_space<hbm>>
    %dma_start3A_17 = tpu.memref_squeeze %dma_start3A_16 : memref<1x1x128xi32, #tpu.memory_space<hbm>> -> memref<128xi32, #tpu.memory_space<hbm>>
    %dma_start3A_18 = arith.constant 0 : i32
    %dma_start3A_19 = tpu.memref_slice %arg4[%add3A, %dma_start3A_14, %dma_start3A_18] : memref<32x80x128xi32, #tpu.memory_space<hbm>> -> memref<1x1x128xi32, #tpu.memory_space<hbm>>
    %dma_start3A_20 = tpu.memref_squeeze %dma_start3A_19 : memref<1x1x128xi32, #tpu.memory_space<hbm>> -> memref<128xi32, #tpu.memory_space<hbm>>
    tpu.enqueue_dma source(%dma_start3A_20 : memref<128xi32, #tpu.memory_space<hbm>>) target(%arg9 : memref<128xi32, #tpu.memory_space<vmem>>) target_semaphore(%arg16 : memref<!tpu.dma_semaphore, #tpu.memory_space<semaphore_mem>>)
    %dma_start3A_21 = arith.constant 1 : i32
    %dma_start3A_22 = arith.constant 0 : i32
    %dma_start3A_23 = tpu.memref_slice %arg3[%add3A, %dma_start3A_21, %dma_start3A_22] : memref<32x80x128xi32, #tpu.memory_space<hbm>> -> memref<1x1x128xi32, #tpu.memory_space<hbm>>
    %dma_start3A_24 = tpu.memref_squeeze %dma_start3A_23 : memref<1x1x128xi32, #tpu.memory_space<hbm>> -> memref<128xi32, #tpu.memory_space<hbm>>
    %dma_start3A_25 = arith.constant 0 : i32
    %dma_start3A_26 = tpu.memref_slice %arg3[%add3A, %dma_start3A_21, %dma_start3A_25] : memref<32x80x128xi32, #tpu.memory_space<hbm>> -> memref<1x1x128xi32, #tpu.memory_space<hbm>>
    %dma_start3A_27 = tpu.memref_squeeze %dma_start3A_26 : memref<1x1x128xi32, #tpu.memory_space<hbm>> -> memref<128xi32, #tpu.memory_space<hbm>>
    tpu.enqueue_dma source(%dma_start3A_27 : memref<128xi32, #tpu.memory_space<hbm>>) target(%arg8 : memref<128xi32, #tpu.memory_space<vmem>>) target_semaphore(%arg15 : memref<!tpu.dma_semaphore, #tpu.memory_space<semaphore_mem>>)
    %dma_wait3A = arith.constant 0 : i32
    %dma_wait3A_28 = arith.constant 0 : i32
    %dma_wait3A_29 = arith.constant 0 : i32
    %dma_wait3A_30 = tpu.memref_slice %arg3[%dma_wait3A, %dma_wait3A_28, %dma_wait3A_29] : memref<32x80x128xi32, #tpu.memory_space<hbm>> -> memref<1x1x128xi32, #tpu.memory_space<hbm>>
    %dma_wait3A_31 = tpu.memref_squeeze %dma_wait3A_30 : memref<1x1x128xi32, #tpu.memory_space<hbm>> -> memref<128xi32, #tpu.memory_space<hbm>>
    %dma_wait3A_32 = arith.constant 0 : i32
    %dma_wait3A_33 = tpu.memref_slice %arg3[%dma_wait3A, %dma_wait3A_28, %dma_wait3A_32] : memref<32x80x128xi32, #tpu.memory_space<hbm>> -> memref<1x1x128xi32, #tpu.memory_space<hbm>>
    %dma_wait3A_34 = tpu.memref_squeeze %dma_wait3A_33 : memref<1x1x128xi32, #tpu.memory_space<hbm>> -> memref<128xi32, #tpu.memory_space<hbm>>
    tpu.wait_dma2 semaphore(%arg14 : memref<!tpu.dma_semaphore, #tpu.memory_space<semaphore_mem>>) src(%dma_wait3A_34 : memref<128xi32, #tpu.memory_space<hbm>>) dst(%arg7 : memref<128xi32, #tpu.memory_space<vmem>>)
    %dma_start3A_35 = arith.constant 0 : i32
    %dma_start3A_36 = arith.constant 0 : i32
    %dma_start3A_37 = tpu.memref_slice %arg2[%dma_start3A_35, %dma_start3A_36] : memref<10000x128xf32, #tpu.memory_space<hbm>> -> memref<10000x128xf32, #tpu.memory_space<hbm>>
    tpu.enqueue_indirect_dma source(%dma_start3A_37 : memref<10000x128xf32, #tpu.memory_space<hbm>>) target(%arg11 : memref<128x128xf32, #tpu.memory_space<vmem>>) offsets(%arg7 : memref<128xi32, #tpu.memory_space<vmem>>) semaphore(%arg18 : memref<!tpu.dma_semaphore, #tpu.memory_space<semaphore_mem>>)
    %scan3A = arith.constant 0 : i32
    %scan3A_38 = arith.constant 0 : i32
    %scan3A_39 = arith.constant 40 : i32
    %scan3A_40 = arith.addi %scan3A_38, %scan3A_39 : i32
    %scan3A_41 = arith.constant 1 : i32
    scf.for %scan3A_47 = %scan3A_38 to %scan3A_40 step %scan3A_41  : i32 {
      %mul3A_48 = arith.constant 2 : i32
      %mul3A_49 = arith.muli %mul3A_48, %scan3A_47 : i32
      %ge3A = arith.constant 1 : i32
      %ge3A_50 = arith.cmpi sge, %mul3A_49, %ge3A : i32
      %convert_element_type3A = arith.extui %ge3A_50 : i1 to i32
      %cond3A = arith.constant 0 : i32
      %cond3A_51 = arith.cmpi ne, %convert_element_type3A, %cond3A : i32
      scf.if %cond3A_51 {
        %dma_wait3A_116 = arith.constant 0 : i32
        %dma_wait3A_117 = arith.constant 0 : i32
        %dma_wait3A_118 = tpu.memref_slice %arg13[%dma_wait3A_116, %dma_wait3A_117] : memref<10240x128xf32, #tpu.memory_space<vmem_shared>> -> memref<10240x128xf32, #tpu.memory_space<vmem_shared>>
        tpu.wait_indirect_dma semaphore(%arg21 : memref<!tpu.dma_semaphore, #tpu.memory_space<semaphore_mem>>) src(%arg12 : memref<128x128xf32, #tpu.memory_space<vmem>>) dst(%dma_wait3A_118 : memref<10240x128xf32, #tpu.memory_space<vmem_shared>>)
      } else {
      }
      %add3A_52 = arith.constant 1 : i32
      %add3A_53 = arith.addi %mul3A_49, %add3A_52 : i32
      %lt3A = arith.constant 80 : i32
      %lt3A_54 = arith.cmpi slt, %add3A_53, %lt3A : i32
      %convert_element_type3A_55 = arith.extui %lt3A_54 : i1 to i32
      %cond3A_56 = arith.constant 0 : i32
      %cond3A_57 = arith.cmpi ne, %convert_element_type3A_55, %cond3A_56 : i32
      scf.if %cond3A_57 {
        %dma_wait3A_116 = arith.constant 0 : i32
        %dma_wait3A_117 = arith.constant 0 : i32
        %dma_wait3A_118 = arith.constant 0 : i32
        %dma_wait3A_119 = tpu.memref_slice %arg3[%dma_wait3A_116, %dma_wait3A_117, %dma_wait3A_118] : memref<32x80x128xi32, #tpu.memory_space<hbm>> -> memref<1x1x128xi32, #tpu.memory_space<hbm>>
        %dma_wait3A_120 = tpu.memref_squeeze %dma_wait3A_119 : memref<1x1x128xi32, #tpu.memory_space<hbm>> -> memref<128xi32, #tpu.memory_space<hbm>>
        %dma_wait3A_121 = arith.constant 0 : i32
        %dma_wait3A_122 = tpu.memref_slice %arg3[%dma_wait3A_116, %dma_wait3A_117, %dma_wait3A_121] : memref<32x80x128xi32, #tpu.memory_space<hbm>> -> memref<1x1x128xi32, #tpu.memory_space<hbm>>
        %dma_wait3A_123 = tpu.memref_squeeze %dma_wait3A_122 : memref<1x1x128xi32, #tpu.memory_space<hbm>> -> memref<128xi32, #tpu.memory_space<hbm>>
        tpu.wait_dma2 semaphore(%arg15 : memref<!tpu.dma_semaphore, #tpu.memory_space<semaphore_mem>>) src(%dma_wait3A_123 : memref<128xi32, #tpu.memory_space<hbm>>) dst(%arg8 : memref<128xi32, #tpu.memory_space<vmem>>)
        %add3A_124 = arith.constant 1 : i32
        %add3A_125 = arith.addi %mul3A_49, %add3A_124 : i32
        %dma_start3A_126 = arith.constant 0 : i32
        %dma_start3A_127 = tpu.memref_slice %arg4[%add3A, %add3A_125, %dma_start3A_126] : memref<32x80x128xi32, #tpu.memory_space<hbm>> -> memref<1x1x128xi32, #tpu.memory_space<hbm>>
        %dma_start3A_128 = tpu.memref_squeeze %dma_start3A_127 : memref<1x1x128xi32, #tpu.memory_space<hbm>> -> memref<128xi32, #tpu.memory_space<hbm>>
        %dma_start3A_129 = arith.constant 0 : i32
        %dma_start3A_130 = tpu.memref_slice %arg4[%add3A, %add3A_125, %dma_start3A_129] : memref<32x80x128xi32, #tpu.memory_space<hbm>> -> memref<1x1x128xi32, #tpu.memory_space<hbm>>
        %dma_start3A_131 = tpu.memref_squeeze %dma_start3A_130 : memref<1x1x128xi32, #tpu.memory_space<hbm>> -> memref<128xi32, #tpu.memory_space<hbm>>
        tpu.enqueue_dma source(%dma_start3A_131 : memref<128xi32, #tpu.memory_space<hbm>>) target(%arg10 : memref<128xi32, #tpu.memory_space<vmem>>) target_semaphore(%arg17 : memref<!tpu.dma_semaphore, #tpu.memory_space<semaphore_mem>>)
        %dma_start3A_132 = arith.constant 0 : i32
        %dma_start3A_133 = arith.constant 0 : i32
        %dma_start3A_134 = tpu.memref_slice %arg2[%dma_start3A_132, %dma_start3A_133] : memref<10000x128xf32, #tpu.memory_space<hbm>> -> memref<10000x128xf32, #tpu.memory_space<hbm>>
        tpu.enqueue_indirect_dma source(%dma_start3A_134 : memref<10000x128xf32, #tpu.memory_space<hbm>>) target(%arg12 : memref<128x128xf32, #tpu.memory_space<vmem>>) offsets(%arg8 : memref<128xi32, #tpu.memory_space<vmem>>) semaphore(%arg19 : memref<!tpu.dma_semaphore, #tpu.memory_space<semaphore_mem>>)
      } else {
      }
      %dma_wait3A_58 = arith.constant 0 : i32
      %dma_wait3A_59 = arith.constant 0 : i32
      %dma_wait3A_60 = tpu.memref_slice %arg2[%dma_wait3A_58, %dma_wait3A_59] : memref<10000x128xf32, #tpu.memory_space<hbm>> -> memref<10000x128xf32, #tpu.memory_space<hbm>>
      tpu.wait_indirect_dma semaphore(%arg18 : memref<!tpu.dma_semaphore, #tpu.memory_space<semaphore_mem>>) src(%dma_wait3A_60 : memref<10000x128xf32, #tpu.memory_space<hbm>>) dst(%arg11 : memref<128x128xf32, #tpu.memory_space<vmem>>)
      %dma_wait3A_61 = arith.constant 0 : i32
      %dma_wait3A_62 = arith.constant 0 : i32
      %dma_wait3A_63 = arith.constant 0 : i32
      %dma_wait3A_64 = tpu.memref_slice %arg4[%dma_wait3A_61, %dma_wait3A_62, %dma_wait3A_63] : memref<32x80x128xi32, #tpu.memory_space<hbm>> -> memref<1x1x128xi32, #tpu.memory_space<hbm>>
      %dma_wait3A_65 = tpu.memref_squeeze %dma_wait3A_64 : memref<1x1x128xi32, #tpu.memory_space<hbm>> -> memref<128xi32, #tpu.memory_space<hbm>>
      %dma_wait3A_66 = arith.constant 0 : i32
      %dma_wait3A_67 = tpu.memref_slice %arg4[%dma_wait3A_61, %dma_wait3A_62, %dma_wait3A_66] : memref<32x80x128xi32, #tpu.memory_space<hbm>> -> memref<1x1x128xi32, #tpu.memory_space<hbm>>
      %dma_wait3A_68 = tpu.memref_squeeze %dma_wait3A_67 : memref<1x1x128xi32, #tpu.memory_space<hbm>> -> memref<128xi32, #tpu.memory_space<hbm>>
      tpu.wait_dma2 semaphore(%arg16 : memref<!tpu.dma_semaphore, #tpu.memory_space<semaphore_mem>>) src(%dma_wait3A_68 : memref<128xi32, #tpu.memory_space<hbm>>) dst(%arg9 : memref<128xi32, #tpu.memory_space<vmem>>)
      %dma_start3A_69 = arith.constant 0 : i32
      %dma_start3A_70 = arith.constant 0 : i32
      %dma_start3A_71 = tpu.memref_slice %arg13[%dma_start3A_69, %dma_start3A_70] : memref<10240x128xf32, #tpu.memory_space<vmem_shared>> -> memref<10240x128xf32, #tpu.memory_space<vmem_shared>>
      tpu.enqueue_indirect_dma source(%arg11 : memref<128x128xf32, #tpu.memory_space<vmem>>) target(%dma_start3A_71 : memref<10240x128xf32, #tpu.memory_space<vmem_shared>>) offsets(%arg9 : memref<128xi32, #tpu.memory_space<vmem>>) semaphore(%arg20 : memref<!tpu.dma_semaphore, #tpu.memory_space<semaphore_mem>>) {add = true}
      %add3A_72 = arith.constant 2 : i32
      %add3A_73 = arith.addi %mul3A_49, %add3A_72 : i32
      %lt3A_74 = arith.constant 80 : i32
      %lt3A_75 = arith.cmpi slt, %add3A_73, %lt3A_74 : i32
      %convert_element_type3A_76 = arith.extui %lt3A_75 : i1 to i32
      %cond3A_77 = arith.constant 0 : i32
      %cond3A_78 = arith.cmpi ne, %convert_element_type3A_76, %cond3A_77 : i32
      scf.if %cond3A_78 {
        %add3A_116 = arith.constant 2 : i32
        %add3A_117 = arith.addi %mul3A_49, %add3A_116 : i32
        %dma_start3A_118 = arith.constant 0 : i32
        %dma_start3A_119 = tpu.memref_slice %arg3[%add3A, %add3A_117, %dma_start3A_118] : memref<32x80x128xi32, #tpu.memory_space<hbm>> -> memref<1x1x128xi32, #tpu.memory_space<hbm>>
        %dma_start3A_120 = tpu.memref_squeeze %dma_start3A_119 : memref<1x1x128xi32, #tpu.memory_space<hbm>> -> memref<128xi32, #tpu.memory_space<hbm>>
        %dma_start3A_121 = arith.constant 0 : i32
        %dma_start3A_122 = tpu.memref_slice %arg3[%add3A, %add3A_117, %dma_start3A_121] : memref<32x80x128xi32, #tpu.memory_space<hbm>> -> memref<1x1x128xi32, #tpu.memory_space<hbm>>
        %dma_start3A_123 = tpu.memref_squeeze %dma_start3A_122 : memref<1x1x128xi32, #tpu.memory_space<hbm>> -> memref<128xi32, #tpu.memory_space<hbm>>
        tpu.enqueue_dma source(%dma_start3A_123 : memref<128xi32, #tpu.memory_space<hbm>>) target(%arg7 : memref<128xi32, #tpu.memory_space<vmem>>) target_semaphore(%arg14 : memref<!tpu.dma_semaphore, #tpu.memory_space<semaphore_mem>>)
      } else {
      }
      %mul3A_79 = arith.constant 2 : i32
      %mul3A_80 = arith.muli %mul3A_79, %scan3A_47 : i32
      %add3A_81 = arith.constant 1 : i32
      %add3A_82 = arith.addi %mul3A_80, %add3A_81 : i32
      %ge3A_83 = arith.constant 1 : i32
      %ge3A_84 = arith.cmpi sge, %add3A_82, %ge3A_83 : i32
      %convert_element_type3A_85 = arith.extui %ge3A_84 : i1 to i32
      %cond3A_86 = arith.constant 0 : i32
      %cond3A_87 = arith.cmpi ne, %convert_element_type3A_85, %cond3A_86 : i32
      scf.if %cond3A_87 {
        %dma_wait3A_116 = arith.constant 0 : i32
        %dma_wait3A_117 = arith.constant 0 : i32
        %dma_wait3A_118 = tpu.memref_slice %arg13[%dma_wait3A_116, %dma_wait3A_117] : memref<10240x128xf32, #tpu.memory_space<vmem_shared>> -> memref<10240x128xf32, #tpu.memory_space<vmem_shared>>
        tpu.wait_indirect_dma semaphore(%arg20 : memref<!tpu.dma_semaphore, #tpu.memory_space<semaphore_mem>>) src(%arg11 : memref<128x128xf32, #tpu.memory_space<vmem>>) dst(%dma_wait3A_118 : memref<10240x128xf32, #tpu.memory_space<vmem_shared>>)
      } else {
      }
      %add3A_88 = arith.constant 1 : i32
      %add3A_89 = arith.addi %add3A_82, %add3A_88 : i32
      %lt3A_90 = arith.constant 80 : i32
      %lt3A_91 = arith.cmpi slt, %add3A_89, %lt3A_90 : i32
      %convert_element_type3A_92 = arith.extui %lt3A_91 : i1 to i32
      %cond3A_93 = arith.constant 0 : i32
      %cond3A_94 = arith.cmpi ne, %convert_element_type3A_92, %cond3A_93 : i32
      scf.if %cond3A_94 {
        %dma_wait3A_116 = arith.constant 0 : i32
        %dma_wait3A_117 = arith.constant 0 : i32
        %dma_wait3A_118 = arith.constant 0 : i32
        %dma_wait3A_119 = tpu.memref_slice %arg3[%dma_wait3A_116, %dma_wait3A_117, %dma_wait3A_118] : memref<32x80x128xi32, #tpu.memory_space<hbm>> -> memref<1x1x128xi32, #tpu.memory_space<hbm>>
        %dma_wait3A_120 = tpu.memref_squeeze %dma_wait3A_119 : memref<1x1x128xi32, #tpu.memory_space<hbm>> -> memref<128xi32, #tpu.memory_space<hbm>>
        %dma_wait3A_121 = arith.constant 0 : i32
        %dma_wait3A_122 = tpu.memref_slice %arg3[%dma_wait3A_116, %dma_wait3A_117, %dma_wait3A_121] : memref<32x80x128xi32, #tpu.memory_space<hbm>> -> memref<1x1x128xi32, #tpu.memory_space<hbm>>
        %dma_wait3A_123 = tpu.memref_squeeze %dma_wait3A_122 : memref<1x1x128xi32, #tpu.memory_space<hbm>> -> memref<128xi32, #tpu.memory_space<hbm>>
        tpu.wait_dma2 semaphore(%arg14 : memref<!tpu.dma_semaphore, #tpu.memory_space<semaphore_mem>>) src(%dma_wait3A_123 : memref<128xi32, #tpu.memory_space<hbm>>) dst(%arg7 : memref<128xi32, #tpu.memory_space<vmem>>)
        %add3A_124 = arith.constant 1 : i32
        %add3A_125 = arith.addi %add3A_82, %add3A_124 : i32
        %dma_start3A_126 = arith.constant 0 : i32
        %dma_start3A_127 = tpu.memref_slice %arg4[%add3A, %add3A_125, %dma_start3A_126] : memref<32x80x128xi32, #tpu.memory_space<hbm>> -> memref<1x1x128xi32, #tpu.memory_space<hbm>>
        %dma_start3A_128 = tpu.memref_squeeze %dma_start3A_127 : memref<1x1x128xi32, #tpu.memory_space<hbm>> -> memref<128xi32, #tpu.memory_space<hbm>>
        %dma_start3A_129 = arith.constant 0 : i32
        %dma_start3A_130 = tpu.memref_slice %arg4[%add3A, %add3A_125, %dma_start3A_129] : memref<32x80x128xi32, #tpu.memory_space<hbm>> -> memref<1x1x128xi32, #tpu.memory_space<hbm>>
        %dma_start3A_131 = tpu.memref_squeeze %dma_start3A_130 : memref<1x1x128xi32, #tpu.memory_space<hbm>> -> memref<128xi32, #tpu.memory_space<hbm>>
        tpu.enqueue_dma source(%dma_start3A_131 : memref<128xi32, #tpu.memory_space<hbm>>) target(%arg9 : memref<128xi32, #tpu.memory_space<vmem>>) target_semaphore(%arg16 : memref<!tpu.dma_semaphore, #tpu.memory_space<semaphore_mem>>)
        %dma_start3A_132 = arith.constant 0 : i32
        %dma_start3A_133 = arith.constant 0 : i32
        %dma_start3A_134 = tpu.memref_slice %arg2[%dma_start3A_132, %dma_start3A_133] : memref<10000x128xf32, #tpu.memory_space<hbm>> -> memref<10000x128xf32, #tpu.memory_space<hbm>>
        tpu.enqueue_indirect_dma source(%dma_start3A_134 : memref<10000x128xf32, #tpu.memory_space<hbm>>) target(%arg11 : memref<128x128xf32, #tpu.memory_space<vmem>>) offsets(%arg7 : memref<128xi32, #tpu.memory_space<vmem>>) semaphore(%arg18 : memref<!tpu.dma_semaphore, #tpu.memory_space<semaphore_mem>>)
      } else {
      }
      %dma_wait3A_95 = arith.constant 0 : i32
      %dma_wait3A_96 = arith.constant 0 : i32
      %dma_wait3A_97 = tpu.memref_slice %arg2[%dma_wait3A_95, %dma_wait3A_96] : memref<10000x128xf32, #tpu.memory_space<hbm>> -> memref<10000x128xf32, #tpu.memory_space<hbm>>
      tpu.wait_indirect_dma semaphore(%arg19 : memref<!tpu.dma_semaphore, #tpu.memory_space<semaphore_mem>>) src(%dma_wait3A_97 : memref<10000x128xf32, #tpu.memory_space<hbm>>) dst(%arg12 : memref<128x128xf32, #tpu.memory_space<vmem>>)
      %dma_wait3A_98 = arith.constant 0 : i32
      %dma_wait3A_99 = arith.constant 0 : i32
      %dma_wait3A_100 = arith.constant 0 : i32
      %dma_wait3A_101 = tpu.memref_slice %arg4[%dma_wait3A_98, %dma_wait3A_99, %dma_wait3A_100] : memref<32x80x128xi32, #tpu.memory_space<hbm>> -> memref<1x1x128xi32, #tpu.memory_space<hbm>>
      %dma_wait3A_102 = tpu.memref_squeeze %dma_wait3A_101 : memref<1x1x128xi32, #tpu.memory_space<hbm>> -> memref<128xi32, #tpu.memory_space<hbm>>
      %dma_wait3A_103 = arith.constant 0 : i32
      %dma_wait3A_104 = tpu.memref_slice %arg4[%dma_wait3A_98, %dma_wait3A_99, %dma_wait3A_103] : memref<32x80x128xi32, #tpu.memory_space<hbm>> -> memref<1x1x128xi32, #tpu.memory_space<hbm>>
      %dma_wait3A_105 = tpu.memref_squeeze %dma_wait3A_104 : memref<1x1x128xi32, #tpu.memory_space<hbm>> -> memref<128xi32, #tpu.memory_space<hbm>>
      tpu.wait_dma2 semaphore(%arg17 : memref<!tpu.dma_semaphore, #tpu.memory_space<semaphore_mem>>) src(%dma_wait3A_105 : memref<128xi32, #tpu.memory_space<hbm>>) dst(%arg10 : memref<128xi32, #tpu.memory_space<vmem>>)
      %dma_start3A_106 = arith.constant 0 : i32
      %dma_start3A_107 = arith.constant 0 : i32
      %dma_start3A_108 = tpu.memref_slice %arg13[%dma_start3A_106, %dma_start3A_107] : memref<10240x128xf32, #tpu.memory_space<vmem_shared>> -> memref<10240x128xf32, #tpu.memory_space<vmem_shared>>
      tpu.enqueue_indirect_dma source(%arg12 : memref<128x128xf32, #tpu.memory_space<vmem>>) target(%dma_start3A_108 : memref<10240x128xf32, #tpu.memory_space<vmem_shared>>) offsets(%arg10 : memref<128xi32, #tpu.memory_space<vmem>>) semaphore(%arg21 : memref<!tpu.dma_semaphore, #tpu.memory_space<semaphore_mem>>) {add = true}
      %add3A_109 = arith.constant 2 : i32
      %add3A_110 = arith.addi %add3A_82, %add3A_109 : i32
      %lt3A_111 = arith.constant 80 : i32
      %lt3A_112 = arith.cmpi slt, %add3A_110, %lt3A_111 : i32
      %convert_element_type3A_113 = arith.extui %lt3A_112 : i1 to i32
      %cond3A_114 = arith.constant 0 : i32
      %cond3A_115 = arith.cmpi ne, %convert_element_type3A_113, %cond3A_114 : i32
      scf.if %cond3A_115 {
        %add3A_116 = arith.constant 2 : i32
        %add3A_117 = arith.addi %add3A_82, %add3A_116 : i32
        %dma_start3A_118 = arith.constant 0 : i32
        %dma_start3A_119 = tpu.memref_slice %arg3[%add3A, %add3A_117, %dma_start3A_118] : memref<32x80x128xi32, #tpu.memory_space<hbm>> -> memref<1x1x128xi32, #tpu.memory_space<hbm>>
        %dma_start3A_120 = tpu.memref_squeeze %dma_start3A_119 : memref<1x1x128xi32, #tpu.memory_space<hbm>> -> memref<128xi32, #tpu.memory_space<hbm>>
        %dma_start3A_121 = arith.constant 0 : i32
        %dma_start3A_122 = tpu.memref_slice %arg3[%add3A, %add3A_117, %dma_start3A_121] : memref<32x80x128xi32, #tpu.memory_space<hbm>> -> memref<1x1x128xi32, #tpu.memory_space<hbm>>
        %dma_start3A_123 = tpu.memref_squeeze %dma_start3A_122 : memref<1x1x128xi32, #tpu.memory_space<hbm>> -> memref<128xi32, #tpu.memory_space<hbm>>
        tpu.enqueue_dma source(%dma_start3A_123 : memref<128xi32, #tpu.memory_space<hbm>>) target(%arg8 : memref<128xi32, #tpu.memory_space<vmem>>) target_semaphore(%arg15 : memref<!tpu.dma_semaphore, #tpu.memory_space<semaphore_mem>>)
      } else {
      }
    }
    %scan3A_42 = arith.constant 40 : i32
    %dma_wait3A_43 = arith.constant 0 : i32
    %dma_wait3A_44 = arith.constant 0 : i32
    %dma_wait3A_45 = tpu.memref_slice %arg13[%dma_wait3A_43, %dma_wait3A_44] : memref<10240x128xf32, #tpu.memory_space<vmem_shared>> -> memref<10240x128xf32, #tpu.memory_space<vmem_shared>>
    tpu.wait_indirect_dma semaphore(%arg21 : memref<!tpu.dma_semaphore, #tpu.memory_space<semaphore_mem>>) src(%arg12 : memref<128x128xf32, #tpu.memory_space<vmem>>) dst(%dma_wait3A_45 : memref<10240x128xf32, #tpu.memory_space<vmem_shared>>)
    %barrier3A_46 = arith.constant 0 : index
    tpu.barrier barrier_id(%barrier3A_46)
    "tpu.region"() ({
      %run_scoped3A = tpu.sem_alloc : memref<!tpu.dma_semaphore, #tpu.memory_space<semaphore_mem>>
      %dma_start3A_47 = arith.constant 0 : i32
      %dma_start3A_48 = tpu.memref_slice %arg6[%arg0, %multiple_of3A, %dma_start3A_47] : memref<2x10240x128xf32, #tpu.memory_space<hbm>> -> memref<1x640x128xf32, #tpu.memory_space<hbm>>
      %dma_start3A_49 = tpu.memref_squeeze %dma_start3A_48 : memref<1x640x128xf32, #tpu.memory_space<hbm>> -> memref<640x128xf32, #tpu.memory_space<hbm>>
      %dma_start3A_50 = arith.constant 0 : i32
      %dma_start3A_51 = tpu.memref_slice %arg13[%multiple_of3A, %dma_start3A_50] : memref<10240x128xf32, #tpu.memory_space<vmem_shared>> -> memref<640x128xf32, #tpu.memory_space<vmem_shared>>
      tpu.enqueue_dma source(%dma_start3A_51 : memref<640x128xf32, #tpu.memory_space<vmem_shared>>) target(%dma_start3A_49 : memref<640x128xf32, #tpu.memory_space<hbm>>) target_semaphore(%run_scoped3A : memref<!tpu.dma_semaphore, #tpu.memory_space<semaphore_mem>>)
      %dma_wait3A_52 = arith.constant 0 : i32
      %dma_wait3A_53 = tpu.memref_slice %arg6[%arg0, %multiple_of3A, %dma_wait3A_52] : memref<2x10240x128xf32, #tpu.memory_space<hbm>> -> memref<1x640x128xf32, #tpu.memory_space<hbm>>
      %dma_wait3A_54 = tpu.memref_squeeze %dma_wait3A_53 : memref<1x640x128xf32, #tpu.memory_space<hbm>> -> memref<640x128xf32, #tpu.memory_space<hbm>>
      %dma_wait3A_55 = arith.constant 0 : i32
      %dma_wait3A_56 = tpu.memref_slice %arg13[%multiple_of3A, %dma_wait3A_55] : memref<10240x128xf32, #tpu.memory_space<vmem_shared>> -> memref<640x128xf32, #tpu.memory_space<vmem_shared>>
      tpu.wait_dma2 semaphore(%run_scoped3A : memref<!tpu.dma_semaphore, #tpu.memory_space<semaphore_mem>>) src(%dma_wait3A_56 : memref<640x128xf32, #tpu.memory_space<vmem_shared>>) dst(%dma_wait3A_54 : memref<640x128xf32, #tpu.memory_space<hbm>>)
      tpu.yield
    }) : () -> ()
    return
  }
}

#map = affine_map<(d0, d1) -> (0, 0)>
#map1 = affine_map<(d0, d1) -> (0, 0, 0)>
#map2 = affine_map<(d0, d1) -> (0)>
module attributes {stable_mosaic.version = 14 : i64} {
  func.func @sc_agg_128_1(%arg0: i32, %arg1: i32, %arg2: memref<10000x128xf32, #tpu.memory_space<hbm>>, %arg3: memref<32x80x128xi32, #tpu.memory_space<hbm>>, %arg4: memref<32x80x128xi32, #tpu.memory_space<hbm>>, %arg5: memref<10240x128xf32, #tpu.memory_space<hbm>>, %arg6: memref<80xi32, #tpu.memory_space<hbm>>, %arg7: memref<2x10240x128xf32, #tpu.memory_space<hbm>>, %arg8: memref<160x128xf32, #tpu.memory_space<hbm>>, %arg9: memref<128xi32, #tpu.memory_space<vmem>>, %arg10: memref<128xi32, #tpu.memory_space<vmem>>, %arg11: memref<128xi32, #tpu.memory_space<vmem>>, %arg12: memref<128xi32, #tpu.memory_space<vmem>>, %arg13: memref<128x128xf32, #tpu.memory_space<vmem>>, %arg14: memref<128x128xf32, #tpu.memory_space<vmem>>, %arg15: memref<10240x128xf32, #tpu.memory_space<vmem_shared>>, %arg16: memref<!tpu.dma_semaphore, #tpu.memory_space<semaphore_mem>>, %arg17: memref<!tpu.dma_semaphore, #tpu.memory_space<semaphore_mem>>, %arg18: memref<!tpu.dma_semaphore, #tpu.memory_space<semaphore_mem>>, %arg19: memref<!tpu.dma_semaphore, #tpu.memory_space<semaphore_mem>>, %arg20: memref<!tpu.dma_semaphore, #tpu.memory_space<semaphore_mem>>, %arg21: memref<!tpu.dma_semaphore, #tpu.memory_space<semaphore_mem>>, %arg22: memref<!tpu.dma_semaphore, #tpu.memory_space<semaphore_mem>>, %arg23: memref<!tpu.dma_semaphore, #tpu.memory_space<semaphore_mem>>, %arg24: memref<128xi32, #tpu.memory_space<vmem>>, %arg25: memref<128xi32, #tpu.memory_space<vmem>>, %arg26: memref<80x128xf32, #tpu.memory_space<vmem>>, %arg27: memref<80xi32, #tpu.memory_space<vmem>>, %arg28: memref<80x128xf32, #tpu.memory_space<vmem_shared>>) attributes {dimension_semantics = [#tpu.dimension_semantics<core_parallel>, #tpu.dimension_semantics<subcore_parallel>], iteration_bounds = array<i64: 2, 16>, scalar_prefetch = 0 : i64, scratch_operands = 20 : i64, tpu.core_type = #tpu.core_type<sc_vector_subcore>, window_params = [{transform_indices = #map}, {transform_indices = #map1}, {transform_indices = #map1}, {transform_indices = #map}, {transform_indices = #map2}, {transform_indices = #map1}, {transform_indices = #map}]} {
    %mul3A = arith.constant 2 : i32
    %mul3A_0 = arith.muli %arg1, %mul3A : i32
    %add3A = arith.addi %mul3A_0, %arg0 : i32
    %mul3A_1 = arith.constant 2 : i32
    %mul3A_2 = arith.muli %arg1, %mul3A_1 : i32
    %sub3A = arith.constant 1 : i32
    %sub3A_3 = arith.subi %sub3A, %arg0 : i32
    %add3A_4 = arith.addi %mul3A_2, %sub3A_3 : i32
    %mul3A_5 = arith.constant 640 : i32
    %mul3A_6 = arith.muli %arg1, %mul3A_5 : i32
    %multiple_of3A = tpu.assume_multiple %mul3A_6, 8 : i32
    "tpu.region"() ({
      %run_scoped3A = tpu.sem_alloc : memref<!tpu.dma_semaphore, #tpu.memory_space<semaphore_mem>>
      %dma_start3A_62 = arith.constant 0 : i32
      %dma_start3A_63 = tpu.memref_slice %arg15[%multiple_of3A, %dma_start3A_62] : memref<10240x128xf32, #tpu.memory_space<vmem_shared>> -> memref<640x128xf32, #tpu.memory_space<vmem_shared>>
      %dma_start3A_64 = arith.constant 0 : i32
      %dma_start3A_65 = tpu.memref_slice %arg5[%multiple_of3A, %dma_start3A_64] : memref<10240x128xf32, #tpu.memory_space<hbm>> -> memref<640x128xf32, #tpu.memory_space<hbm>>
      tpu.enqueue_dma source(%dma_start3A_65 : memref<640x128xf32, #tpu.memory_space<hbm>>) target(%dma_start3A_63 : memref<640x128xf32, #tpu.memory_space<vmem_shared>>) target_semaphore(%run_scoped3A : memref<!tpu.dma_semaphore, #tpu.memory_space<semaphore_mem>>)
      %dma_wait3A_66 = arith.constant 0 : i32
      %dma_wait3A_67 = tpu.memref_slice %arg15[%multiple_of3A, %dma_wait3A_66] : memref<10240x128xf32, #tpu.memory_space<vmem_shared>> -> memref<640x128xf32, #tpu.memory_space<vmem_shared>>
      %dma_wait3A_68 = arith.constant 0 : i32
      %dma_wait3A_69 = tpu.memref_slice %arg5[%multiple_of3A, %dma_wait3A_68] : memref<10240x128xf32, #tpu.memory_space<hbm>> -> memref<640x128xf32, #tpu.memory_space<hbm>>
      tpu.wait_dma2 semaphore(%run_scoped3A : memref<!tpu.dma_semaphore, #tpu.memory_space<semaphore_mem>>) src(%dma_wait3A_69 : memref<640x128xf32, #tpu.memory_space<hbm>>) dst(%dma_wait3A_67 : memref<640x128xf32, #tpu.memory_space<vmem_shared>>)
      tpu.yield
    }) : () -> ()
    %lt3A = arith.constant 10 : i32
    %lt3A_7 = arith.cmpi slt, %arg1, %lt3A : i32
    %convert_element_type3A = arith.extui %lt3A_7 : i1 to i32
    %cond3A = arith.constant 0 : i32
    %cond3A_8 = arith.cmpi ne, %convert_element_type3A, %cond3A : i32
    scf.if %cond3A_8 {
      %mul3A_62 = arith.constant 8 : i32
      %mul3A_63 = arith.muli %arg1, %mul3A_62 : i32
      "tpu.region"() ({
        %run_scoped3A = tpu.sem_alloc : memref<!tpu.dma_semaphore, #tpu.memory_space<semaphore_mem>>
        %dma_start3A_64 = arith.constant 0 : i32
        %dma_start3A_65 = tpu.memref_slice %arg28[%mul3A_63, %dma_start3A_64] : memref<80x128xf32, #tpu.memory_space<vmem_shared>> -> memref<8x128xf32, #tpu.memory_space<vmem_shared>>
        %dma_start3A_66 = arith.constant 0 : i32
        %dma_start3A_67 = arith.constant 0 : i32
        %dma_start3A_68 = tpu.memref_slice %arg5[%dma_start3A_66, %dma_start3A_67] : memref<10240x128xf32, #tpu.memory_space<hbm>> -> memref<8x128xf32, #tpu.memory_space<hbm>>
        tpu.enqueue_dma source(%dma_start3A_68 : memref<8x128xf32, #tpu.memory_space<hbm>>) target(%dma_start3A_65 : memref<8x128xf32, #tpu.memory_space<vmem_shared>>) target_semaphore(%run_scoped3A : memref<!tpu.dma_semaphore, #tpu.memory_space<semaphore_mem>>)
        %dma_wait3A_69 = arith.constant 0 : i32
        %dma_wait3A_70 = tpu.memref_slice %arg28[%mul3A_63, %dma_wait3A_69] : memref<80x128xf32, #tpu.memory_space<vmem_shared>> -> memref<8x128xf32, #tpu.memory_space<vmem_shared>>
        %dma_wait3A_71 = arith.constant 0 : i32
        %dma_wait3A_72 = arith.constant 0 : i32
        %dma_wait3A_73 = tpu.memref_slice %arg5[%dma_wait3A_71, %dma_wait3A_72] : memref<10240x128xf32, #tpu.memory_space<hbm>> -> memref<8x128xf32, #tpu.memory_space<hbm>>
        tpu.wait_dma2 semaphore(%run_scoped3A : memref<!tpu.dma_semaphore, #tpu.memory_space<semaphore_mem>>) src(%dma_wait3A_73 : memref<8x128xf32, #tpu.memory_space<hbm>>) dst(%dma_wait3A_70 : memref<8x128xf32, #tpu.memory_space<vmem_shared>>)
        tpu.yield
      }) : () -> ()
    } else {
    }
    "tpu.region"() ({
      %run_scoped3A = tpu.sem_alloc : memref<!tpu.dma_semaphore, #tpu.memory_space<semaphore_mem>>
      %dma_start3A_62 = arith.constant 0 : i32
      %dma_start3A_63 = arith.constant 0 : i32
      %dma_start3A_64 = tpu.memref_slice %arg5[%dma_start3A_62, %dma_start3A_63] : memref<10240x128xf32, #tpu.memory_space<hbm>> -> memref<80x128xf32, #tpu.memory_space<hbm>>
      %dma_start3A_65 = arith.constant 0 : i32
      %dma_start3A_66 = arith.constant 0 : i32
      %dma_start3A_67 = tpu.memref_slice %arg5[%dma_start3A_65, %dma_start3A_66] : memref<10240x128xf32, #tpu.memory_space<hbm>> -> memref<80x128xf32, #tpu.memory_space<hbm>>
      tpu.enqueue_dma source(%dma_start3A_67 : memref<80x128xf32, #tpu.memory_space<hbm>>) target(%arg26 : memref<80x128xf32, #tpu.memory_space<vmem>>) target_semaphore(%run_scoped3A : memref<!tpu.dma_semaphore, #tpu.memory_space<semaphore_mem>>)
      %dma_wait3A_68 = arith.constant 0 : i32
      %dma_wait3A_69 = arith.constant 0 : i32
      %dma_wait3A_70 = tpu.memref_slice %arg5[%dma_wait3A_68, %dma_wait3A_69] : memref<10240x128xf32, #tpu.memory_space<hbm>> -> memref<80x128xf32, #tpu.memory_space<hbm>>
      %dma_wait3A_71 = arith.constant 0 : i32
      %dma_wait3A_72 = arith.constant 0 : i32
      %dma_wait3A_73 = tpu.memref_slice %arg5[%dma_wait3A_71, %dma_wait3A_72] : memref<10240x128xf32, #tpu.memory_space<hbm>> -> memref<80x128xf32, #tpu.memory_space<hbm>>
      tpu.wait_dma2 semaphore(%run_scoped3A : memref<!tpu.dma_semaphore, #tpu.memory_space<semaphore_mem>>) src(%dma_wait3A_73 : memref<80x128xf32, #tpu.memory_space<hbm>>) dst(%arg26 : memref<80x128xf32, #tpu.memory_space<vmem>>)
      tpu.yield
    }) : () -> ()
    "tpu.region"() ({
      %run_scoped3A = tpu.sem_alloc : memref<!tpu.dma_semaphore, #tpu.memory_space<semaphore_mem>>
      tpu.enqueue_dma source(%arg6 : memref<80xi32, #tpu.memory_space<hbm>>) target(%arg27 : memref<80xi32, #tpu.memory_space<vmem>>) target_semaphore(%run_scoped3A : memref<!tpu.dma_semaphore, #tpu.memory_space<semaphore_mem>>)
      tpu.wait_dma2 semaphore(%run_scoped3A : memref<!tpu.dma_semaphore, #tpu.memory_space<semaphore_mem>>) src(%arg6 : memref<80xi32, #tpu.memory_space<hbm>>) dst(%arg27 : memref<80xi32, #tpu.memory_space<vmem>>)
      tpu.yield
    }) : () -> ()
    %barrier3A = arith.constant 0 : index
    tpu.barrier barrier_id(%barrier3A)
    %broadcast_in_dim3A = arith.constant 1.000000e+00 : f32
    %broadcast_in_dim3A_9 = vector.broadcast %broadcast_in_dim3A : f32 to vector<16xf32>
    %dma_start3A = arith.constant 0 : i32
    %dma_start3A_10 = arith.constant 0 : i32
    %dma_start3A_11 = tpu.memref_slice %arg3[%add3A, %dma_start3A, %dma_start3A_10] : memref<32x80x128xi32, #tpu.memory_space<hbm>> -> memref<1x1x128xi32, #tpu.memory_space<hbm>>
    %dma_start3A_12 = tpu.memref_squeeze %dma_start3A_11 : memref<1x1x128xi32, #tpu.memory_space<hbm>> -> memref<128xi32, #tpu.memory_space<hbm>>
    %dma_start3A_13 = arith.constant 0 : i32
    %dma_start3A_14 = tpu.memref_slice %arg3[%add3A, %dma_start3A, %dma_start3A_13] : memref<32x80x128xi32, #tpu.memory_space<hbm>> -> memref<1x1x128xi32, #tpu.memory_space<hbm>>
    %dma_start3A_15 = tpu.memref_squeeze %dma_start3A_14 : memref<1x1x128xi32, #tpu.memory_space<hbm>> -> memref<128xi32, #tpu.memory_space<hbm>>
    tpu.enqueue_dma source(%dma_start3A_15 : memref<128xi32, #tpu.memory_space<hbm>>) target(%arg9 : memref<128xi32, #tpu.memory_space<vmem>>) target_semaphore(%arg16 : memref<!tpu.dma_semaphore, #tpu.memory_space<semaphore_mem>>)
    %dma_start3A_16 = arith.constant 0 : i32
    %dma_start3A_17 = arith.constant 0 : i32
    %dma_start3A_18 = tpu.memref_slice %arg4[%add3A, %dma_start3A_16, %dma_start3A_17] : memref<32x80x128xi32, #tpu.memory_space<hbm>> -> memref<1x1x128xi32, #tpu.memory_space<hbm>>
    %dma_start3A_19 = tpu.memref_squeeze %dma_start3A_18 : memref<1x1x128xi32, #tpu.memory_space<hbm>> -> memref<128xi32, #tpu.memory_space<hbm>>
    %dma_start3A_20 = arith.constant 0 : i32
    %dma_start3A_21 = tpu.memref_slice %arg4[%add3A, %dma_start3A_16, %dma_start3A_20] : memref<32x80x128xi32, #tpu.memory_space<hbm>> -> memref<1x1x128xi32, #tpu.memory_space<hbm>>
    %dma_start3A_22 = tpu.memref_squeeze %dma_start3A_21 : memref<1x1x128xi32, #tpu.memory_space<hbm>> -> memref<128xi32, #tpu.memory_space<hbm>>
    tpu.enqueue_dma source(%dma_start3A_22 : memref<128xi32, #tpu.memory_space<hbm>>) target(%arg11 : memref<128xi32, #tpu.memory_space<vmem>>) target_semaphore(%arg18 : memref<!tpu.dma_semaphore, #tpu.memory_space<semaphore_mem>>)
    %dma_start3A_23 = arith.constant 0 : i32
    %dma_start3A_24 = arith.constant 0 : i32
    %dma_start3A_25 = tpu.memref_slice %arg4[%add3A_4, %dma_start3A_23, %dma_start3A_24] : memref<32x80x128xi32, #tpu.memory_space<hbm>> -> memref<1x1x128xi32, #tpu.memory_space<hbm>>
    %dma_start3A_26 = tpu.memref_squeeze %dma_start3A_25 : memref<1x1x128xi32, #tpu.memory_space<hbm>> -> memref<128xi32, #tpu.memory_space<hbm>>
    %dma_start3A_27 = arith.constant 0 : i32
    %dma_start3A_28 = tpu.memref_slice %arg4[%add3A_4, %dma_start3A_23, %dma_start3A_27] : memref<32x80x128xi32, #tpu.memory_space<hbm>> -> memref<1x1x128xi32, #tpu.memory_space<hbm>>
    %dma_start3A_29 = tpu.memref_squeeze %dma_start3A_28 : memref<1x1x128xi32, #tpu.memory_space<hbm>> -> memref<128xi32, #tpu.memory_space<hbm>>
    tpu.enqueue_dma source(%dma_start3A_29 : memref<128xi32, #tpu.memory_space<hbm>>) target(%arg24 : memref<128xi32, #tpu.memory_space<vmem>>) target_semaphore(%arg18 : memref<!tpu.dma_semaphore, #tpu.memory_space<semaphore_mem>>)
    %dma_start3A_30 = arith.constant 1 : i32
    %dma_start3A_31 = arith.constant 0 : i32
    %dma_start3A_32 = tpu.memref_slice %arg3[%add3A, %dma_start3A_30, %dma_start3A_31] : memref<32x80x128xi32, #tpu.memory_space<hbm>> -> memref<1x1x128xi32, #tpu.memory_space<hbm>>
    %dma_start3A_33 = tpu.memref_squeeze %dma_start3A_32 : memref<1x1x128xi32, #tpu.memory_space<hbm>> -> memref<128xi32, #tpu.memory_space<hbm>>
    %dma_start3A_34 = arith.constant 0 : i32
    %dma_start3A_35 = tpu.memref_slice %arg3[%add3A, %dma_start3A_30, %dma_start3A_34] : memref<32x80x128xi32, #tpu.memory_space<hbm>> -> memref<1x1x128xi32, #tpu.memory_space<hbm>>
    %dma_start3A_36 = tpu.memref_squeeze %dma_start3A_35 : memref<1x1x128xi32, #tpu.memory_space<hbm>> -> memref<128xi32, #tpu.memory_space<hbm>>
    tpu.enqueue_dma source(%dma_start3A_36 : memref<128xi32, #tpu.memory_space<hbm>>) target(%arg10 : memref<128xi32, #tpu.memory_space<vmem>>) target_semaphore(%arg17 : memref<!tpu.dma_semaphore, #tpu.memory_space<semaphore_mem>>)
    %dma_wait3A = arith.constant 0 : i32
    %dma_wait3A_37 = arith.constant 0 : i32
    %dma_wait3A_38 = arith.constant 0 : i32
    %dma_wait3A_39 = tpu.memref_slice %arg3[%dma_wait3A, %dma_wait3A_37, %dma_wait3A_38] : memref<32x80x128xi32, #tpu.memory_space<hbm>> -> memref<1x1x128xi32, #tpu.memory_space<hbm>>
    %dma_wait3A_40 = tpu.memref_squeeze %dma_wait3A_39 : memref<1x1x128xi32, #tpu.memory_space<hbm>> -> memref<128xi32, #tpu.memory_space<hbm>>
    %dma_wait3A_41 = arith.constant 0 : i32
    %dma_wait3A_42 = tpu.memref_slice %arg3[%dma_wait3A, %dma_wait3A_37, %dma_wait3A_41] : memref<32x80x128xi32, #tpu.memory_space<hbm>> -> memref<1x1x128xi32, #tpu.memory_space<hbm>>
    %dma_wait3A_43 = tpu.memref_squeeze %dma_wait3A_42 : memref<1x1x128xi32, #tpu.memory_space<hbm>> -> memref<128xi32, #tpu.memory_space<hbm>>
    tpu.wait_dma2 semaphore(%arg16 : memref<!tpu.dma_semaphore, #tpu.memory_space<semaphore_mem>>) src(%dma_wait3A_43 : memref<128xi32, #tpu.memory_space<hbm>>) dst(%arg9 : memref<128xi32, #tpu.memory_space<vmem>>)
    %dma_start3A_44 = arith.constant 0 : i32
    %dma_start3A_45 = arith.constant 0 : i32
    %dma_start3A_46 = tpu.memref_slice %arg2[%dma_start3A_44, %dma_start3A_45] : memref<10000x128xf32, #tpu.memory_space<hbm>> -> memref<10000x128xf32, #tpu.memory_space<hbm>>
    tpu.enqueue_indirect_dma source(%dma_start3A_46 : memref<10000x128xf32, #tpu.memory_space<hbm>>) target(%arg13 : memref<128x128xf32, #tpu.memory_space<vmem>>) offsets(%arg9 : memref<128xi32, #tpu.memory_space<vmem>>) semaphore(%arg20 : memref<!tpu.dma_semaphore, #tpu.memory_space<semaphore_mem>>)
    %scan3A = arith.constant 0 : i32
    %scan3A_47 = arith.constant 0 : i32
    %scan3A_48 = arith.constant 40 : i32
    %scan3A_49 = arith.addi %scan3A_47, %scan3A_48 : i32
    %scan3A_50 = arith.constant 1 : i32
    scf.for %scan3A_62 = %scan3A_47 to %scan3A_49 step %scan3A_50  : i32 {
      %mul3A_63 = arith.constant 2 : i32
      %mul3A_64 = arith.muli %mul3A_63, %scan3A_62 : i32
      %ge3A = arith.constant 1 : i32
      %ge3A_65 = arith.cmpi sge, %mul3A_64, %ge3A : i32
      %convert_element_type3A_66 = arith.extui %ge3A_65 : i1 to i32
      %cond3A_67 = arith.constant 0 : i32
      %cond3A_68 = arith.cmpi ne, %convert_element_type3A_66, %cond3A_67 : i32
      scf.if %cond3A_68 {
        %dma_wait3A_403 = arith.constant 0 : i32
        %dma_wait3A_404 = arith.constant 0 : i32
        %dma_wait3A_405 = tpu.memref_slice %arg15[%dma_wait3A_403, %dma_wait3A_404] : memref<10240x128xf32, #tpu.memory_space<vmem_shared>> -> memref<10240x128xf32, #tpu.memory_space<vmem_shared>>
        tpu.wait_indirect_dma semaphore(%arg23 : memref<!tpu.dma_semaphore, #tpu.memory_space<semaphore_mem>>) src(%arg14 : memref<128x128xf32, #tpu.memory_space<vmem>>) dst(%dma_wait3A_405 : memref<10240x128xf32, #tpu.memory_space<vmem_shared>>)
      } else {
      }
      %add3A_69 = arith.constant 1 : i32
      %add3A_70 = arith.addi %mul3A_64, %add3A_69 : i32
      %lt3A_71 = arith.constant 80 : i32
      %lt3A_72 = arith.cmpi slt, %add3A_70, %lt3A_71 : i32
      %convert_element_type3A_73 = arith.extui %lt3A_72 : i1 to i32
      %cond3A_74 = arith.constant 0 : i32
      %cond3A_75 = arith.cmpi ne, %convert_element_type3A_73, %cond3A_74 : i32
      scf.if %cond3A_75 {
        %dma_wait3A_403 = arith.constant 0 : i32
        %dma_wait3A_404 = arith.constant 0 : i32
        %dma_wait3A_405 = arith.constant 0 : i32
        %dma_wait3A_406 = tpu.memref_slice %arg3[%dma_wait3A_403, %dma_wait3A_404, %dma_wait3A_405] : memref<32x80x128xi32, #tpu.memory_space<hbm>> -> memref<1x1x128xi32, #tpu.memory_space<hbm>>
        %dma_wait3A_407 = tpu.memref_squeeze %dma_wait3A_406 : memref<1x1x128xi32, #tpu.memory_space<hbm>> -> memref<128xi32, #tpu.memory_space<hbm>>
        %dma_wait3A_408 = arith.constant 0 : i32
        %dma_wait3A_409 = tpu.memref_slice %arg3[%dma_wait3A_403, %dma_wait3A_404, %dma_wait3A_408] : memref<32x80x128xi32, #tpu.memory_space<hbm>> -> memref<1x1x128xi32, #tpu.memory_space<hbm>>
        %dma_wait3A_410 = tpu.memref_squeeze %dma_wait3A_409 : memref<1x1x128xi32, #tpu.memory_space<hbm>> -> memref<128xi32, #tpu.memory_space<hbm>>
        tpu.wait_dma2 semaphore(%arg17 : memref<!tpu.dma_semaphore, #tpu.memory_space<semaphore_mem>>) src(%dma_wait3A_410 : memref<128xi32, #tpu.memory_space<hbm>>) dst(%arg10 : memref<128xi32, #tpu.memory_space<vmem>>)
        %add3A_411 = arith.constant 1 : i32
        %add3A_412 = arith.addi %mul3A_64, %add3A_411 : i32
        %dma_start3A_413 = arith.constant 0 : i32
        %dma_start3A_414 = tpu.memref_slice %arg4[%add3A, %add3A_412, %dma_start3A_413] : memref<32x80x128xi32, #tpu.memory_space<hbm>> -> memref<1x1x128xi32, #tpu.memory_space<hbm>>
        %dma_start3A_415 = tpu.memref_squeeze %dma_start3A_414 : memref<1x1x128xi32, #tpu.memory_space<hbm>> -> memref<128xi32, #tpu.memory_space<hbm>>
        %dma_start3A_416 = arith.constant 0 : i32
        %dma_start3A_417 = tpu.memref_slice %arg4[%add3A, %add3A_412, %dma_start3A_416] : memref<32x80x128xi32, #tpu.memory_space<hbm>> -> memref<1x1x128xi32, #tpu.memory_space<hbm>>
        %dma_start3A_418 = tpu.memref_squeeze %dma_start3A_417 : memref<1x1x128xi32, #tpu.memory_space<hbm>> -> memref<128xi32, #tpu.memory_space<hbm>>
        tpu.enqueue_dma source(%dma_start3A_418 : memref<128xi32, #tpu.memory_space<hbm>>) target(%arg12 : memref<128xi32, #tpu.memory_space<vmem>>) target_semaphore(%arg19 : memref<!tpu.dma_semaphore, #tpu.memory_space<semaphore_mem>>)
        %dma_start3A_419 = arith.constant 0 : i32
        %dma_start3A_420 = tpu.memref_slice %arg4[%add3A_4, %add3A_412, %dma_start3A_419] : memref<32x80x128xi32, #tpu.memory_space<hbm>> -> memref<1x1x128xi32, #tpu.memory_space<hbm>>
        %dma_start3A_421 = tpu.memref_squeeze %dma_start3A_420 : memref<1x1x128xi32, #tpu.memory_space<hbm>> -> memref<128xi32, #tpu.memory_space<hbm>>
        %dma_start3A_422 = arith.constant 0 : i32
        %dma_start3A_423 = tpu.memref_slice %arg4[%add3A_4, %add3A_412, %dma_start3A_422] : memref<32x80x128xi32, #tpu.memory_space<hbm>> -> memref<1x1x128xi32, #tpu.memory_space<hbm>>
        %dma_start3A_424 = tpu.memref_squeeze %dma_start3A_423 : memref<1x1x128xi32, #tpu.memory_space<hbm>> -> memref<128xi32, #tpu.memory_space<hbm>>
        tpu.enqueue_dma source(%dma_start3A_424 : memref<128xi32, #tpu.memory_space<hbm>>) target(%arg25 : memref<128xi32, #tpu.memory_space<vmem>>) target_semaphore(%arg19 : memref<!tpu.dma_semaphore, #tpu.memory_space<semaphore_mem>>)
        %dma_start3A_425 = arith.constant 0 : i32
        %dma_start3A_426 = arith.constant 0 : i32
        %dma_start3A_427 = tpu.memref_slice %arg2[%dma_start3A_425, %dma_start3A_426] : memref<10000x128xf32, #tpu.memory_space<hbm>> -> memref<10000x128xf32, #tpu.memory_space<hbm>>
        tpu.enqueue_indirect_dma source(%dma_start3A_427 : memref<10000x128xf32, #tpu.memory_space<hbm>>) target(%arg14 : memref<128x128xf32, #tpu.memory_space<vmem>>) offsets(%arg10 : memref<128xi32, #tpu.memory_space<vmem>>) semaphore(%arg21 : memref<!tpu.dma_semaphore, #tpu.memory_space<semaphore_mem>>)
      } else {
      }
      %dma_wait3A_76 = arith.constant 0 : i32
      %dma_wait3A_77 = arith.constant 0 : i32
      %dma_wait3A_78 = tpu.memref_slice %arg2[%dma_wait3A_76, %dma_wait3A_77] : memref<10000x128xf32, #tpu.memory_space<hbm>> -> memref<10000x128xf32, #tpu.memory_space<hbm>>
      tpu.wait_indirect_dma semaphore(%arg20 : memref<!tpu.dma_semaphore, #tpu.memory_space<semaphore_mem>>) src(%dma_wait3A_78 : memref<10000x128xf32, #tpu.memory_space<hbm>>) dst(%arg13 : memref<128x128xf32, #tpu.memory_space<vmem>>)
      %dma_wait3A_79 = arith.constant 0 : i32
      %dma_wait3A_80 = arith.constant 0 : i32
      %dma_wait3A_81 = arith.constant 0 : i32
      %dma_wait3A_82 = tpu.memref_slice %arg4[%dma_wait3A_79, %dma_wait3A_80, %dma_wait3A_81] : memref<32x80x128xi32, #tpu.memory_space<hbm>> -> memref<1x1x128xi32, #tpu.memory_space<hbm>>
      %dma_wait3A_83 = tpu.memref_squeeze %dma_wait3A_82 : memref<1x1x128xi32, #tpu.memory_space<hbm>> -> memref<128xi32, #tpu.memory_space<hbm>>
      %dma_wait3A_84 = arith.constant 0 : i32
      %dma_wait3A_85 = tpu.memref_slice %arg4[%dma_wait3A_79, %dma_wait3A_80, %dma_wait3A_84] : memref<32x80x128xi32, #tpu.memory_space<hbm>> -> memref<1x1x128xi32, #tpu.memory_space<hbm>>
      %dma_wait3A_86 = tpu.memref_squeeze %dma_wait3A_85 : memref<1x1x128xi32, #tpu.memory_space<hbm>> -> memref<128xi32, #tpu.memory_space<hbm>>
      tpu.wait_dma2 semaphore(%arg18 : memref<!tpu.dma_semaphore, #tpu.memory_space<semaphore_mem>>) src(%dma_wait3A_86 : memref<128xi32, #tpu.memory_space<hbm>>) dst(%arg11 : memref<128xi32, #tpu.memory_space<vmem>>)
      %dma_wait3A_87 = arith.constant 0 : i32
      %dma_wait3A_88 = arith.constant 0 : i32
      %dma_wait3A_89 = arith.constant 0 : i32
      %dma_wait3A_90 = tpu.memref_slice %arg4[%dma_wait3A_87, %dma_wait3A_88, %dma_wait3A_89] : memref<32x80x128xi32, #tpu.memory_space<hbm>> -> memref<1x1x128xi32, #tpu.memory_space<hbm>>
      %dma_wait3A_91 = tpu.memref_squeeze %dma_wait3A_90 : memref<1x1x128xi32, #tpu.memory_space<hbm>> -> memref<128xi32, #tpu.memory_space<hbm>>
      %dma_wait3A_92 = arith.constant 0 : i32
      %dma_wait3A_93 = tpu.memref_slice %arg4[%dma_wait3A_87, %dma_wait3A_88, %dma_wait3A_92] : memref<32x80x128xi32, #tpu.memory_space<hbm>> -> memref<1x1x128xi32, #tpu.memory_space<hbm>>
      %dma_wait3A_94 = tpu.memref_squeeze %dma_wait3A_93 : memref<1x1x128xi32, #tpu.memory_space<hbm>> -> memref<128xi32, #tpu.memory_space<hbm>>
      tpu.wait_dma2 semaphore(%arg18 : memref<!tpu.dma_semaphore, #tpu.memory_space<semaphore_mem>>) src(%dma_wait3A_94 : memref<128xi32, #tpu.memory_space<hbm>>) dst(%arg24 : memref<128xi32, #tpu.memory_space<vmem>>)
      %get3A = arith.constant 0 : index
      %get3A_95 = tpu.vector_load %arg11[%get3A] {strides = array<i32>} : memref<128xi32, #tpu.memory_space<vmem>>, vector<16xi32>,
      %shift_right_logical3A = arith.constant 7 : i32
      %shift_right_logical3A_96 = vector.broadcast %shift_right_logical3A : i32 to vector<16xi32>
      %shift_right_logical3A_97 = arith.shrui %get3A_95, %shift_right_logical3A_96 : vector<16xi32>
      %and3A = arith.constant 127 : i32
      %and3A_98 = vector.broadcast %and3A : i32 to vector<16xi32>
      %and3A_99 = arith.andi %get3A_95, %and3A_98 : vector<16xi32>
      tpu.vector_store_idx %arg26[%shift_right_logical3A_97, %and3A_99], %broadcast_in_dim3A_9 {add = true} : memref<80x128xf32, #tpu.memory_space<vmem>>[vector<16xi32>, vector<16xi32>], vector<16xf32>,
      %get3A_100 = arith.constant 16 : index
      %get3A_101 = tpu.vector_load %arg11[%get3A_100] {strides = array<i32>} : memref<128xi32, #tpu.memory_space<vmem>>, vector<16xi32>,
      %shift_right_logical3A_102 = arith.constant 7 : i32
      %shift_right_logical3A_103 = vector.broadcast %shift_right_logical3A_102 : i32 to vector<16xi32>
      %shift_right_logical3A_104 = arith.shrui %get3A_101, %shift_right_logical3A_103 : vector<16xi32>
      %and3A_105 = arith.constant 127 : i32
      %and3A_106 = vector.broadcast %and3A_105 : i32 to vector<16xi32>
      %and3A_107 = arith.andi %get3A_101, %and3A_106 : vector<16xi32>
      tpu.vector_store_idx %arg26[%shift_right_logical3A_104, %and3A_107], %broadcast_in_dim3A_9 {add = true} : memref<80x128xf32, #tpu.memory_space<vmem>>[vector<16xi32>, vector<16xi32>], vector<16xf32>,
      %get3A_108 = arith.constant 32 : index
      %get3A_109 = tpu.vector_load %arg11[%get3A_108] {strides = array<i32>} : memref<128xi32, #tpu.memory_space<vmem>>, vector<16xi32>,
      %shift_right_logical3A_110 = arith.constant 7 : i32
      %shift_right_logical3A_111 = vector.broadcast %shift_right_logical3A_110 : i32 to vector<16xi32>
      %shift_right_logical3A_112 = arith.shrui %get3A_109, %shift_right_logical3A_111 : vector<16xi32>
      %and3A_113 = arith.constant 127 : i32
      %and3A_114 = vector.broadcast %and3A_113 : i32 to vector<16xi32>
      %and3A_115 = arith.andi %get3A_109, %and3A_114 : vector<16xi32>
      tpu.vector_store_idx %arg26[%shift_right_logical3A_112, %and3A_115], %broadcast_in_dim3A_9 {add = true} : memref<80x128xf32, #tpu.memory_space<vmem>>[vector<16xi32>, vector<16xi32>], vector<16xf32>,
      %get3A_116 = arith.constant 48 : index
      %get3A_117 = tpu.vector_load %arg11[%get3A_116] {strides = array<i32>} : memref<128xi32, #tpu.memory_space<vmem>>, vector<16xi32>,
      %shift_right_logical3A_118 = arith.constant 7 : i32
      %shift_right_logical3A_119 = vector.broadcast %shift_right_logical3A_118 : i32 to vector<16xi32>
      %shift_right_logical3A_120 = arith.shrui %get3A_117, %shift_right_logical3A_119 : vector<16xi32>
      %and3A_121 = arith.constant 127 : i32
      %and3A_122 = vector.broadcast %and3A_121 : i32 to vector<16xi32>
      %and3A_123 = arith.andi %get3A_117, %and3A_122 : vector<16xi32>
      tpu.vector_store_idx %arg26[%shift_right_logical3A_120, %and3A_123], %broadcast_in_dim3A_9 {add = true} : memref<80x128xf32, #tpu.memory_space<vmem>>[vector<16xi32>, vector<16xi32>], vector<16xf32>,
      %get3A_124 = arith.constant 64 : index
      %get3A_125 = tpu.vector_load %arg11[%get3A_124] {strides = array<i32>} : memref<128xi32, #tpu.memory_space<vmem>>, vector<16xi32>,
      %shift_right_logical3A_126 = arith.constant 7 : i32
      %shift_right_logical3A_127 = vector.broadcast %shift_right_logical3A_126 : i32 to vector<16xi32>
      %shift_right_logical3A_128 = arith.shrui %get3A_125, %shift_right_logical3A_127 : vector<16xi32>
      %and3A_129 = arith.constant 127 : i32
      %and3A_130 = vector.broadcast %and3A_129 : i32 to vector<16xi32>
      %and3A_131 = arith.andi %get3A_125, %and3A_130 : vector<16xi32>
      tpu.vector_store_idx %arg26[%shift_right_logical3A_128, %and3A_131], %broadcast_in_dim3A_9 {add = true} : memref<80x128xf32, #tpu.memory_space<vmem>>[vector<16xi32>, vector<16xi32>], vector<16xf32>,
      %get3A_132 = arith.constant 80 : index
      %get3A_133 = tpu.vector_load %arg11[%get3A_132] {strides = array<i32>} : memref<128xi32, #tpu.memory_space<vmem>>, vector<16xi32>,
      %shift_right_logical3A_134 = arith.constant 7 : i32
      %shift_right_logical3A_135 = vector.broadcast %shift_right_logical3A_134 : i32 to vector<16xi32>
      %shift_right_logical3A_136 = arith.shrui %get3A_133, %shift_right_logical3A_135 : vector<16xi32>
      %and3A_137 = arith.constant 127 : i32
      %and3A_138 = vector.broadcast %and3A_137 : i32 to vector<16xi32>
      %and3A_139 = arith.andi %get3A_133, %and3A_138 : vector<16xi32>
      tpu.vector_store_idx %arg26[%shift_right_logical3A_136, %and3A_139], %broadcast_in_dim3A_9 {add = true} : memref<80x128xf32, #tpu.memory_space<vmem>>[vector<16xi32>, vector<16xi32>], vector<16xf32>,
      %get3A_140 = arith.constant 96 : index
      %get3A_141 = tpu.vector_load %arg11[%get3A_140] {strides = array<i32>} : memref<128xi32, #tpu.memory_space<vmem>>, vector<16xi32>,
      %shift_right_logical3A_142 = arith.constant 7 : i32
      %shift_right_logical3A_143 = vector.broadcast %shift_right_logical3A_142 : i32 to vector<16xi32>
      %shift_right_logical3A_144 = arith.shrui %get3A_141, %shift_right_logical3A_143 : vector<16xi32>
      %and3A_145 = arith.constant 127 : i32
      %and3A_146 = vector.broadcast %and3A_145 : i32 to vector<16xi32>
      %and3A_147 = arith.andi %get3A_141, %and3A_146 : vector<16xi32>
      tpu.vector_store_idx %arg26[%shift_right_logical3A_144, %and3A_147], %broadcast_in_dim3A_9 {add = true} : memref<80x128xf32, #tpu.memory_space<vmem>>[vector<16xi32>, vector<16xi32>], vector<16xf32>,
      %get3A_148 = arith.constant 112 : index
      %get3A_149 = tpu.vector_load %arg11[%get3A_148] {strides = array<i32>} : memref<128xi32, #tpu.memory_space<vmem>>, vector<16xi32>,
      %shift_right_logical3A_150 = arith.constant 7 : i32
      %shift_right_logical3A_151 = vector.broadcast %shift_right_logical3A_150 : i32 to vector<16xi32>
      %shift_right_logical3A_152 = arith.shrui %get3A_149, %shift_right_logical3A_151 : vector<16xi32>
      %and3A_153 = arith.constant 127 : i32
      %and3A_154 = vector.broadcast %and3A_153 : i32 to vector<16xi32>
      %and3A_155 = arith.andi %get3A_149, %and3A_154 : vector<16xi32>
      tpu.vector_store_idx %arg26[%shift_right_logical3A_152, %and3A_155], %broadcast_in_dim3A_9 {add = true} : memref<80x128xf32, #tpu.memory_space<vmem>>[vector<16xi32>, vector<16xi32>], vector<16xf32>,
      %get3A_156 = arith.constant 0 : index
      %get3A_157 = tpu.vector_load %arg24[%get3A_156] {strides = array<i32>} : memref<128xi32, #tpu.memory_space<vmem>>, vector<16xi32>,
      %shift_right_logical3A_158 = arith.constant 7 : i32
      %shift_right_logical3A_159 = vector.broadcast %shift_right_logical3A_158 : i32 to vector<16xi32>
      %shift_right_logical3A_160 = arith.shrui %get3A_157, %shift_right_logical3A_159 : vector<16xi32>
      %and3A_161 = arith.constant 127 : i32
      %and3A_162 = vector.broadcast %and3A_161 : i32 to vector<16xi32>
      %and3A_163 = arith.andi %get3A_157, %and3A_162 : vector<16xi32>
      tpu.vector_store_idx %arg26[%shift_right_logical3A_160, %and3A_163], %broadcast_in_dim3A_9 {add = true} : memref<80x128xf32, #tpu.memory_space<vmem>>[vector<16xi32>, vector<16xi32>], vector<16xf32>,
      %get3A_164 = arith.constant 16 : index
      %get3A_165 = tpu.vector_load %arg24[%get3A_164] {strides = array<i32>} : memref<128xi32, #tpu.memory_space<vmem>>, vector<16xi32>,
      %shift_right_logical3A_166 = arith.constant 7 : i32
      %shift_right_logical3A_167 = vector.broadcast %shift_right_logical3A_166 : i32 to vector<16xi32>
      %shift_right_logical3A_168 = arith.shrui %get3A_165, %shift_right_logical3A_167 : vector<16xi32>
      %and3A_169 = arith.constant 127 : i32
      %and3A_170 = vector.broadcast %and3A_169 : i32 to vector<16xi32>
      %and3A_171 = arith.andi %get3A_165, %and3A_170 : vector<16xi32>
      tpu.vector_store_idx %arg26[%shift_right_logical3A_168, %and3A_171], %broadcast_in_dim3A_9 {add = true} : memref<80x128xf32, #tpu.memory_space<vmem>>[vector<16xi32>, vector<16xi32>], vector<16xf32>,
      %get3A_172 = arith.constant 32 : index
      %get3A_173 = tpu.vector_load %arg24[%get3A_172] {strides = array<i32>} : memref<128xi32, #tpu.memory_space<vmem>>, vector<16xi32>,
      %shift_right_logical3A_174 = arith.constant 7 : i32
      %shift_right_logical3A_175 = vector.broadcast %shift_right_logical3A_174 : i32 to vector<16xi32>
      %shift_right_logical3A_176 = arith.shrui %get3A_173, %shift_right_logical3A_175 : vector<16xi32>
      %and3A_177 = arith.constant 127 : i32
      %and3A_178 = vector.broadcast %and3A_177 : i32 to vector<16xi32>
      %and3A_179 = arith.andi %get3A_173, %and3A_178 : vector<16xi32>
      tpu.vector_store_idx %arg26[%shift_right_logical3A_176, %and3A_179], %broadcast_in_dim3A_9 {add = true} : memref<80x128xf32, #tpu.memory_space<vmem>>[vector<16xi32>, vector<16xi32>], vector<16xf32>,
      %get3A_180 = arith.constant 48 : index
      %get3A_181 = tpu.vector_load %arg24[%get3A_180] {strides = array<i32>} : memref<128xi32, #tpu.memory_space<vmem>>, vector<16xi32>,
      %shift_right_logical3A_182 = arith.constant 7 : i32
      %shift_right_logical3A_183 = vector.broadcast %shift_right_logical3A_182 : i32 to vector<16xi32>
      %shift_right_logical3A_184 = arith.shrui %get3A_181, %shift_right_logical3A_183 : vector<16xi32>
      %and3A_185 = arith.constant 127 : i32
      %and3A_186 = vector.broadcast %and3A_185 : i32 to vector<16xi32>
      %and3A_187 = arith.andi %get3A_181, %and3A_186 : vector<16xi32>
      tpu.vector_store_idx %arg26[%shift_right_logical3A_184, %and3A_187], %broadcast_in_dim3A_9 {add = true} : memref<80x128xf32, #tpu.memory_space<vmem>>[vector<16xi32>, vector<16xi32>], vector<16xf32>,
      %get3A_188 = arith.constant 64 : index
      %get3A_189 = tpu.vector_load %arg24[%get3A_188] {strides = array<i32>} : memref<128xi32, #tpu.memory_space<vmem>>, vector<16xi32>,
      %shift_right_logical3A_190 = arith.constant 7 : i32
      %shift_right_logical3A_191 = vector.broadcast %shift_right_logical3A_190 : i32 to vector<16xi32>
      %shift_right_logical3A_192 = arith.shrui %get3A_189, %shift_right_logical3A_191 : vector<16xi32>
      %and3A_193 = arith.constant 127 : i32
      %and3A_194 = vector.broadcast %and3A_193 : i32 to vector<16xi32>
      %and3A_195 = arith.andi %get3A_189, %and3A_194 : vector<16xi32>
      tpu.vector_store_idx %arg26[%shift_right_logical3A_192, %and3A_195], %broadcast_in_dim3A_9 {add = true} : memref<80x128xf32, #tpu.memory_space<vmem>>[vector<16xi32>, vector<16xi32>], vector<16xf32>,
      %get3A_196 = arith.constant 80 : index
      %get3A_197 = tpu.vector_load %arg24[%get3A_196] {strides = array<i32>} : memref<128xi32, #tpu.memory_space<vmem>>, vector<16xi32>,
      %shift_right_logical3A_198 = arith.constant 7 : i32
      %shift_right_logical3A_199 = vector.broadcast %shift_right_logical3A_198 : i32 to vector<16xi32>
      %shift_right_logical3A_200 = arith.shrui %get3A_197, %shift_right_logical3A_199 : vector<16xi32>
      %and3A_201 = arith.constant 127 : i32
      %and3A_202 = vector.broadcast %and3A_201 : i32 to vector<16xi32>
      %and3A_203 = arith.andi %get3A_197, %and3A_202 : vector<16xi32>
      tpu.vector_store_idx %arg26[%shift_right_logical3A_200, %and3A_203], %broadcast_in_dim3A_9 {add = true} : memref<80x128xf32, #tpu.memory_space<vmem>>[vector<16xi32>, vector<16xi32>], vector<16xf32>,
      %get3A_204 = arith.constant 96 : index
      %get3A_205 = tpu.vector_load %arg24[%get3A_204] {strides = array<i32>} : memref<128xi32, #tpu.memory_space<vmem>>, vector<16xi32>,
      %shift_right_logical3A_206 = arith.constant 7 : i32
      %shift_right_logical3A_207 = vector.broadcast %shift_right_logical3A_206 : i32 to vector<16xi32>
      %shift_right_logical3A_208 = arith.shrui %get3A_205, %shift_right_logical3A_207 : vector<16xi32>
      %and3A_209 = arith.constant 127 : i32
      %and3A_210 = vector.broadcast %and3A_209 : i32 to vector<16xi32>
      %and3A_211 = arith.andi %get3A_205, %and3A_210 : vector<16xi32>
      tpu.vector_store_idx %arg26[%shift_right_logical3A_208, %and3A_211], %broadcast_in_dim3A_9 {add = true} : memref<80x128xf32, #tpu.memory_space<vmem>>[vector<16xi32>, vector<16xi32>], vector<16xf32>,
      %get3A_212 = arith.constant 112 : index
      %get3A_213 = tpu.vector_load %arg24[%get3A_212] {strides = array<i32>} : memref<128xi32, #tpu.memory_space<vmem>>, vector<16xi32>,
      %shift_right_logical3A_214 = arith.constant 7 : i32
      %shift_right_logical3A_215 = vector.broadcast %shift_right_logical3A_214 : i32 to vector<16xi32>
      %shift_right_logical3A_216 = arith.shrui %get3A_213, %shift_right_logical3A_215 : vector<16xi32>
      %and3A_217 = arith.constant 127 : i32
      %and3A_218 = vector.broadcast %and3A_217 : i32 to vector<16xi32>
      %and3A_219 = arith.andi %get3A_213, %and3A_218 : vector<16xi32>
      tpu.vector_store_idx %arg26[%shift_right_logical3A_216, %and3A_219], %broadcast_in_dim3A_9 {add = true} : memref<80x128xf32, #tpu.memory_space<vmem>>[vector<16xi32>, vector<16xi32>], vector<16xf32>,
      %dma_start3A_220 = arith.constant 0 : i32
      %dma_start3A_221 = arith.constant 0 : i32
      %dma_start3A_222 = tpu.memref_slice %arg15[%dma_start3A_220, %dma_start3A_221] : memref<10240x128xf32, #tpu.memory_space<vmem_shared>> -> memref<10240x128xf32, #tpu.memory_space<vmem_shared>>
      tpu.enqueue_indirect_dma source(%arg13 : memref<128x128xf32, #tpu.memory_space<vmem>>) target(%dma_start3A_222 : memref<10240x128xf32, #tpu.memory_space<vmem_shared>>) offsets(%arg11 : memref<128xi32, #tpu.memory_space<vmem>>) semaphore(%arg22 : memref<!tpu.dma_semaphore, #tpu.memory_space<semaphore_mem>>) {add = true}
      %add3A_223 = arith.constant 2 : i32
      %add3A_224 = arith.addi %mul3A_64, %add3A_223 : i32
      %lt3A_225 = arith.constant 80 : i32
      %lt3A_226 = arith.cmpi slt, %add3A_224, %lt3A_225 : i32
      %convert_element_type3A_227 = arith.extui %lt3A_226 : i1 to i32
      %cond3A_228 = arith.constant 0 : i32
      %cond3A_229 = arith.cmpi ne, %convert_element_type3A_227, %cond3A_228 : i32
      scf.if %cond3A_229 {
        %add3A_403 = arith.constant 2 : i32
        %add3A_404 = arith.addi %mul3A_64, %add3A_403 : i32
        %dma_start3A_405 = arith.constant 0 : i32
        %dma_start3A_406 = tpu.memref_slice %arg3[%add3A, %add3A_404, %dma_start3A_405] : memref<32x80x128xi32, #tpu.memory_space<hbm>> -> memref<1x1x128xi32, #tpu.memory_space<hbm>>
        %dma_start3A_407 = tpu.memref_squeeze %dma_start3A_406 : memref<1x1x128xi32, #tpu.memory_space<hbm>> -> memref<128xi32, #tpu.memory_space<hbm>>
        %dma_start3A_408 = arith.constant 0 : i32
        %dma_start3A_409 = tpu.memref_slice %arg3[%add3A, %add3A_404, %dma_start3A_408] : memref<32x80x128xi32, #tpu.memory_space<hbm>> -> memref<1x1x128xi32, #tpu.memory_space<hbm>>
        %dma_start3A_410 = tpu.memref_squeeze %dma_start3A_409 : memref<1x1x128xi32, #tpu.memory_space<hbm>> -> memref<128xi32, #tpu.memory_space<hbm>>
        tpu.enqueue_dma source(%dma_start3A_410 : memref<128xi32, #tpu.memory_space<hbm>>) target(%arg9 : memref<128xi32, #tpu.memory_space<vmem>>) target_semaphore(%arg16 : memref<!tpu.dma_semaphore, #tpu.memory_space<semaphore_mem>>)
      } else {
      }
      %mul3A_230 = arith.constant 2 : i32
      %mul3A_231 = arith.muli %mul3A_230, %scan3A_62 : i32
      %add3A_232 = arith.constant 1 : i32
      %add3A_233 = arith.addi %mul3A_231, %add3A_232 : i32
      %ge3A_234 = arith.constant 1 : i32
      %ge3A_235 = arith.cmpi sge, %add3A_233, %ge3A_234 : i32
      %convert_element_type3A_236 = arith.extui %ge3A_235 : i1 to i32
      %cond3A_237 = arith.constant 0 : i32
      %cond3A_238 = arith.cmpi ne, %convert_element_type3A_236, %cond3A_237 : i32
      scf.if %cond3A_238 {
        %dma_wait3A_403 = arith.constant 0 : i32
        %dma_wait3A_404 = arith.constant 0 : i32
        %dma_wait3A_405 = tpu.memref_slice %arg15[%dma_wait3A_403, %dma_wait3A_404] : memref<10240x128xf32, #tpu.memory_space<vmem_shared>> -> memref<10240x128xf32, #tpu.memory_space<vmem_shared>>
        tpu.wait_indirect_dma semaphore(%arg22 : memref<!tpu.dma_semaphore, #tpu.memory_space<semaphore_mem>>) src(%arg13 : memref<128x128xf32, #tpu.memory_space<vmem>>) dst(%dma_wait3A_405 : memref<10240x128xf32, #tpu.memory_space<vmem_shared>>)
      } else {
      }
      %add3A_239 = arith.constant 1 : i32
      %add3A_240 = arith.addi %add3A_233, %add3A_239 : i32
      %lt3A_241 = arith.constant 80 : i32
      %lt3A_242 = arith.cmpi slt, %add3A_240, %lt3A_241 : i32
      %convert_element_type3A_243 = arith.extui %lt3A_242 : i1 to i32
      %cond3A_244 = arith.constant 0 : i32
      %cond3A_245 = arith.cmpi ne, %convert_element_type3A_243, %cond3A_244 : i32
      scf.if %cond3A_245 {
        %dma_wait3A_403 = arith.constant 0 : i32
        %dma_wait3A_404 = arith.constant 0 : i32
        %dma_wait3A_405 = arith.constant 0 : i32
        %dma_wait3A_406 = tpu.memref_slice %arg3[%dma_wait3A_403, %dma_wait3A_404, %dma_wait3A_405] : memref<32x80x128xi32, #tpu.memory_space<hbm>> -> memref<1x1x128xi32, #tpu.memory_space<hbm>>
        %dma_wait3A_407 = tpu.memref_squeeze %dma_wait3A_406 : memref<1x1x128xi32, #tpu.memory_space<hbm>> -> memref<128xi32, #tpu.memory_space<hbm>>
        %dma_wait3A_408 = arith.constant 0 : i32
        %dma_wait3A_409 = tpu.memref_slice %arg3[%dma_wait3A_403, %dma_wait3A_404, %dma_wait3A_408] : memref<32x80x128xi32, #tpu.memory_space<hbm>> -> memref<1x1x128xi32, #tpu.memory_space<hbm>>
        %dma_wait3A_410 = tpu.memref_squeeze %dma_wait3A_409 : memref<1x1x128xi32, #tpu.memory_space<hbm>> -> memref<128xi32, #tpu.memory_space<hbm>>
        tpu.wait_dma2 semaphore(%arg16 : memref<!tpu.dma_semaphore, #tpu.memory_space<semaphore_mem>>) src(%dma_wait3A_410 : memref<128xi32, #tpu.memory_space<hbm>>) dst(%arg9 : memref<128xi32, #tpu.memory_space<vmem>>)
        %add3A_411 = arith.constant 1 : i32
        %add3A_412 = arith.addi %add3A_233, %add3A_411 : i32
        %dma_start3A_413 = arith.constant 0 : i32
        %dma_start3A_414 = tpu.memref_slice %arg4[%add3A, %add3A_412, %dma_start3A_413] : memref<32x80x128xi32, #tpu.memory_space<hbm>> -> memref<1x1x128xi32, #tpu.memory_space<hbm>>
        %dma_start3A_415 = tpu.memref_squeeze %dma_start3A_414 : memref<1x1x128xi32, #tpu.memory_space<hbm>> -> memref<128xi32, #tpu.memory_space<hbm>>
        %dma_start3A_416 = arith.constant 0 : i32
        %dma_start3A_417 = tpu.memref_slice %arg4[%add3A, %add3A_412, %dma_start3A_416] : memref<32x80x128xi32, #tpu.memory_space<hbm>> -> memref<1x1x128xi32, #tpu.memory_space<hbm>>
        %dma_start3A_418 = tpu.memref_squeeze %dma_start3A_417 : memref<1x1x128xi32, #tpu.memory_space<hbm>> -> memref<128xi32, #tpu.memory_space<hbm>>
        tpu.enqueue_dma source(%dma_start3A_418 : memref<128xi32, #tpu.memory_space<hbm>>) target(%arg11 : memref<128xi32, #tpu.memory_space<vmem>>) target_semaphore(%arg18 : memref<!tpu.dma_semaphore, #tpu.memory_space<semaphore_mem>>)
        %dma_start3A_419 = arith.constant 0 : i32
        %dma_start3A_420 = tpu.memref_slice %arg4[%add3A_4, %add3A_412, %dma_start3A_419] : memref<32x80x128xi32, #tpu.memory_space<hbm>> -> memref<1x1x128xi32, #tpu.memory_space<hbm>>
        %dma_start3A_421 = tpu.memref_squeeze %dma_start3A_420 : memref<1x1x128xi32, #tpu.memory_space<hbm>> -> memref<128xi32, #tpu.memory_space<hbm>>
        %dma_start3A_422 = arith.constant 0 : i32
        %dma_start3A_423 = tpu.memref_slice %arg4[%add3A_4, %add3A_412, %dma_start3A_422] : memref<32x80x128xi32, #tpu.memory_space<hbm>> -> memref<1x1x128xi32, #tpu.memory_space<hbm>>
        %dma_start3A_424 = tpu.memref_squeeze %dma_start3A_423 : memref<1x1x128xi32, #tpu.memory_space<hbm>> -> memref<128xi32, #tpu.memory_space<hbm>>
        tpu.enqueue_dma source(%dma_start3A_424 : memref<128xi32, #tpu.memory_space<hbm>>) target(%arg24 : memref<128xi32, #tpu.memory_space<vmem>>) target_semaphore(%arg18 : memref<!tpu.dma_semaphore, #tpu.memory_space<semaphore_mem>>)
        %dma_start3A_425 = arith.constant 0 : i32
        %dma_start3A_426 = arith.constant 0 : i32
        %dma_start3A_427 = tpu.memref_slice %arg2[%dma_start3A_425, %dma_start3A_426] : memref<10000x128xf32, #tpu.memory_space<hbm>> -> memref<10000x128xf32, #tpu.memory_space<hbm>>
        tpu.enqueue_indirect_dma source(%dma_start3A_427 : memref<10000x128xf32, #tpu.memory_space<hbm>>) target(%arg13 : memref<128x128xf32, #tpu.memory_space<vmem>>) offsets(%arg9 : memref<128xi32, #tpu.memory_space<vmem>>) semaphore(%arg20 : memref<!tpu.dma_semaphore, #tpu.memory_space<semaphore_mem>>)
      } else {
      }
      %dma_wait3A_246 = arith.constant 0 : i32
      %dma_wait3A_247 = arith.constant 0 : i32
      %dma_wait3A_248 = tpu.memref_slice %arg2[%dma_wait3A_246, %dma_wait3A_247] : memref<10000x128xf32, #tpu.memory_space<hbm>> -> memref<10000x128xf32, #tpu.memory_space<hbm>>
      tpu.wait_indirect_dma semaphore(%arg21 : memref<!tpu.dma_semaphore, #tpu.memory_space<semaphore_mem>>) src(%dma_wait3A_248 : memref<10000x128xf32, #tpu.memory_space<hbm>>) dst(%arg14 : memref<128x128xf32, #tpu.memory_space<vmem>>)
      %dma_wait3A_249 = arith.constant 0 : i32
      %dma_wait3A_250 = arith.constant 0 : i32
      %dma_wait3A_251 = arith.constant 0 : i32
      %dma_wait3A_252 = tpu.memref_slice %arg4[%dma_wait3A_249, %dma_wait3A_250, %dma_wait3A_251] : memref<32x80x128xi32, #tpu.memory_space<hbm>> -> memref<1x1x128xi32, #tpu.memory_space<hbm>>
      %dma_wait3A_253 = tpu.memref_squeeze %dma_wait3A_252 : memref<1x1x128xi32, #tpu.memory_space<hbm>> -> memref<128xi32, #tpu.memory_space<hbm>>
      %dma_wait3A_254 = arith.constant 0 : i32
      %dma_wait3A_255 = tpu.memref_slice %arg4[%dma_wait3A_249, %dma_wait3A_250, %dma_wait3A_254] : memref<32x80x128xi32, #tpu.memory_space<hbm>> -> memref<1x1x128xi32, #tpu.memory_space<hbm>>
      %dma_wait3A_256 = tpu.memref_squeeze %dma_wait3A_255 : memref<1x1x128xi32, #tpu.memory_space<hbm>> -> memref<128xi32, #tpu.memory_space<hbm>>
      tpu.wait_dma2 semaphore(%arg19 : memref<!tpu.dma_semaphore, #tpu.memory_space<semaphore_mem>>) src(%dma_wait3A_256 : memref<128xi32, #tpu.memory_space<hbm>>) dst(%arg12 : memref<128xi32, #tpu.memory_space<vmem>>)
      %dma_wait3A_257 = arith.constant 0 : i32
      %dma_wait3A_258 = arith.constant 0 : i32
      %dma_wait3A_259 = arith.constant 0 : i32
      %dma_wait3A_260 = tpu.memref_slice %arg4[%dma_wait3A_257, %dma_wait3A_258, %dma_wait3A_259] : memref<32x80x128xi32, #tpu.memory_space<hbm>> -> memref<1x1x128xi32, #tpu.memory_space<hbm>>
      %dma_wait3A_261 = tpu.memref_squeeze %dma_wait3A_260 : memref<1x1x128xi32, #tpu.memory_space<hbm>> -> memref<128xi32, #tpu.memory_space<hbm>>
      %dma_wait3A_262 = arith.constant 0 : i32
      %dma_wait3A_263 = tpu.memref_slice %arg4[%dma_wait3A_257, %dma_wait3A_258, %dma_wait3A_262] : memref<32x80x128xi32, #tpu.memory_space<hbm>> -> memref<1x1x128xi32, #tpu.memory_space<hbm>>
      %dma_wait3A_264 = tpu.memref_squeeze %dma_wait3A_263 : memref<1x1x128xi32, #tpu.memory_space<hbm>> -> memref<128xi32, #tpu.memory_space<hbm>>
      tpu.wait_dma2 semaphore(%arg19 : memref<!tpu.dma_semaphore, #tpu.memory_space<semaphore_mem>>) src(%dma_wait3A_264 : memref<128xi32, #tpu.memory_space<hbm>>) dst(%arg25 : memref<128xi32, #tpu.memory_space<vmem>>)
      %get3A_265 = arith.constant 0 : index
      %get3A_266 = tpu.vector_load %arg12[%get3A_265] {strides = array<i32>} : memref<128xi32, #tpu.memory_space<vmem>>, vector<16xi32>,
      %shift_right_logical3A_267 = arith.constant 7 : i32
      %shift_right_logical3A_268 = vector.broadcast %shift_right_logical3A_267 : i32 to vector<16xi32>
      %shift_right_logical3A_269 = arith.shrui %get3A_266, %shift_right_logical3A_268 : vector<16xi32>
      %and3A_270 = arith.constant 127 : i32
      %and3A_271 = vector.broadcast %and3A_270 : i32 to vector<16xi32>
      %and3A_272 = arith.andi %get3A_266, %and3A_271 : vector<16xi32>
      tpu.vector_store_idx %arg26[%shift_right_logical3A_269, %and3A_272], %broadcast_in_dim3A_9 {add = true} : memref<80x128xf32, #tpu.memory_space<vmem>>[vector<16xi32>, vector<16xi32>], vector<16xf32>,
      %get3A_273 = arith.constant 16 : index
      %get3A_274 = tpu.vector_load %arg12[%get3A_273] {strides = array<i32>} : memref<128xi32, #tpu.memory_space<vmem>>, vector<16xi32>,
      %shift_right_logical3A_275 = arith.constant 7 : i32
      %shift_right_logical3A_276 = vector.broadcast %shift_right_logical3A_275 : i32 to vector<16xi32>
      %shift_right_logical3A_277 = arith.shrui %get3A_274, %shift_right_logical3A_276 : vector<16xi32>
      %and3A_278 = arith.constant 127 : i32
      %and3A_279 = vector.broadcast %and3A_278 : i32 to vector<16xi32>
      %and3A_280 = arith.andi %get3A_274, %and3A_279 : vector<16xi32>
      tpu.vector_store_idx %arg26[%shift_right_logical3A_277, %and3A_280], %broadcast_in_dim3A_9 {add = true} : memref<80x128xf32, #tpu.memory_space<vmem>>[vector<16xi32>, vector<16xi32>], vector<16xf32>,
      %get3A_281 = arith.constant 32 : index
      %get3A_282 = tpu.vector_load %arg12[%get3A_281] {strides = array<i32>} : memref<128xi32, #tpu.memory_space<vmem>>, vector<16xi32>,
      %shift_right_logical3A_283 = arith.constant 7 : i32
      %shift_right_logical3A_284 = vector.broadcast %shift_right_logical3A_283 : i32 to vector<16xi32>
      %shift_right_logical3A_285 = arith.shrui %get3A_282, %shift_right_logical3A_284 : vector<16xi32>
      %and3A_286 = arith.constant 127 : i32
      %and3A_287 = vector.broadcast %and3A_286 : i32 to vector<16xi32>
      %and3A_288 = arith.andi %get3A_282, %and3A_287 : vector<16xi32>
      tpu.vector_store_idx %arg26[%shift_right_logical3A_285, %and3A_288], %broadcast_in_dim3A_9 {add = true} : memref<80x128xf32, #tpu.memory_space<vmem>>[vector<16xi32>, vector<16xi32>], vector<16xf32>,
      %get3A_289 = arith.constant 48 : index
      %get3A_290 = tpu.vector_load %arg12[%get3A_289] {strides = array<i32>} : memref<128xi32, #tpu.memory_space<vmem>>, vector<16xi32>,
      %shift_right_logical3A_291 = arith.constant 7 : i32
      %shift_right_logical3A_292 = vector.broadcast %shift_right_logical3A_291 : i32 to vector<16xi32>
      %shift_right_logical3A_293 = arith.shrui %get3A_290, %shift_right_logical3A_292 : vector<16xi32>
      %and3A_294 = arith.constant 127 : i32
      %and3A_295 = vector.broadcast %and3A_294 : i32 to vector<16xi32>
      %and3A_296 = arith.andi %get3A_290, %and3A_295 : vector<16xi32>
      tpu.vector_store_idx %arg26[%shift_right_logical3A_293, %and3A_296], %broadcast_in_dim3A_9 {add = true} : memref<80x128xf32, #tpu.memory_space<vmem>>[vector<16xi32>, vector<16xi32>], vector<16xf32>,
      %get3A_297 = arith.constant 64 : index
      %get3A_298 = tpu.vector_load %arg12[%get3A_297] {strides = array<i32>} : memref<128xi32, #tpu.memory_space<vmem>>, vector<16xi32>,
      %shift_right_logical3A_299 = arith.constant 7 : i32
      %shift_right_logical3A_300 = vector.broadcast %shift_right_logical3A_299 : i32 to vector<16xi32>
      %shift_right_logical3A_301 = arith.shrui %get3A_298, %shift_right_logical3A_300 : vector<16xi32>
      %and3A_302 = arith.constant 127 : i32
      %and3A_303 = vector.broadcast %and3A_302 : i32 to vector<16xi32>
      %and3A_304 = arith.andi %get3A_298, %and3A_303 : vector<16xi32>
      tpu.vector_store_idx %arg26[%shift_right_logical3A_301, %and3A_304], %broadcast_in_dim3A_9 {add = true} : memref<80x128xf32, #tpu.memory_space<vmem>>[vector<16xi32>, vector<16xi32>], vector<16xf32>,
      %get3A_305 = arith.constant 80 : index
      %get3A_306 = tpu.vector_load %arg12[%get3A_305] {strides = array<i32>} : memref<128xi32, #tpu.memory_space<vmem>>, vector<16xi32>,
      %shift_right_logical3A_307 = arith.constant 7 : i32
      %shift_right_logical3A_308 = vector.broadcast %shift_right_logical3A_307 : i32 to vector<16xi32>
      %shift_right_logical3A_309 = arith.shrui %get3A_306, %shift_right_logical3A_308 : vector<16xi32>
      %and3A_310 = arith.constant 127 : i32
      %and3A_311 = vector.broadcast %and3A_310 : i32 to vector<16xi32>
      %and3A_312 = arith.andi %get3A_306, %and3A_311 : vector<16xi32>
      tpu.vector_store_idx %arg26[%shift_right_logical3A_309, %and3A_312], %broadcast_in_dim3A_9 {add = true} : memref<80x128xf32, #tpu.memory_space<vmem>>[vector<16xi32>, vector<16xi32>], vector<16xf32>,
      %get3A_313 = arith.constant 96 : index
      %get3A_314 = tpu.vector_load %arg12[%get3A_313] {strides = array<i32>} : memref<128xi32, #tpu.memory_space<vmem>>, vector<16xi32>,
      %shift_right_logical3A_315 = arith.constant 7 : i32
      %shift_right_logical3A_316 = vector.broadcast %shift_right_logical3A_315 : i32 to vector<16xi32>
      %shift_right_logical3A_317 = arith.shrui %get3A_314, %shift_right_logical3A_316 : vector<16xi32>
      %and3A_318 = arith.constant 127 : i32
      %and3A_319 = vector.broadcast %and3A_318 : i32 to vector<16xi32>
      %and3A_320 = arith.andi %get3A_314, %and3A_319 : vector<16xi32>
      tpu.vector_store_idx %arg26[%shift_right_logical3A_317, %and3A_320], %broadcast_in_dim3A_9 {add = true} : memref<80x128xf32, #tpu.memory_space<vmem>>[vector<16xi32>, vector<16xi32>], vector<16xf32>,
      %get3A_321 = arith.constant 112 : index
      %get3A_322 = tpu.vector_load %arg12[%get3A_321] {strides = array<i32>} : memref<128xi32, #tpu.memory_space<vmem>>, vector<16xi32>,
      %shift_right_logical3A_323 = arith.constant 7 : i32
      %shift_right_logical3A_324 = vector.broadcast %shift_right_logical3A_323 : i32 to vector<16xi32>
      %shift_right_logical3A_325 = arith.shrui %get3A_322, %shift_right_logical3A_324 : vector<16xi32>
      %and3A_326 = arith.constant 127 : i32
      %and3A_327 = vector.broadcast %and3A_326 : i32 to vector<16xi32>
      %and3A_328 = arith.andi %get3A_322, %and3A_327 : vector<16xi32>
      tpu.vector_store_idx %arg26[%shift_right_logical3A_325, %and3A_328], %broadcast_in_dim3A_9 {add = true} : memref<80x128xf32, #tpu.memory_space<vmem>>[vector<16xi32>, vector<16xi32>], vector<16xf32>,
      %get3A_329 = arith.constant 0 : index
      %get3A_330 = tpu.vector_load %arg25[%get3A_329] {strides = array<i32>} : memref<128xi32, #tpu.memory_space<vmem>>, vector<16xi32>,
      %shift_right_logical3A_331 = arith.constant 7 : i32
      %shift_right_logical3A_332 = vector.broadcast %shift_right_logical3A_331 : i32 to vector<16xi32>
      %shift_right_logical3A_333 = arith.shrui %get3A_330, %shift_right_logical3A_332 : vector<16xi32>
      %and3A_334 = arith.constant 127 : i32
      %and3A_335 = vector.broadcast %and3A_334 : i32 to vector<16xi32>
      %and3A_336 = arith.andi %get3A_330, %and3A_335 : vector<16xi32>
      tpu.vector_store_idx %arg26[%shift_right_logical3A_333, %and3A_336], %broadcast_in_dim3A_9 {add = true} : memref<80x128xf32, #tpu.memory_space<vmem>>[vector<16xi32>, vector<16xi32>], vector<16xf32>,
      %get3A_337 = arith.constant 16 : index
      %get3A_338 = tpu.vector_load %arg25[%get3A_337] {strides = array<i32>} : memref<128xi32, #tpu.memory_space<vmem>>, vector<16xi32>,
      %shift_right_logical3A_339 = arith.constant 7 : i32
      %shift_right_logical3A_340 = vector.broadcast %shift_right_logical3A_339 : i32 to vector<16xi32>
      %shift_right_logical3A_341 = arith.shrui %get3A_338, %shift_right_logical3A_340 : vector<16xi32>
      %and3A_342 = arith.constant 127 : i32
      %and3A_343 = vector.broadcast %and3A_342 : i32 to vector<16xi32>
      %and3A_344 = arith.andi %get3A_338, %and3A_343 : vector<16xi32>
      tpu.vector_store_idx %arg26[%shift_right_logical3A_341, %and3A_344], %broadcast_in_dim3A_9 {add = true} : memref<80x128xf32, #tpu.memory_space<vmem>>[vector<16xi32>, vector<16xi32>], vector<16xf32>,
      %get3A_345 = arith.constant 32 : index
      %get3A_346 = tpu.vector_load %arg25[%get3A_345] {strides = array<i32>} : memref<128xi32, #tpu.memory_space<vmem>>, vector<16xi32>,
      %shift_right_logical3A_347 = arith.constant 7 : i32
      %shift_right_logical3A_348 = vector.broadcast %shift_right_logical3A_347 : i32 to vector<16xi32>
      %shift_right_logical3A_349 = arith.shrui %get3A_346, %shift_right_logical3A_348 : vector<16xi32>
      %and3A_350 = arith.constant 127 : i32
      %and3A_351 = vector.broadcast %and3A_350 : i32 to vector<16xi32>
      %and3A_352 = arith.andi %get3A_346, %and3A_351 : vector<16xi32>
      tpu.vector_store_idx %arg26[%shift_right_logical3A_349, %and3A_352], %broadcast_in_dim3A_9 {add = true} : memref<80x128xf32, #tpu.memory_space<vmem>>[vector<16xi32>, vector<16xi32>], vector<16xf32>,
      %get3A_353 = arith.constant 48 : index
      %get3A_354 = tpu.vector_load %arg25[%get3A_353] {strides = array<i32>} : memref<128xi32, #tpu.memory_space<vmem>>, vector<16xi32>,
      %shift_right_logical3A_355 = arith.constant 7 : i32
      %shift_right_logical3A_356 = vector.broadcast %shift_right_logical3A_355 : i32 to vector<16xi32>
      %shift_right_logical3A_357 = arith.shrui %get3A_354, %shift_right_logical3A_356 : vector<16xi32>
      %and3A_358 = arith.constant 127 : i32
      %and3A_359 = vector.broadcast %and3A_358 : i32 to vector<16xi32>
      %and3A_360 = arith.andi %get3A_354, %and3A_359 : vector<16xi32>
      tpu.vector_store_idx %arg26[%shift_right_logical3A_357, %and3A_360], %broadcast_in_dim3A_9 {add = true} : memref<80x128xf32, #tpu.memory_space<vmem>>[vector<16xi32>, vector<16xi32>], vector<16xf32>,
      %get3A_361 = arith.constant 64 : index
      %get3A_362 = tpu.vector_load %arg25[%get3A_361] {strides = array<i32>} : memref<128xi32, #tpu.memory_space<vmem>>, vector<16xi32>,
      %shift_right_logical3A_363 = arith.constant 7 : i32
      %shift_right_logical3A_364 = vector.broadcast %shift_right_logical3A_363 : i32 to vector<16xi32>
      %shift_right_logical3A_365 = arith.shrui %get3A_362, %shift_right_logical3A_364 : vector<16xi32>
      %and3A_366 = arith.constant 127 : i32
      %and3A_367 = vector.broadcast %and3A_366 : i32 to vector<16xi32>
      %and3A_368 = arith.andi %get3A_362, %and3A_367 : vector<16xi32>
      tpu.vector_store_idx %arg26[%shift_right_logical3A_365, %and3A_368], %broadcast_in_dim3A_9 {add = true} : memref<80x128xf32, #tpu.memory_space<vmem>>[vector<16xi32>, vector<16xi32>], vector<16xf32>,
      %get3A_369 = arith.constant 80 : index
      %get3A_370 = tpu.vector_load %arg25[%get3A_369] {strides = array<i32>} : memref<128xi32, #tpu.memory_space<vmem>>, vector<16xi32>,
      %shift_right_logical3A_371 = arith.constant 7 : i32
      %shift_right_logical3A_372 = vector.broadcast %shift_right_logical3A_371 : i32 to vector<16xi32>
      %shift_right_logical3A_373 = arith.shrui %get3A_370, %shift_right_logical3A_372 : vector<16xi32>
      %and3A_374 = arith.constant 127 : i32
      %and3A_375 = vector.broadcast %and3A_374 : i32 to vector<16xi32>
      %and3A_376 = arith.andi %get3A_370, %and3A_375 : vector<16xi32>
      tpu.vector_store_idx %arg26[%shift_right_logical3A_373, %and3A_376], %broadcast_in_dim3A_9 {add = true} : memref<80x128xf32, #tpu.memory_space<vmem>>[vector<16xi32>, vector<16xi32>], vector<16xf32>,
      %get3A_377 = arith.constant 96 : index
      %get3A_378 = tpu.vector_load %arg25[%get3A_377] {strides = array<i32>} : memref<128xi32, #tpu.memory_space<vmem>>, vector<16xi32>,
      %shift_right_logical3A_379 = arith.constant 7 : i32
      %shift_right_logical3A_380 = vector.broadcast %shift_right_logical3A_379 : i32 to vector<16xi32>
      %shift_right_logical3A_381 = arith.shrui %get3A_378, %shift_right_logical3A_380 : vector<16xi32>
      %and3A_382 = arith.constant 127 : i32
      %and3A_383 = vector.broadcast %and3A_382 : i32 to vector<16xi32>
      %and3A_384 = arith.andi %get3A_378, %and3A_383 : vector<16xi32>
      tpu.vector_store_idx %arg26[%shift_right_logical3A_381, %and3A_384], %broadcast_in_dim3A_9 {add = true} : memref<80x128xf32, #tpu.memory_space<vmem>>[vector<16xi32>, vector<16xi32>], vector<16xf32>,
      %get3A_385 = arith.constant 112 : index
      %get3A_386 = tpu.vector_load %arg25[%get3A_385] {strides = array<i32>} : memref<128xi32, #tpu.memory_space<vmem>>, vector<16xi32>,
      %shift_right_logical3A_387 = arith.constant 7 : i32
      %shift_right_logical3A_388 = vector.broadcast %shift_right_logical3A_387 : i32 to vector<16xi32>
      %shift_right_logical3A_389 = arith.shrui %get3A_386, %shift_right_logical3A_388 : vector<16xi32>
      %and3A_390 = arith.constant 127 : i32
      %and3A_391 = vector.broadcast %and3A_390 : i32 to vector<16xi32>
      %and3A_392 = arith.andi %get3A_386, %and3A_391 : vector<16xi32>
      tpu.vector_store_idx %arg26[%shift_right_logical3A_389, %and3A_392], %broadcast_in_dim3A_9 {add = true} : memref<80x128xf32, #tpu.memory_space<vmem>>[vector<16xi32>, vector<16xi32>], vector<16xf32>,
      %dma_start3A_393 = arith.constant 0 : i32
      %dma_start3A_394 = arith.constant 0 : i32
      %dma_start3A_395 = tpu.memref_slice %arg15[%dma_start3A_393, %dma_start3A_394] : memref<10240x128xf32, #tpu.memory_space<vmem_shared>> -> memref<10240x128xf32, #tpu.memory_space<vmem_shared>>
      tpu.enqueue_indirect_dma source(%arg14 : memref<128x128xf32, #tpu.memory_space<vmem>>) target(%dma_start3A_395 : memref<10240x128xf32, #tpu.memory_space<vmem_shared>>) offsets(%arg12 : memref<128xi32, #tpu.memory_space<vmem>>) semaphore(%arg23 : memref<!tpu.dma_semaphore, #tpu.memory_space<semaphore_mem>>) {add = true}
      %add3A_396 = arith.constant 2 : i32
      %add3A_397 = arith.addi %add3A_233, %add3A_396 : i32
      %lt3A_398 = arith.constant 80 : i32
      %lt3A_399 = arith.cmpi slt, %add3A_397, %lt3A_398 : i32
      %convert_element_type3A_400 = arith.extui %lt3A_399 : i1 to i32
      %cond3A_401 = arith.constant 0 : i32
      %cond3A_402 = arith.cmpi ne, %convert_element_type3A_400, %cond3A_401 : i32
      scf.if %cond3A_402 {
        %add3A_403 = arith.constant 2 : i32
        %add3A_404 = arith.addi %add3A_233, %add3A_403 : i32
        %dma_start3A_405 = arith.constant 0 : i32
        %dma_start3A_406 = tpu.memref_slice %arg3[%add3A, %add3A_404, %dma_start3A_405] : memref<32x80x128xi32, #tpu.memory_space<hbm>> -> memref<1x1x128xi32, #tpu.memory_space<hbm>>
        %dma_start3A_407 = tpu.memref_squeeze %dma_start3A_406 : memref<1x1x128xi32, #tpu.memory_space<hbm>> -> memref<128xi32, #tpu.memory_space<hbm>>
        %dma_start3A_408 = arith.constant 0 : i32
        %dma_start3A_409 = tpu.memref_slice %arg3[%add3A, %add3A_404, %dma_start3A_408] : memref<32x80x128xi32, #tpu.memory_space<hbm>> -> memref<1x1x128xi32, #tpu.memory_space<hbm>>
        %dma_start3A_410 = tpu.memref_squeeze %dma_start3A_409 : memref<1x1x128xi32, #tpu.memory_space<hbm>> -> memref<128xi32, #tpu.memory_space<hbm>>
        tpu.enqueue_dma source(%dma_start3A_410 : memref<128xi32, #tpu.memory_space<hbm>>) target(%arg10 : memref<128xi32, #tpu.memory_space<vmem>>) target_semaphore(%arg17 : memref<!tpu.dma_semaphore, #tpu.memory_space<semaphore_mem>>)
      } else {
      }
    }
    %scan3A_51 = arith.constant 40 : i32
    %dma_wait3A_52 = arith.constant 0 : i32
    %dma_wait3A_53 = arith.constant 0 : i32
    %dma_wait3A_54 = tpu.memref_slice %arg15[%dma_wait3A_52, %dma_wait3A_53] : memref<10240x128xf32, #tpu.memory_space<vmem_shared>> -> memref<10240x128xf32, #tpu.memory_space<vmem_shared>>
    tpu.wait_indirect_dma semaphore(%arg23 : memref<!tpu.dma_semaphore, #tpu.memory_space<semaphore_mem>>) src(%arg14 : memref<128x128xf32, #tpu.memory_space<vmem>>) dst(%dma_wait3A_54 : memref<10240x128xf32, #tpu.memory_space<vmem_shared>>)
    %barrier3A_55 = arith.constant 0 : index
    tpu.barrier barrier_id(%barrier3A_55)
    "tpu.region"() ({
      %run_scoped3A = tpu.sem_alloc : memref<!tpu.dma_semaphore, #tpu.memory_space<semaphore_mem>>
      %dma_start3A_62 = arith.constant 0 : i32
      %dma_start3A_63 = tpu.memref_slice %arg7[%arg0, %multiple_of3A, %dma_start3A_62] : memref<2x10240x128xf32, #tpu.memory_space<hbm>> -> memref<1x640x128xf32, #tpu.memory_space<hbm>>
      %dma_start3A_64 = tpu.memref_squeeze %dma_start3A_63 : memref<1x640x128xf32, #tpu.memory_space<hbm>> -> memref<640x128xf32, #tpu.memory_space<hbm>>
      %dma_start3A_65 = arith.constant 0 : i32
      %dma_start3A_66 = tpu.memref_slice %arg15[%multiple_of3A, %dma_start3A_65] : memref<10240x128xf32, #tpu.memory_space<vmem_shared>> -> memref<640x128xf32, #tpu.memory_space<vmem_shared>>
      tpu.enqueue_dma source(%dma_start3A_66 : memref<640x128xf32, #tpu.memory_space<vmem_shared>>) target(%dma_start3A_64 : memref<640x128xf32, #tpu.memory_space<hbm>>) target_semaphore(%run_scoped3A : memref<!tpu.dma_semaphore, #tpu.memory_space<semaphore_mem>>)
      %dma_wait3A_67 = arith.constant 0 : i32
      %dma_wait3A_68 = tpu.memref_slice %arg7[%arg0, %multiple_of3A, %dma_wait3A_67] : memref<2x10240x128xf32, #tpu.memory_space<hbm>> -> memref<1x640x128xf32, #tpu.memory_space<hbm>>
      %dma_wait3A_69 = tpu.memref_squeeze %dma_wait3A_68 : memref<1x640x128xf32, #tpu.memory_space<hbm>> -> memref<640x128xf32, #tpu.memory_space<hbm>>
      %dma_wait3A_70 = arith.constant 0 : i32
      %dma_wait3A_71 = tpu.memref_slice %arg15[%multiple_of3A, %dma_wait3A_70] : memref<10240x128xf32, #tpu.memory_space<vmem_shared>> -> memref<640x128xf32, #tpu.memory_space<vmem_shared>>
      tpu.wait_dma2 semaphore(%run_scoped3A : memref<!tpu.dma_semaphore, #tpu.memory_space<semaphore_mem>>) src(%dma_wait3A_71 : memref<640x128xf32, #tpu.memory_space<vmem_shared>>) dst(%dma_wait3A_69 : memref<640x128xf32, #tpu.memory_space<hbm>>)
      tpu.yield
    }) : () -> ()
    "tpu.region"() ({
      %run_scoped3A = tpu.sem_alloc : memref<!tpu.dma_semaphore, #tpu.memory_space<semaphore_mem>>
      %dma_start3A_62 = arith.constant 0 : i32
      %dma_start3A_63 = arith.constant 0 : i32
      %dma_start3A_64 = tpu.memref_slice %arg28[%dma_start3A_62, %dma_start3A_63] : memref<80x128xf32, #tpu.memory_space<vmem_shared>> -> memref<80x128xf32, #tpu.memory_space<vmem_shared>>
      tpu.enqueue_indirect_dma source(%arg26 : memref<80x128xf32, #tpu.memory_space<vmem>>) target(%dma_start3A_64 : memref<80x128xf32, #tpu.memory_space<vmem_shared>>) offsets(%arg27 : memref<80xi32, #tpu.memory_space<vmem>>) semaphore(%run_scoped3A : memref<!tpu.dma_semaphore, #tpu.memory_space<semaphore_mem>>) {add = true}
      %dma_wait3A_65 = arith.constant 0 : i32
      %dma_wait3A_66 = arith.constant 0 : i32
      %dma_wait3A_67 = tpu.memref_slice %arg28[%dma_wait3A_65, %dma_wait3A_66] : memref<80x128xf32, #tpu.memory_space<vmem_shared>> -> memref<80x128xf32, #tpu.memory_space<vmem_shared>>
      tpu.wait_indirect_dma semaphore(%run_scoped3A : memref<!tpu.dma_semaphore, #tpu.memory_space<semaphore_mem>>) src(%arg26 : memref<80x128xf32, #tpu.memory_space<vmem>>) dst(%dma_wait3A_67 : memref<80x128xf32, #tpu.memory_space<vmem_shared>>)
      tpu.yield
    }) : () -> ()
    %barrier3A_56 = arith.constant 0 : index
    tpu.barrier barrier_id(%barrier3A_56)
    %lt3A_57 = arith.constant 10 : i32
    %lt3A_58 = arith.cmpi slt, %arg1, %lt3A_57 : i32
    %convert_element_type3A_59 = arith.extui %lt3A_58 : i1 to i32
    %cond3A_60 = arith.constant 0 : i32
    %cond3A_61 = arith.cmpi ne, %convert_element_type3A_59, %cond3A_60 : i32
    scf.if %cond3A_61 {
      %mul3A_62 = arith.constant 8 : i32
      %mul3A_63 = arith.muli %arg1, %mul3A_62 : i32
      %mul3A_64 = arith.constant 80 : i32
      %mul3A_65 = arith.muli %arg0, %mul3A_64 : i32
      %mul3A_66 = arith.constant 8 : i32
      %mul3A_67 = arith.muli %arg1, %mul3A_66 : i32
      %add3A_68 = arith.addi %mul3A_65, %mul3A_67 : i32
      "tpu.region"() ({
        %run_scoped3A = tpu.sem_alloc : memref<!tpu.dma_semaphore, #tpu.memory_space<semaphore_mem>>
        %dma_start3A_69 = arith.constant 0 : i32
        %dma_start3A_70 = tpu.memref_slice %arg8[%add3A_68, %dma_start3A_69] : memref<160x128xf32, #tpu.memory_space<hbm>> -> memref<8x128xf32, #tpu.memory_space<hbm>>
        %dma_start3A_71 = arith.constant 0 : i32
        %dma_start3A_72 = tpu.memref_slice %arg28[%mul3A_63, %dma_start3A_71] : memref<80x128xf32, #tpu.memory_space<vmem_shared>> -> memref<8x128xf32, #tpu.memory_space<vmem_shared>>
        tpu.enqueue_dma source(%dma_start3A_72 : memref<8x128xf32, #tpu.memory_space<vmem_shared>>) target(%dma_start3A_70 : memref<8x128xf32, #tpu.memory_space<hbm>>) target_semaphore(%run_scoped3A : memref<!tpu.dma_semaphore, #tpu.memory_space<semaphore_mem>>)
        %dma_wait3A_73 = arith.constant 0 : i32
        %dma_wait3A_74 = tpu.memref_slice %arg8[%add3A_68, %dma_wait3A_73] : memref<160x128xf32, #tpu.memory_space<hbm>> -> memref<8x128xf32, #tpu.memory_space<hbm>>
        %dma_wait3A_75 = arith.constant 0 : i32
        %dma_wait3A_76 = tpu.memref_slice %arg28[%mul3A_63, %dma_wait3A_75] : memref<80x128xf32, #tpu.memory_space<vmem_shared>> -> memref<8x128xf32, #tpu.memory_space<vmem_shared>>
        tpu.wait_dma2 semaphore(%run_scoped3A : memref<!tpu.dma_semaphore, #tpu.memory_space<semaphore_mem>>) src(%dma_wait3A_76 : memref<8x128xf32, #tpu.memory_space<vmem_shared>>) dst(%dma_wait3A_74 : memref<8x128xf32, #tpu.memory_space<hbm>>)
        tpu.yield
      }) : () -> ()
    } else {
    }
    return
  }
}

module attributes {stable_mosaic.version = 14 : i64} {
  func.func @_mm2_body(%arg0: memref<10000x128xf32, #tpu.memory_space<vmem>>, %arg1: memref<128x128xf32, #tpu.memory_space<vmem>>, %arg2: memref<128x128xf32, #tpu.memory_space<vmem>>, %arg3: memref<10000x128xf32, #tpu.memory_space<vmem>>, %arg4: memref<10000x128xf32, #tpu.memory_space<vmem>>) attributes {dimension_semantics = [], scalar_prefetch = 0 : i64, scratch_operands = 0 : i64, tpu.core_type = #tpu.core_type<tc>} {
    %get3A = arith.constant 0 : index
    %get3A_0 = arith.constant 0 : index
    %get3A_1 = vector.load %arg0[%get3A, %get3A_0] : memref<10000x128xf32, #tpu.memory_space<vmem>>, vector<10000x128xf32>
    %get3A_2 = arith.constant 0 : index
    %get3A_3 = arith.constant 0 : index
    %get3A_4 = vector.load %arg1[%get3A_2, %get3A_3] : memref<128x128xf32, #tpu.memory_space<vmem>>, vector<128x128xf32>
    %dot_general3A = arith.constant dense<0.000000e+00> : vector<10000x128xf32>
    %dot_general3A_5 = tpu.matmul %get3A_1, %get3A_4, %dot_general3A {dimension_numbers = #tpu.dot_dimension_numbers<[1], [0], [0], [1], [0, 0, 1, 1], [], []>, transpose_lhs_hint = false} : vector<10000x128xf32>, vector<128x128xf32>, vector<10000x128xf32> -> vector<10000x128xf32>
    %swap3A = arith.constant 0 : index
    %swap3A_6 = arith.constant 0 : index
    %swap3A_7 = vector.load %arg3[%swap3A, %swap3A_6] : memref<10000x128xf32, #tpu.memory_space<vmem>>, vector<10000x128xf32>
    tpu.vector_store %arg3[%swap3A, %swap3A_6], %dot_general3A_5 {strides = array<i32>} : memref<10000x128xf32, #tpu.memory_space<vmem>>, vector<10000x128xf32>,
    %get3A_8 = arith.constant 0 : index
    %get3A_9 = arith.constant 0 : index
    %get3A_10 = vector.load %arg2[%get3A_8, %get3A_9] : memref<128x128xf32, #tpu.memory_space<vmem>>, vector<128x128xf32>
    %dot_general3A_11 = arith.constant dense<0.000000e+00> : vector<10000x128xf32>
    %dot_general3A_12 = tpu.matmul %get3A_1, %get3A_10, %dot_general3A_11 {dimension_numbers = #tpu.dot_dimension_numbers<[1], [0], [0], [1], [0, 0, 1, 1], [], []>, transpose_lhs_hint = false} : vector<10000x128xf32>, vector<128x128xf32>, vector<10000x128xf32> -> vector<10000x128xf32>
    %swap3A_13 = arith.constant 0 : index
    %swap3A_14 = arith.constant 0 : index
    %swap3A_15 = vector.load %arg4[%swap3A_13, %swap3A_14] : memref<10000x128xf32, #tpu.memory_space<vmem>>, vector<10000x128xf32>
    tpu.vector_store %arg4[%swap3A_13, %swap3A_14], %dot_general3A_12 {strides = array<i32>} : memref<10000x128xf32, #tpu.memory_space<vmem>>, vector<10000x128xf32>,
    return
  }
}

module attributes {stable_mosaic.version = 14 : i64} {
  func.func @_combine_first_body(%arg0: memref<10000x128xf32, #tpu.memory_space<vmem>>, %arg1: memref<2x10000x128xf32, #tpu.memory_space<vmem>>, %arg2: memref<10000x1xf32, #tpu.memory_space<vmem>>, %arg3: memref<1x128xf32, #tpu.memory_space<vmem>>, %arg4: memref<1x128xf32, #tpu.memory_space<vmem>>, %arg5: memref<128x128xf32, #tpu.memory_space<vmem>>, %arg6: memref<128x128xf32, #tpu.memory_space<vmem>>, %arg7: memref<10000x128xf32, #tpu.memory_space<vmem>>, %arg8: memref<10000x128xf32, #tpu.memory_space<vmem>>, %arg9: memref<10000x1xf32, #tpu.memory_space<vmem>>) attributes {dimension_semantics = [], scalar_prefetch = 0 : i64, scratch_operands = 0 : i64, tpu.core_type = #tpu.core_type<tc>} {
    %get3A = arith.constant 0 : index
    %get3A_0 = arith.constant 0 : index
    %get3A_1 = vector.load %arg2[%get3A, %get3A_0] : memref<10000x1xf32, #tpu.memory_space<vmem>>, vector<10000x1xf32>
    %max3A = arith.constant 1.000000e+00 : f32
    %max3A_2 = vector.broadcast %max3A : f32 to vector<10000x1xf32>
    %max3A_3 = arith.maximumf %get3A_1, %max3A_2 : vector<10000x1xf32>
    %div3A = arith.constant 1.000000e+00 : f32
    %div3A_4 = vector.broadcast %div3A : f32 to vector<10000x1xf32>
    %div3A_5 = arith.divf %div3A_4, %max3A_3 : vector<10000x1xf32>
    %get3A_6 = arith.constant 0 : index
    %get3A_7 = arith.constant 0 : index
    %get3A_8 = vector.load %arg0[%get3A_6, %get3A_7] : memref<10000x128xf32, #tpu.memory_space<vmem>>, vector<10000x128xf32>
    %get3A_9 = arith.constant 0 : index
    %get3A_10 = arith.constant 0 : index
    %get3A_11 = arith.constant 0 : index
    %get3A_12 = vector.load %arg1[%get3A_9, %get3A_10, %get3A_11] : memref<2x10000x128xf32, #tpu.memory_space<vmem>>, vector<1x10000x128xf32>
    %get3A_13 = vector.shape_cast %get3A_12 : vector<1x10000x128xf32> to vector<10000x128xf32>
    %get3A_14 = arith.constant 1 : index
    %get3A_15 = arith.constant 0 : index
    %get3A_16 = arith.constant 0 : index
    %get3A_17 = vector.load %arg1[%get3A_14, %get3A_15, %get3A_16] : memref<2x10000x128xf32, #tpu.memory_space<vmem>>, vector<1x10000x128xf32>
    %get3A_18 = vector.shape_cast %get3A_17 : vector<1x10000x128xf32> to vector<10000x128xf32>
    %add3A = arith.addf %get3A_13, %get3A_18 : vector<10000x128xf32>
    %mul3A = vector.broadcast %div3A_5 : vector<10000x1xf32> to vector<10000x128xf32>
    %mul3A_19 = arith.mulf %add3A, %mul3A : vector<10000x128xf32>
    %add3A_20 = arith.addf %get3A_8, %mul3A_19 : vector<10000x128xf32>
    %reduce_sum3A = arith.constant dense<0.000000e+00> : vector<128xf32>
    %reduce_sum3A_21 = vector.multi_reduction <add>, %add3A_20, %reduce_sum3A [0] : vector<10000x128xf32> to vector<128xf32>
    %broadcast_in_dim3A = vector.shape_cast %reduce_sum3A_21 : vector<128xf32> to vector<1x128xf32>
    %div3A_22 = arith.constant 1.000000e+04 : f32
    %div3A_23 = vector.broadcast %div3A_22 : f32 to vector<1x128xf32>
    %div3A_24 = arith.divf %broadcast_in_dim3A, %div3A_23 : vector<1x128xf32>
    %sub3A = vector.broadcast %div3A_24 : vector<1x128xf32> to vector<10000x128xf32>
    %sub3A_25 = arith.subf %add3A_20, %sub3A : vector<10000x128xf32>
    %integer_pow3A = arith.mulf %sub3A_25, %sub3A_25 : vector<10000x128xf32>
    %reduce_sum3A_26 = arith.constant dense<0.000000e+00> : vector<128xf32>
    %reduce_sum3A_27 = vector.multi_reduction <add>, %integer_pow3A, %reduce_sum3A_26 [0] : vector<10000x128xf32> to vector<128xf32>
    %broadcast_in_dim3A_28 = vector.shape_cast %reduce_sum3A_27 : vector<128xf32> to vector<1x128xf32>
    %div3A_29 = arith.constant 1.000000e+04 : f32
    %div3A_30 = vector.broadcast %div3A_29 : f32 to vector<1x128xf32>
    %div3A_31 = arith.divf %broadcast_in_dim3A_28, %div3A_30 : vector<1x128xf32>
    %sub3A_32 = vector.broadcast %div3A_24 : vector<1x128xf32> to vector<10000x128xf32>
    %sub3A_33 = arith.subf %add3A_20, %sub3A_32 : vector<10000x128xf32>
    %add3A_34 = arith.constant 9.99999974E-6 : f32
    %add3A_35 = vector.broadcast %add3A_34 : f32 to vector<1x128xf32>
    %add3A_36 = arith.addf %div3A_31, %add3A_35 : vector<1x128xf32>
    %rsqrt3A = math.rsqrt %add3A_36 : vector<1x128xf32>
    %mul3A_37 = vector.broadcast %rsqrt3A : vector<1x128xf32> to vector<10000x128xf32>
    %mul3A_38 = arith.mulf %sub3A_33, %mul3A_37 : vector<10000x128xf32>
    %get3A_39 = arith.constant 0 : index
    %get3A_40 = arith.constant 0 : index
    %get3A_41 = vector.load %arg3[%get3A_39, %get3A_40] : memref<1x128xf32, #tpu.memory_space<vmem>>, vector<1x128xf32>
    %mul3A_42 = vector.broadcast %get3A_41 : vector<1x128xf32> to vector<10000x128xf32>
    %mul3A_43 = arith.mulf %mul3A_38, %mul3A_42 : vector<10000x128xf32>
    %get3A_44 = arith.constant 0 : index
    %get3A_45 = arith.constant 0 : index
    %get3A_46 = vector.load %arg4[%get3A_44, %get3A_45] : memref<1x128xf32, #tpu.memory_space<vmem>>, vector<1x128xf32>
    %add3A_47 = vector.broadcast %get3A_46 : vector<1x128xf32> to vector<10000x128xf32>
    %add3A_48 = arith.addf %mul3A_43, %add3A_47 : vector<10000x128xf32>
    %max3A_49 = arith.constant 0.000000e+00 : f32
    %max3A_50 = vector.broadcast %max3A_49 : f32 to vector<10000x128xf32>
    %max3A_51 = arith.maximumf %add3A_48, %max3A_50 : vector<10000x128xf32>
    %get3A_52 = arith.constant 0 : index
    %get3A_53 = arith.constant 0 : index
    %get3A_54 = vector.load %arg5[%get3A_52, %get3A_53] : memref<128x128xf32, #tpu.memory_space<vmem>>, vector<128x128xf32>
    %dot_general3A = arith.constant dense<0.000000e+00> : vector<10000x128xf32>
    %dot_general3A_55 = tpu.matmul %max3A_51, %get3A_54, %dot_general3A {dimension_numbers = #tpu.dot_dimension_numbers<[1], [0], [0], [1], [0, 0, 1, 1], [], []>, transpose_lhs_hint = false} : vector<10000x128xf32>, vector<128x128xf32>, vector<10000x128xf32> -> vector<10000x128xf32>
    %swap3A = arith.constant 0 : index
    %swap3A_56 = arith.constant 0 : index
    %swap3A_57 = vector.load %arg7[%swap3A, %swap3A_56] : memref<10000x128xf32, #tpu.memory_space<vmem>>, vector<10000x128xf32>
    tpu.vector_store %arg7[%swap3A, %swap3A_56], %dot_general3A_55 {strides = array<i32>} : memref<10000x128xf32, #tpu.memory_space<vmem>>, vector<10000x128xf32>,
    %get3A_58 = arith.constant 0 : index
    %get3A_59 = arith.constant 0 : index
    %get3A_60 = vector.load %arg6[%get3A_58, %get3A_59] : memref<128x128xf32, #tpu.memory_space<vmem>>, vector<128x128xf32>
    %dot_general3A_61 = arith.constant dense<0.000000e+00> : vector<10000x128xf32>
    %dot_general3A_62 = tpu.matmul %max3A_51, %get3A_60, %dot_general3A_61 {dimension_numbers = #tpu.dot_dimension_numbers<[1], [0], [0], [1], [0, 0, 1, 1], [], []>, transpose_lhs_hint = false} : vector<10000x128xf32>, vector<128x128xf32>, vector<10000x128xf32> -> vector<10000x128xf32>
    %swap3A_63 = arith.constant 0 : index
    %swap3A_64 = arith.constant 0 : index
    %swap3A_65 = vector.load %arg8[%swap3A_63, %swap3A_64] : memref<10000x128xf32, #tpu.memory_space<vmem>>, vector<10000x128xf32>
    tpu.vector_store %arg8[%swap3A_63, %swap3A_64], %dot_general3A_62 {strides = array<i32>} : memref<10000x128xf32, #tpu.memory_space<vmem>>, vector<10000x128xf32>,
    %swap3A_66 = arith.constant 0 : index
    %swap3A_67 = arith.constant 0 : index
    %swap3A_68 = vector.load %arg9[%swap3A_66, %swap3A_67] : memref<10000x1xf32, #tpu.memory_space<vmem>>, vector<10000x1xf32>
    tpu.vector_store %arg9[%swap3A_66, %swap3A_67], %div3A_5 {strides = array<i32>} : memref<10000x1xf32, #tpu.memory_space<vmem>>, vector<10000x1xf32>,
    return
  }
}

module attributes {stable_mosaic.version = 14 : i64} {
  func.func @_combine_next_body(%arg0: memref<10000x128xf32, #tpu.memory_space<vmem>>, %arg1: memref<2x10000x128xf32, #tpu.memory_space<vmem>>, %arg2: memref<10000x1xf32, #tpu.memory_space<vmem>>, %arg3: memref<1x128xf32, #tpu.memory_space<vmem>>, %arg4: memref<1x128xf32, #tpu.memory_space<vmem>>, %arg5: memref<128x128xf32, #tpu.memory_space<vmem>>, %arg6: memref<128x128xf32, #tpu.memory_space<vmem>>, %arg7: memref<10000x128xf32, #tpu.memory_space<vmem>>, %arg8: memref<10000x128xf32, #tpu.memory_space<vmem>>) attributes {dimension_semantics = [], scalar_prefetch = 0 : i64, scratch_operands = 0 : i64, tpu.core_type = #tpu.core_type<tc>} {
    %get3A = arith.constant 0 : index
    %get3A_0 = arith.constant 0 : index
    %get3A_1 = vector.load %arg2[%get3A, %get3A_0] : memref<10000x1xf32, #tpu.memory_space<vmem>>, vector<10000x1xf32>
    %get3A_2 = arith.constant 0 : index
    %get3A_3 = arith.constant 0 : index
    %get3A_4 = vector.load %arg0[%get3A_2, %get3A_3] : memref<10000x128xf32, #tpu.memory_space<vmem>>, vector<10000x128xf32>
    %get3A_5 = arith.constant 0 : index
    %get3A_6 = arith.constant 0 : index
    %get3A_7 = arith.constant 0 : index
    %get3A_8 = vector.load %arg1[%get3A_5, %get3A_6, %get3A_7] : memref<2x10000x128xf32, #tpu.memory_space<vmem>>, vector<1x10000x128xf32>
    %get3A_9 = vector.shape_cast %get3A_8 : vector<1x10000x128xf32> to vector<10000x128xf32>
    %get3A_10 = arith.constant 1 : index
    %get3A_11 = arith.constant 0 : index
    %get3A_12 = arith.constant 0 : index
    %get3A_13 = vector.load %arg1[%get3A_10, %get3A_11, %get3A_12] : memref<2x10000x128xf32, #tpu.memory_space<vmem>>, vector<1x10000x128xf32>
    %get3A_14 = vector.shape_cast %get3A_13 : vector<1x10000x128xf32> to vector<10000x128xf32>
    %add3A = arith.addf %get3A_9, %get3A_14 : vector<10000x128xf32>
    %mul3A = vector.broadcast %get3A_1 : vector<10000x1xf32> to vector<10000x128xf32>
    %mul3A_15 = arith.mulf %add3A, %mul3A : vector<10000x128xf32>
    %add3A_16 = arith.addf %get3A_4, %mul3A_15 : vector<10000x128xf32>
    %reduce_sum3A = arith.constant dense<0.000000e+00> : vector<128xf32>
    %reduce_sum3A_17 = vector.multi_reduction <add>, %add3A_16, %reduce_sum3A [0] : vector<10000x128xf32> to vector<128xf32>
    %broadcast_in_dim3A = vector.shape_cast %reduce_sum3A_17 : vector<128xf32> to vector<1x128xf32>
    %div3A = arith.constant 1.000000e+04 : f32
    %div3A_18 = vector.broadcast %div3A : f32 to vector<1x128xf32>
    %div3A_19 = arith.divf %broadcast_in_dim3A, %div3A_18 : vector<1x128xf32>
    %sub3A = vector.broadcast %div3A_19 : vector<1x128xf32> to vector<10000x128xf32>
    %sub3A_20 = arith.subf %add3A_16, %sub3A : vector<10000x128xf32>
    %integer_pow3A = arith.mulf %sub3A_20, %sub3A_20 : vector<10000x128xf32>
    %reduce_sum3A_21 = arith.constant dense<0.000000e+00> : vector<128xf32>
    %reduce_sum3A_22 = vector.multi_reduction <add>, %integer_pow3A, %reduce_sum3A_21 [0] : vector<10000x128xf32> to vector<128xf32>
    %broadcast_in_dim3A_23 = vector.shape_cast %reduce_sum3A_22 : vector<128xf32> to vector<1x128xf32>
    %div3A_24 = arith.constant 1.000000e+04 : f32
    %div3A_25 = vector.broadcast %div3A_24 : f32 to vector<1x128xf32>
    %div3A_26 = arith.divf %broadcast_in_dim3A_23, %div3A_25 : vector<1x128xf32>
    %sub3A_27 = vector.broadcast %div3A_19 : vector<1x128xf32> to vector<10000x128xf32>
    %sub3A_28 = arith.subf %add3A_16, %sub3A_27 : vector<10000x128xf32>
    %add3A_29 = arith.constant 9.99999974E-6 : f32
    %add3A_30 = vector.broadcast %add3A_29 : f32 to vector<1x128xf32>
    %add3A_31 = arith.addf %div3A_26, %add3A_30 : vector<1x128xf32>
    %rsqrt3A = math.rsqrt %add3A_31 : vector<1x128xf32>
    %mul3A_32 = vector.broadcast %rsqrt3A : vector<1x128xf32> to vector<10000x128xf32>
    %mul3A_33 = arith.mulf %sub3A_28, %mul3A_32 : vector<10000x128xf32>
    %get3A_34 = arith.constant 0 : index
    %get3A_35 = arith.constant 0 : index
    %get3A_36 = vector.load %arg3[%get3A_34, %get3A_35] : memref<1x128xf32, #tpu.memory_space<vmem>>, vector<1x128xf32>
    %mul3A_37 = vector.broadcast %get3A_36 : vector<1x128xf32> to vector<10000x128xf32>
    %mul3A_38 = arith.mulf %mul3A_33, %mul3A_37 : vector<10000x128xf32>
    %get3A_39 = arith.constant 0 : index
    %get3A_40 = arith.constant 0 : index
    %get3A_41 = vector.load %arg4[%get3A_39, %get3A_40] : memref<1x128xf32, #tpu.memory_space<vmem>>, vector<1x128xf32>
    %add3A_42 = vector.broadcast %get3A_41 : vector<1x128xf32> to vector<10000x128xf32>
    %add3A_43 = arith.addf %mul3A_38, %add3A_42 : vector<10000x128xf32>
    %max3A = arith.constant 0.000000e+00 : f32
    %max3A_44 = vector.broadcast %max3A : f32 to vector<10000x128xf32>
    %max3A_45 = arith.maximumf %add3A_43, %max3A_44 : vector<10000x128xf32>
    %get3A_46 = arith.constant 0 : index
    %get3A_47 = arith.constant 0 : index
    %get3A_48 = vector.load %arg5[%get3A_46, %get3A_47] : memref<128x128xf32, #tpu.memory_space<vmem>>, vector<128x128xf32>
    %dot_general3A = arith.constant dense<0.000000e+00> : vector<10000x128xf32>
    %dot_general3A_49 = tpu.matmul %max3A_45, %get3A_48, %dot_general3A {dimension_numbers = #tpu.dot_dimension_numbers<[1], [0], [0], [1], [0, 0, 1, 1], [], []>, transpose_lhs_hint = false} : vector<10000x128xf32>, vector<128x128xf32>, vector<10000x128xf32> -> vector<10000x128xf32>
    %swap3A = arith.constant 0 : index
    %swap3A_50 = arith.constant 0 : index
    %swap3A_51 = vector.load %arg7[%swap3A, %swap3A_50] : memref<10000x128xf32, #tpu.memory_space<vmem>>, vector<10000x128xf32>
    tpu.vector_store %arg7[%swap3A, %swap3A_50], %dot_general3A_49 {strides = array<i32>} : memref<10000x128xf32, #tpu.memory_space<vmem>>, vector<10000x128xf32>,
    %get3A_52 = arith.constant 0 : index
    %get3A_53 = arith.constant 0 : index
    %get3A_54 = vector.load %arg6[%get3A_52, %get3A_53] : memref<128x128xf32, #tpu.memory_space<vmem>>, vector<128x128xf32>
    %dot_general3A_55 = arith.constant dense<0.000000e+00> : vector<10000x128xf32>
    %dot_general3A_56 = tpu.matmul %max3A_45, %get3A_54, %dot_general3A_55 {dimension_numbers = #tpu.dot_dimension_numbers<[1], [0], [0], [1], [0, 0, 1, 1], [], []>, transpose_lhs_hint = false} : vector<10000x128xf32>, vector<128x128xf32>, vector<10000x128xf32> -> vector<10000x128xf32>
    %swap3A_57 = arith.constant 0 : index
    %swap3A_58 = arith.constant 0 : index
    %swap3A_59 = vector.load %arg8[%swap3A_57, %swap3A_58] : memref<10000x128xf32, #tpu.memory_space<vmem>>, vector<10000x128xf32>
    tpu.vector_store %arg8[%swap3A_57, %swap3A_58], %dot_general3A_56 {strides = array<i32>} : memref<10000x128xf32, #tpu.memory_space<vmem>>, vector<10000x128xf32>,
    return
  }
}

module attributes {stable_mosaic.version = 14 : i64} {
  func.func @_final_body(%arg0: memref<10000x128xf32, #tpu.memory_space<vmem>>, %arg1: memref<2x10000x128xf32, #tpu.memory_space<vmem>>, %arg2: memref<10000x1xf32, #tpu.memory_space<vmem>>, %arg3: memref<1x128xf32, #tpu.memory_space<vmem>>, %arg4: memref<10000x128xf32, #tpu.memory_space<vmem>>) attributes {dimension_semantics = [], scalar_prefetch = 0 : i64, scratch_operands = 0 : i64, tpu.core_type = #tpu.core_type<tc>} {
    %get3A = arith.constant 0 : index
    %get3A_0 = arith.constant 0 : index
    %get3A_1 = vector.load %arg0[%get3A, %get3A_0] : memref<10000x128xf32, #tpu.memory_space<vmem>>, vector<10000x128xf32>
    %get3A_2 = arith.constant 0 : index
    %get3A_3 = arith.constant 0 : index
    %get3A_4 = arith.constant 0 : index
    %get3A_5 = vector.load %arg1[%get3A_2, %get3A_3, %get3A_4] : memref<2x10000x128xf32, #tpu.memory_space<vmem>>, vector<1x10000x128xf32>
    %get3A_6 = vector.shape_cast %get3A_5 : vector<1x10000x128xf32> to vector<10000x128xf32>
    %get3A_7 = arith.constant 1 : index
    %get3A_8 = arith.constant 0 : index
    %get3A_9 = arith.constant 0 : index
    %get3A_10 = vector.load %arg1[%get3A_7, %get3A_8, %get3A_9] : memref<2x10000x128xf32, #tpu.memory_space<vmem>>, vector<1x10000x128xf32>
    %get3A_11 = vector.shape_cast %get3A_10 : vector<1x10000x128xf32> to vector<10000x128xf32>
    %add3A = arith.addf %get3A_6, %get3A_11 : vector<10000x128xf32>
    %get3A_12 = arith.constant 0 : index
    %get3A_13 = arith.constant 0 : index
    %get3A_14 = vector.load %arg2[%get3A_12, %get3A_13] : memref<10000x1xf32, #tpu.memory_space<vmem>>, vector<10000x1xf32>
    %mul3A = vector.broadcast %get3A_14 : vector<10000x1xf32> to vector<10000x128xf32>
    %mul3A_15 = arith.mulf %add3A, %mul3A : vector<10000x128xf32>
    %add3A_16 = arith.addf %get3A_1, %mul3A_15 : vector<10000x128xf32>
    %get3A_17 = arith.constant 0 : index
    %get3A_18 = arith.constant 0 : index
    %get3A_19 = vector.load %arg3[%get3A_17, %get3A_18] : memref<1x128xf32, #tpu.memory_space<vmem>>, vector<1x128xf32>
    %add3A_20 = vector.broadcast %get3A_19 : vector<1x128xf32> to vector<10000x128xf32>
    %add3A_21 = arith.addf %add3A_16, %add3A_20 : vector<10000x128xf32>
    %swap3A = arith.constant 0 : index
    %swap3A_22 = arith.constant 0 : index
    %swap3A_23 = vector.load %arg4[%swap3A, %swap3A_22] : memref<10000x128xf32, #tpu.memory_space<vmem>>, vector<10000x128xf32>
    tpu.vector_store %arg4[%swap3A, %swap3A_22], %add3A_21 {strides = array<i32>} : memref<10000x128xf32, #tpu.memory_space<vmem>>, vector<10000x128xf32>,
    return
  }
}

</mosaic_0001>

<sc_bundles>
// kernel: sc_agg_128_0.4.cloned.1.call-start
scs
__scs_entry_jumppad:
0x0: {  	(pc) =	sbr.rel $0x88, $3  }
0x1: {  	(tag) =	ssettag $0x0;
	lr =	simm.s32 $0x1  }
0x2: {  	[smem:$0x3F94] =	sst lr;
	_ =	strace $0xD0000000  }
0x3: {  	_ = 	snop  }
0x4: {  	_ = 	snop  }
0x5: {  	_ = 	snop  }
0x6: {  	_ = 	snop  }
0x7: {  	_ = 	snop  }
__scs_overlays_trampoline_lowered:
0x8: {  	[smem:$0x3FA3] =	sst s0  }
0x9: {  	[smem:$0x3FA4] =	sst s1  }
0xa: {  	[smem:$0x3FA5] =	sst s2  }
0xb: {  	[smem:$0x3FA6] =	sst s3  }
0xc: {  	[smem:$0x3FA7] =	sst s4  }
0xd: {  	[smem:$0x3FA8] =	sst s5  }
0xe: {  	[smem:$0x3FA9] =	sst s6  }
0xf: {  	[smem:$0x3FAA] =	sst s7  }
0x10: {  	[smem:$0x3FAB] =	sst s8  }
0x11: {  	[smem:$0x3FAC] =	sst s9;
	s0 =	simm.s32 @!p0 $0x0  }
0x12: {  	s1 =	sld [smem:$0x3F92];
	s0 =	simm.s32 @p0 $0x1  }
0x13: {  	[smem:$0x3FAD] =	sst s0;
	s0 =	simm.s32 @!p1 $0x0  }
0x14: {  	s2 =	sld [smem:$0x3F91];
	s0 =	simm.s32 @p1 $0x1  }
0x15: {  	[smem:$0x3FAE] =	sst s0;
	s0 =	simm.s32 @!p2 $0x0  }
0x16: {  	s3 =	sld [smem:$0x3FDB];
	s0 =	simm.s32 @p2 $0x1  }
0x17: {  	s4 =	simm.s32 $0x1BF5;
	[smem:$0x3FB0] =	sst s0  }
0x18: {  	s0 =	sld [smem:$0x3F93];
	_ =	swait.ge [sflag:s4], $0x0  }
0x19: {  	s7 =	sld [smem:$0x3F94]  }
0x1a: {  	s8 =	sadd.s32 $0xFFFFE003, lr  }
0x1b: {  	s9 =	sadd.s32 $0xFFFFFEF7, lr;
	s5 =	simm.s32 $0xFFFFFFFF;
	p2 =	slt.u32 s8, $0xFFFFF086  }
0x1c: {  	p1 =	slt.u32 s9, $0xF7A;
	s5 =	simm.s32 @!p2 $0x0  }
0x1d: {  	s5 =	simm.s32 @p1 $0x1;
	p0 =	seq.s32 s7, s2  }
0x1e: {  	s7 =	smul.u32 @!p0 $0xF7A, s2;
	p2 =	seq.s32 @!p0 s5, $0x0  }
0x1f: {  	s9 =	smul.u32 $0xF7A, s1;
	s8 =	simm.s32 @!p0 $0x1BF5;
	p2 =	por !p2, p0  }
0x20: {  	[sflag:s8] =	ssyncset.s32 @!p0 $0xFFFFF086;
	s6 =	sadd.s32 @!p0 s3, s7;
	s7 =	simm.s32 @!p0 $0x108  }
0x21: {  	s3 =	sadd.s32 s3, s9;
	s6 =	sadd.s32 @!p0 $0x88, s6;
	s7 =	simm.s32 @p2 $0x1082  }
0x22: {  	[simem:s7], [sflag:s8] =	dma.local @!p0 [hbm:s6], $0xF7A  }
0x23: {  	s9 =	sor.u32 $0xD0000000, s2;
	s6 =	simm.s32 $0x108;
	_ =	swait.ge @!p0 [sflag:s8], $0x0  }
0x24: {  	s3 =	sadd.s32 $0x88, s3;
	s6 =	simm.s32 @!p1 $0x1082;
	[sflag:s4] =	ssyncset.s32 $0xFFFFF086  }
0x25: {  	[simem:s6], [sflag:s4] =	dma.local [hbm:s3], $0xF7A  }
0x26: {  	[smem:$0x3F94] =	sst s1;
	(tag) =	ssettag s2;
	_ =	strace s9  }
0x27: {  	s1 =	sld [smem:$0x3FA4]  }
0x28: {  	s2 =	sld [smem:$0x3FA5]  }
0x29: {  	s4 =	sld [smem:$0x3FA7]  }
0x2a: {  	p0 =	seq.s32 s5, $0x0;
	s5 =	sld [smem:$0x3FA8]  }
0x2b: {  	s6 =	sld [smem:$0x3FA9]  }
0x2c: {  	s7 =	sld [smem:$0x3FAA]  }
0x2d: {  	s3 =	simm.s32 $0x108;
	s8 =	sld [smem:$0x3FAB]  }
0x2e: {  	s3 =	simm.s32 @!p0 $0x1082;
	s9 =	sld [smem:$0x3FAC]  }
0x2f: {  	lr =	sadd.s32 s0, s3;
	s0 =	sld [smem:$0x3FA3]  }
0x30: {  	s3 =	sld [smem:$0x3FA6]  }
0x31: {  	[smem:$0x3FAF] =	sst s10  }
0x32: {  	s10 =	sld [smem:$0x3FAD];
	_ =	sdelay $0x3  }
0x33: {  	p0 =	seq.s32 s10, $0x1;
	s10 =	sld [smem:$0x3FAF];
	_ =	sdelay $0x3  }
0x34: {  	[smem:$0x3FAF] =	sst s10  }
0x35: {  	s10 =	sld [smem:$0x3FAE];
	_ =	sdelay $0x3  }
0x36: {  	p1 =	seq.s32 s10, $0x1;
	s10 =	sld [smem:$0x3FAF];
	_ =	sdelay $0x3  }
0x37: {  	[smem:$0x3FAF] =	sst s10  }
0x38: {  	s10 =	sld [smem:$0x3FB0]  }
0x39: {  	_ = 	snop;
	(pc) =	sbr.ind lr, $3  }
0x3a: {  	_ = 	snop  }
0x3b: {  	_ = 	snop  }
0x3c: {  	p2 =	seq.s32 s10, $0x1;
	s10 =	sld [smem:$0x3FAF]  }
0x3d: {  	_ =	shalt  }
0x3e: {  	_ =	shalt  }
0x3f: {  	_ =	shalt  }
0x40: {  	_ =	shalt  }
0x41: {  	_ =	shalt  }
0x42: {  	_ =	shalt  }
0x43: {  	_ =	shalt  }
0x44: {  	_ =	shalt  }
0x45: {  	_ =	shalt  }
0x46: {  	_ =	shalt  }
0x47: {  	_ =	shalt  }
0x48: {  	_ =	shalt  }
0x49: {  	_ =	shalt  }
0x4a: {  	_ =	shalt  }
0x4b: {  	_ =	shalt  }
0x4c: {  	_ =	shalt  }
0x4d: {  	_ =	shalt  }
0x4e: {  	_ =	shalt  }
0x4f: {  	_ =	shalt  }
0x50: {  	_ =	shalt  }
0x51: {  	_ =	shalt  }
0x52: {  	_ =	shalt  }
0x53: {  	_ =	shalt  }
0x54: {  	_ =	shalt  }
0x55: {  	_ =	shalt  }
0x56: {  	_ =	shalt  }
0x57: {  	_ =	shalt  }
0x58: {  	_ =	shalt  }
0x59: {  	_ =	shalt  }
0x5a: {  	_ =	shalt  }
0x5b: {  	_ =	shalt  }
0x5c: {  	_ =	shalt  }
0x5d: {  	_ =	shalt  }
0x5e: {  	_ =	shalt  }
0x5f: {  	_ =	shalt  }
0x60: {  	_ =	shalt  }
0x61: {  	_ =	shalt  }
0x62: {  	_ =	shalt  }
0x63: {  	_ =	shalt  }
0x64: {  	_ =	shalt  }
0x65: {  	_ =	shalt  }
0x66: {  	_ =	shalt  }
0x67: {  	_ =	shalt  }
0x68: {  	_ =	shalt  }
0x69: {  	_ =	shalt  }
0x6a: {  	_ =	shalt  }
0x6b: {  	_ =	shalt  }
0x6c: {  	_ =	shalt  }
0x6d: {  	_ =	shalt  }
0x6e: {  	_ =	shalt  }
0x6f: {  	_ =	shalt  }
0x70: {  	_ =	shalt  }
0x71: {  	_ =	shalt  }
0x72: {  	_ =	shalt  }
0x73: {  	_ =	shalt  }
0x74: {  	_ =	shalt  }
0x75: {  	_ =	shalt  }
0x76: {  	_ =	shalt  }
0x77: {  	_ =	shalt  }
0x78: {  	_ =	shalt  }
0x79: {  	_ =	shalt  }
0x7a: {  	_ =	shalt  }
0x7b: {  	_ =	shalt  }
0x7c: {  	_ =	shalt  }
0x7d: {  	_ =	shalt  }
0x7e: {  	_ =	shalt  }
0x7f: {  	_ =	shalt  }
0x80: {  	_ =	shalt  }
0x81: {  	_ =	shalt  }
0x82: {  	_ =	shalt  }
0x83: {  	_ =	shalt  }
0x84: {  	_ =	shalt  }
0x85: {  	_ =	shalt  }
0x86: {  	_ =	shalt  }
0x87: {  	_ =	shalt  }
.Lfunc_end0:
.L_simem_size_0:
called_computation.1_lowered:
.L_overlay_start_0:
0x88: {  	s2 =	sld [smem:$0x3FD9]  }
0x89: {  	s3 =	sld [smem:$0x3FFE];
	_ =	sdelay $0x1  }
0x8a: {  	s1 =	srdreg.scid  }
0x8b: {  	s0 =	sand.u32 $0x1, s1  }
0x8c: {  	s17 =	sshll.u32 s0, $0xA;
	s2 =	sadd.s32 s3, s2  }
0x8d: {  	s2 =	sadd.s32 s2, s17  }
0x8e: {  	[smem:$0x3FBB] =	sst s2  }
0x8f: {  	_ = 	snop  }
0x90: {  	s2 =	sld [smem:$0x3FD0];
	(tm) =	ssettm $0x1  }
0x91: {  	s18 =	sld [smem:$0x3FFB];
	_ =	sdelay $0x3  }
0x92: {  	_ =	strace s18  }
0x93: {  	s3 =	sld [smem:$0x3FFC];
	_ =	sdelay $0x3  }
0x94: {  	_ =	strace s3  }
0x95: {  	s3 =	sld [smem:$0x3FFD];
	_ =	sdelay $0x3  }
0x96: {  	_ =	strace s3  }
0x97: {  	_ =	strace $0x8FFFFFFF  }
0x98: {  	s19 =	sld [smem:$0x3FDB];
	_ =	sdelay $0x1  }
0x99: {  	s4 =	simm.s32 $_scs_section_size  }
0x9a: {  	s5 =	simm.s32 $_size__tile_overlayer_lowered;
	s6 =	simm.s32 $_tile_overlayer_lowered  }
0x9b: {  	s22 =	simm.s32 $0x1BFF;
	s21 =	sshll.u32 s6, $0x1;
	s3 =	sadd.s32 s4, s19  }
0x9c: {  	s7 =	simm.s32 $0x0;
	s20 =	sshll.u32 s5, $0x1;
	s5 =	sadd.s32 s21, s3  }
0x9d: {  	[timem:s7], [sflag:s22] =	dma.local [hbm:s5], s20  }
0x9e: {  	_ =	swait.ge [sflag:s22], s20  }
0x9f: {  	s4 =	ssub.s32 $0x0, s20;
	[sflag:s22] =	ssyncset.done $0x0  }
0xa0: {  	[sflag:s22] =	ssyncadd.s32 s4;
	_ =	sdelay $0x1  }
0xa1: {  	s23 =	simm.s32 $0x1B8B  }
0xa2: {  	_ =	swait.ge [sflag:s23], $0x1  }
0xa3: {  	[sflag:s23] =	ssyncset.done $0x0  }
0xa4: {  	s25 =	simm.s32 $0x1B8E;
	s24 =	sld [smem:$0x3FFE];
	[sflag:s23] =	ssyncadd.s32 $0xFFFFFFFF  }
0xa5: {  	s26 =	simm.s32 $execute0_lowered;
	[smem:$0x3FD2] =	sst s25  }
0xa6: {  	s5 =	sshll.u32 s26, $0x1;
	_ =	strace $0x80000049;
	[dreg:$0x1] =	wrdreg $0xFFFFFFFF  }
0xa7: {  	s28 =	simm.s32 $_size_execute0_lowered;
	s3 =	sadd.s32 s3, s5;
	[dreg:$0x0] =	wrdreg $0x0  }
0xa8: {  	s5 =	sshll.u32 s28, $0x1;
	[dreg:$0x2] =	wrdreg s3  }
0xa9: {  	[dreg:$0x3] =	wrdreg s5  }
0xaa: {  	[dreg:$0x4] =	wrdreg $0xC0  }
0xab: {  	_ =	task [dreg:s7], $0x5FFFF  }
0xac: {  	[dreg:$0x1] =	wrdreg $0xFFFFFFFF  }
0xad: {  	[dreg:$0x0] =	wrdreg $0x60  }
0xae: {  	[dreg:$0x2] =	wrdreg s24  }
0xaf: {  	[dreg:$0x3] =	wrdreg s2  }
0xb0: {  	[dreg:$0x4] =	wrdreg $0x82000  }
0xb1: {  	[dreg:$0x5] =	wrdreg $0x9  }
0xb2: {  	_ =	task.clear_ibuf [dreg:s7], $0x6FFFF;
	_ =	strace $0x90000049  }
0xb3: {  	s29 =	simm.s32 $0x9;
	_ =	strace $0x8000004B  }
0xb4: {  	_ =	swait.ge [sflag:s29], $0x1  }
0xb5: {  	[sflag:s29] =	ssyncadd.s32 $0xFFFFFFFF  }
0xb6: {  	_ =	strace $0x9000004B  }
0xb7: {  	_ =	sfence  }
0xb8: {  	s30 =	sld [smem:$0x0];
	_ =	sdelay $0x2  }
0xb9: {  	s31 =	sshll.u32 s1, $0xD;
	s1 =	sshrl.u32 s1, $0x2  }
0xba: {  	s3 =	sand.u32 $0x4000, s31;
	s1 =	sadd.s32 s1, s30  }
0xbb: {  	s0 =	sor.u32 s3, s0;
	s1 =	sshll.u32 s1, $0x11  }
0xbc: {  	s0 =	sor.u32 s1, s0  }
0xbd: {  	s0 =	sadd.s32 $0x8F2B, s0  }
0xbe: {  	[sflag:s0] =	ssyncadd.remote.s32 $0x1  }
0xbf: {  	_ =	sfence.sel $0xFFFF  }
0xc0: {  	[dreg:$0x0] =	wrdreg $0xFFFFFFFF;
	(pc) =	sbr.abs _section_cstart, $3  }
0xc1: {  	[dreg:$0x1] =	wrdreg $0xFFFFFFFF  }
0xc2: {  	_ =	task.clear_ibuf [dreg:s7], $0x2FFFF;
	_ =	strace $0x9FFFFFFF  }
0xc3: {  	(tm) =	ssettm $0x7FFFFFFF  }
tec
execute0_lowered:
.L_overlay_start_1:
0x0: {  	(tag) =	ssettag $0x1  }
0x1: {  	s8 =	rddreg [dreg:$0x0]  }
0x2: {  	s2 =	rddreg [dreg:$0x1]  }
0x3: {  	s3 =	rddreg [dreg:$0x2];
	s0 =	stileid.u32;
	s4 =	simm.s32 $0x0  }
0x4: {  	s5 =	srdreg.scid;
	s16 =	simm.s32 $0x9;
	s17 =	simm.s32 $0x100  }
0x5: {  	s18 =	simm.s32 $0x80;
	s19 =	simm.s32 $0x1;
	s20 =	simm.s32 $0x200  }
0x6: {  	s21 =	simm.s32 $0x2;
	s22 =	simm.s32 $0x180;
	s28 =	simm.s32 $0x4  }
0x7: {  	s29 =	simm.s32 $0x8;
	s30 =	simm.s32 $0x0;
	s7 =	smul.u32 $0x14000, s0  }
0x8: {  	[smem:$0x7FF] =	sst s4;
	s9 =	sand.u32 $0x1, s5;
	s5 =	sadd.s32 $0xCA00, s8  }
0x9: {  	s6 =	sadd.s32 $0x2A00, s8;
	s23 =	smul.u32 $0x50000, s0;
	s12 =	sshll.u32 s0, $0x1  }
0xa: {  	s26 =	sshll.u32 s0, $0x6;
	_ =	strace $0x8000004A;
	s11 =	smul.u32 $0x140000, s9  }
0xb: {  	s14 =	ssub.s32 $0x2, s9;
	s24 =	sor.u32 s9, s12;
	s9 =	sor.u32 $0x1C09, s26  }
0xc: {  	s26 =	simm.s32 $0x6;
	s10 =	sshrl.u32 s7, $0x3;
	s25 =	sshrl.u32 s14, $0x1  }
0xd: {  	s10 =	sadd.s32 s10, s8;
	s7 =	sadd.s32 s7, s11;
	s11 =	sshrl.u32 s23, $0x2  }
0xe: {  	s14 =	ssub.s32 s14, s25;
	s13 =	sshrl.u32 s7, $0x3;
	s7 =	smul.u32 $0x2800, s24  }
.Ltmp0:
0xf: {  	s23 =	simm.s32 $0x4200;
	s25 =	simm.s32 $0x3;
	(pc) =	sbr.rel .LBB2_1-.Ltmp0, $4  }
0x10: {  	s15 =	sadd.s32 s11, s3;
	s1 =	sadd.s32 $0x33E00, s10;
	s14 =	smax.u32 s14, $0x1  }
0x11: {  	s24 =	simm.s32 $0x5;
	s13 =	sadd.s32 s13, s8;
	s31 =	sshrl.u32 s7, $0x3  }
0x12: {  	[dreg:$0x4] =	wrdreg s1;
	s15 =	sshrl.u32 s15, $0x3;
	s10 =	sadd.s32 s2, s31  }
0x13: {  	s13 =	sadd.s32 $0x5BE00, s13;
	s11 =	sadd.s32 s6, s31;
	s12 =	sadd.s32 $0x10, s10  }
.LBB2_4:
0x14: {  	_ =	swait.ge [sflag:s29], $0x4000  }
0x15: {  	s30 =	sadd.s32 $0x1, s30;
	[sflag:s29] =	ssyncset.done $0x0  }
0x16: {  	p0 =	sne.s32 s30, s14;
	[sflag:s29] =	ssyncadd.s32 $0xFFFFC000  }
.Ltmp1:
0x17: {  	[bflag:$0x0] =	sbarrier.arrive $0xFFFF;
	(pc) =	sbr.rel @!p0 .LBB2_5-.Ltmp1, $4  }
0x18: {  	[hbm:s13], [sflag:s9] =	dma.local [spmem:s15], $0x2800  }
0x19: {  	_ =	swait.ge [sflag:s16], $0x2800  }
0x1a: {  	[sflag:s16] =	ssyncset.done $0x0  }
0x1b: {  	[sflag:s16] =	ssyncadd.s32 $0xFFFFD800  }
.LBB2_1:
0x1c: {  	s0 =	rddreg [dreg:$0x4]  }
0x1d: {  	[spmem:s15], [sflag:s9] =	dma.local [hbm:s0], $0x2800  }
0x1e: {  	_ =	swait.ge [sflag:s16], $0x2800  }
0x1f: {  	[sflag:s16] =	ssyncset.done $0x0  }
0x20: {  	[sflag:s16] =	ssyncadd.s32 $0xFFFFD800  }
0x21: {  	[bflag:$0x0] =	sbarrier.arrive $0xFFFF  }
0x22: {  	[tilespmem:s4], [sflag:$0x1] =	stream.linear.gather [hbm4b:s10+s4], $0x80, $0x38;
	[tilespmem:$0x1C200] =	vst v63  }
0x23: {  	_ = 	snop  }
0x24: {  	[tilespmem:s17], [sflag:$0x3] =	stream.linear.gather [hbm4b:s11+s4], $0x80, $0x38;
	[tilespmem:$0x1C200] =	vst v63  }
0x25: {  	_ = 	snop  }
0x26: {  	[tilespmem:s18], [sflag:$0x2] =	stream.linear.gather [hbm4b:s12+s4], $0x80, $0x38;
	[tilespmem:$0x1C200] =	vst v63  }
0x27: {  	_ =	swait.ge [sflag:s19], $0x80  }
0x28: {  	[sflag:s19] =	ssyncset.done $0x0  }
0x29: {  	s31 =	simm.s32 $0x0;
	[sflag:s19] =	ssyncadd.s32 $0xFFFFFF80  }
0x2a: {  	[tilespmem:s20], [sflag:$0x5] =	stream.indirect.gather [hbm4b:s5+s18], $0x80, s4, s18, $0xb8;
	[tilespmem:$0x1C200] =	vst v63  }
.LBB2_2:
0x2b: {  	p0 =	seq.s32 s31, $0x0  }
0x2c: {  	s0 =	simm.s32 @!p0 $0x8  }
0x2d: {  	s1 =	sand.u32 $0x3C00, s31;
	_ =	swait.ge @!p0 [sflag:s0], $0x4000  }
0x2e: {  	s8 =	sand.u32 $0x300, s31;
	s1 =	sadd.s32 s7, s1;
	[sflag:s0] =	ssyncset.done @!p0 $0x0  }
0x2f: {  	s8 =	sor.u32 s1, s8;
	[sflag:s0] =	ssyncadd.s32 @!p0 $0xFFFFC000  }
0x30: {  	s0 =	sor.u32 $0x80, s8;
	_ =	swait.ge [sflag:s21], $0x80  }
0x31: {  	s0 =	sshrl.u32 s0, $0x3;
	[sflag:s21] =	ssyncset.done $0x0  }
0x32: {  	s0 =	sadd.s32 s6, s0;
	[sflag:s21] =	ssyncadd.s32 $0xFFFFFF80  }
0x33: {  	[tilespmem:s22], [sflag:$0x4] =	stream.linear.gather [hbm4b:s0+s4], $0x80, $0x38;
	[tilespmem:$0x1C200] =	vst v63  }
0x34: {  	_ = 	snop  }
0x35: {  	[tilespmem:s23], [sflag:$0x6] =	stream.indirect.gather [hbm4b:s5+s18], $0x80, s18, s18, $0xb8;
	[tilespmem:$0x1C200] =	vst v63  }
0x36: {  	_ =	swait.ge [sflag:s24], $0x4000  }
0x37: {  	[sflag:s24] =	ssyncset.done $0x0  }
0x38: {  	p0 =	seq.s32 s31, $0x2700;
	[sflag:s24] =	ssyncadd.s32 $0xFFFFC000  }
0x39: {  	s0 =	sadd.s32 @!p0 $0x100, s31;
	_ =	swait.ge [sflag:s25], $0x80  }
0x3a: {  	s8 =	simm.s32 @p0 $0x7;
	s1 =	sand.u32 @!p0 $0x7C00, s0;
	[sflag:s25] =	ssyncset.done $0x0  }
0x3b: {  	s0 =	sand.u32 @!p0 $0x300, s0;
	s1 =	sadd.s32 @!p0 s7, s1;
	[sflag:s25] =	ssyncadd.s32 $0xFFFFFF80  }
0x3c: {  	[spmem:s3] =	stream.indirect.scatter.add.f32 [tilespmem:s20], [sflag:$0x7], $0x80, s17, s18, $0xb8;
	[tilespmem:$0x1C200] =	vst v63  }
0x3d: {  	s0 =	sor.u32 @!p0 s0, s1;
	_ =	swait.ge @p0 [sflag:s8], $0x4000  }
0x3e: {  	s0 =	sshrl.u32 @!p0 s0, $0x3;
	[sflag:s8] =	ssyncset.done @p0 $0x0  }
0x3f: {  	s1 =	sadd.s32 @!p0 s2, s0;
	[sflag:s8] =	ssyncadd.s32 @p0 $0xFFFFC000;
	s8 =	simm.s32 @!p0 $0x0  }
0x40: {  	[tilespmem:s8], [sflag:$0x1] =	stream.linear.gather @!p0 [hbm4b:s1+s8], $0x80, $0x38;
	[tilespmem:$0x1C200] =	vst v63  }
0x41: {  	s1 =	simm.s32 @!p0 $0x7  }
0x42: {  	_ =	swait.ge @!p0 [sflag:s1], $0x4000  }
0x43: {  	[sflag:s1] =	ssyncset.done @!p0 $0x0  }
0x44: {  	[sflag:s1] =	ssyncadd.s32 @!p0 $0xFFFFC000;
	s1 =	simm.s32 @!p0 $0x1  }
0x45: {  	_ =	swait.ge @!p0 [sflag:s1], $0x80  }
0x46: {  	[sflag:s1] =	ssyncset.done @!p0 $0x0  }
0x47: {  	s0 =	sadd.s32 @!p0 s6, s0;
	[sflag:s1] =	ssyncadd.s32 @!p0 $0xFFFFFF80;
	s1 =	simm.s32 @!p0 $0x100  }
0x48: {  	[tilespmem:s1], [sflag:$0x3] =	stream.linear.gather @!p0 [hbm4b:s0+s8], $0x80, $0x38;
	[tilespmem:$0x1C200] =	vst v63  }
0x49: {  	s0 =	simm.s32 @!p0 $0x80;
	s1 =	simm.s32 @!p0 $0x200  }
0x4a: {  	[tilespmem:s1], [sflag:$0x5] =	stream.indirect.gather @!p0 [hbm4b:s5+s0], $0x80, s8, s0, $0xb8;
	[tilespmem:$0x1C200] =	vst v63  }
0x4b: {  	_ =	swait.ge [sflag:s26], $0x4000  }
0x4c: {  	[sflag:s26] =	ssyncset.done $0x0  }
.Ltmp2:
0x4d: {  	[sflag:s26] =	ssyncadd.s32 $0xFFFFC000;
	(pc) =	sbr.rel @p0 .LBB2_4-.Ltmp2, $4  }
0x4e: {  	_ =	swait.ge [sflag:s28], $0x80  }
0x4f: {  	[sflag:s28] =	ssyncset.done $0x0  }
0x50: {  	[sflag:s28] =	ssyncadd.s32 $0xFFFFFF80  }
0x51: {  	[spmem:s3] =	stream.indirect.scatter.add.f32 [tilespmem:s23], [sflag:$0x8], $0x80, s22, s18, $0xb8;
	[tilespmem:$0x1C200] =	vst v63  }
0x52: {  	s0 =	sadd.s32 $0x180, s31  }
0x53: {  	s1 =	sand.u32 $0x7C00, s0  }
.Ltmp3:
0x54: {  	s0 =	sand.u32 $0x380, s0;
	s1 =	sadd.s32 s7, s1;
	(pc) =	sbr.rel .LBB2_2-.Ltmp3, $4  }
0x55: {  	s0 =	sor.u32 s0, s1  }
0x56: {  	s0 =	sshrl.u32 s0, $0x3  }
0x57: {  	s31 =	sadd.s32 $0x100, s31;
	s0 =	sadd.s32 s2, s0  }
0x58: {  	[tilespmem:s18], [sflag:$0x2] =	stream.linear.gather [hbm4b:s0+s4], $0x80, $0x38;
	[tilespmem:$0x1C200] =	vst v63  }
.LBB2_5:
0x59: {  	_ =	sfence.sel $0x180000  }
0x5a: {  	[bflag:$0x0] =	sbarrier.arrive $0xFFFF  }
0x5b: {  	_ =	strace $0x9000004A  }
0x5c: {  	s0 =	stileid.u32;
	[bflag:$0x2] =	sbarrier.arrive $0xFFFF  }
0x5d: {  	p0 =	sne.s32 s0, $0x0;
	s0 =	rddreg [dreg:$0x3]  }
0x5e: {  	s0 =	sadd.s32 @!p0 $0x100000, s0  }
0x5f: {  	[sflag:s0] =	ssyncadd.tile.s32 @!p0 $0x1;
	_ =	shalt  }
.Lfunc_end2:
_tile_overlayer_lowered:
.L_overlay_start_2:
0x60: {  	(tag) =	ssettag $0x2  }
0x61: {  	s0 =	rddreg [dreg:$0x0];
	s2 =	stileid.u32  }
0x62: {  	s1 =	rddreg [dreg:$0x1];
	p0 =	sne.s32 s2, $0x0  }
0x63: {  	s3 =	rddreg [dreg:$0x2];
	[bflag:$0x3] =	sbarrier.arrive $0xFFFF;
	s2 =	simm.s32 @!p0 $0x1C09  }
0x64: {  	[timem:s3], [sflag:s2] =	dma.local @!p0 [hbm:s0], s1  }
0x65: {  	s0 =	simm.s32 @!p0 $0x9  }
0x66: {  	_ =	swait.ge @!p0 [sflag:s0], s1  }
0x67: {  	s1 =	ssub.s32 @!p0 $0x0, s1;
	[sflag:s0] =	ssyncset.done @!p0 $0x0  }
0x68: {  	[sflag:s0] =	ssyncadd.s32 @!p0 s1  }
0x69: {  	[bflag:$0x3] =	sbarrier.arrive $0xFFFF  }
0x6a: {  	_ =	shalt  }

// kernel: sc_agg_128_0.7.cloned.1.call-start
scs
__scs_entry_jumppad:
0x0: {  	(pc) =	sbr.rel $0x88, $3  }
0x1: {  	(tag) =	ssettag $0x0;
	lr =	simm.s32 $0x1  }
0x2: {  	[smem:$0x3F94] =	sst lr;
	_ =	strace $0xD0000000  }
0x3: {  	_ = 	snop  }
0x4: {  	_ = 	snop  }
0x5: {  	_ = 	snop  }
0x6: {  	_ = 	snop  }
0x7: {  	_ = 	snop  }
__scs_overlays_trampoline_lowered:
0x8: {  	[smem:$0x3FA3] =	sst s0  }
0x9: {  	[smem:$0x3FA4] =	sst s1  }
0xa: {  	[smem:$0x3FA5] =	sst s2  }
0xb: {  	[smem:$0x3FA6] =	sst s3  }
0xc: {  	[smem:$0x3FA7] =	sst s4  }
0xd: {  	[smem:$0x3FA8] =	sst s5  }
0xe: {  	[smem:$0x3FA9] =	sst s6  }
0xf: {  	[smem:$0x3FAA] =	sst s7  }
0x10: {  	[smem:$0x3FAB] =	sst s8  }
0x11: {  	[smem:$0x3FAC] =	sst s9;
	s0 =	simm.s32 @!p0 $0x0  }
0x12: {  	s1 =	sld [smem:$0x3F92];
	s0 =	simm.s32 @p0 $0x1  }
0x13: {  	[smem:$0x3FAD] =	sst s0;
	s0 =	simm.s32 @!p1 $0x0  }
0x14: {  	s2 =	sld [smem:$0x3F91];
	s0 =	simm.s32 @p1 $0x1  }
0x15: {  	[smem:$0x3FAE] =	sst s0;
	s0 =	simm.s32 @!p2 $0x0  }
0x16: {  	s3 =	sld [smem:$0x3FDB];
	s0 =	simm.s32 @p2 $0x1  }
0x17: {  	s4 =	simm.s32 $0x1BF5;
	[smem:$0x3FB0] =	sst s0  }
0x18: {  	s0 =	sld [smem:$0x3F93];
	_ =	swait.ge [sflag:s4], $0x0  }
0x19: {  	s7 =	sld [smem:$0x3F94]  }
0x1a: {  	s8 =	sadd.s32 $0xFFFFE003, lr  }
0x1b: {  	s9 =	sadd.s32 $0xFFFFFEF7, lr;
	s5 =	simm.s32 $0xFFFFFFFF;
	p2 =	slt.u32 s8, $0xFFFFF086  }
0x1c: {  	p1 =	slt.u32 s9, $0xF7A;
	s5 =	simm.s32 @!p2 $0x0  }
0x1d: {  	s5 =	simm.s32 @p1 $0x1;
	p0 =	seq.s32 s7, s2  }
0x1e: {  	s7 =	smul.u32 @!p0 $0xF7A, s2;
	p2 =	seq.s32 @!p0 s5, $0x0  }
0x1f: {  	s9 =	smul.u32 $0xF7A, s1;
	s8 =	simm.s32 @!p0 $0x1BF5;
	p2 =	por !p2, p0  }
0x20: {  	[sflag:s8] =	ssyncset.s32 @!p0 $0xFFFFF086;
	s6 =	sadd.s32 @!p0 s3, s7;
	s7 =	simm.s32 @!p0 $0x108  }
0x21: {  	s3 =	sadd.s32 s3, s9;
	s6 =	sadd.s32 @!p0 $0x88, s6;
	s7 =	simm.s32 @p2 $0x1082  }
0x22: {  	[simem:s7], [sflag:s8] =	dma.local @!p0 [hbm:s6], $0xF7A  }
0x23: {  	s9 =	sor.u32 $0xD0000000, s2;
	s6 =	simm.s32 $0x108;
	_ =	swait.ge @!p0 [sflag:s8], $0x0  }
0x24: {  	s3 =	sadd.s32 $0x88, s3;
	s6 =	simm.s32 @!p1 $0x1082;
	[sflag:s4] =	ssyncset.s32 $0xFFFFF086  }
0x25: {  	[simem:s6], [sflag:s4] =	dma.local [hbm:s3], $0xF7A  }
0x26: {  	[smem:$0x3F94] =	sst s1;
	(tag) =	ssettag s2;
	_ =	strace s9  }
0x27: {  	s1 =	sld [smem:$0x3FA4]  }
0x28: {  	s2 =	sld [smem:$0x3FA5]  }
0x29: {  	s4 =	sld [smem:$0x3FA7]  }
0x2a: {  	p0 =	seq.s32 s5, $0x0;
	s5 =	sld [smem:$0x3FA8]  }
0x2b: {  	s6 =	sld [smem:$0x3FA9]  }
0x2c: {  	s7 =	sld [smem:$0x3FAA]  }
0x2d: {  	s3 =	simm.s32 $0x108;
	s8 =	sld [smem:$0x3FAB]  }
0x2e: {  	s3 =	simm.s32 @!p0 $0x1082;
	s9 =	sld [smem:$0x3FAC]  }
0x2f: {  	lr =	sadd.s32 s0, s3;
	s0 =	sld [smem:$0x3FA3]  }
0x30: {  	s3 =	sld [smem:$0x3FA6]  }
0x31: {  	[smem:$0x3FAF] =	sst s10  }
0x32: {  	s10 =	sld [smem:$0x3FAD];
	_ =	sdelay $0x3  }
0x33: {  	p0 =	seq.s32 s10, $0x1;
	s10 =	sld [smem:$0x3FAF];
	_ =	sdelay $0x3  }
0x34: {  	[smem:$0x3FAF] =	sst s10  }
0x35: {  	s10 =	sld [smem:$0x3FAE];
	_ =	sdelay $0x3  }
0x36: {  	p1 =	seq.s32 s10, $0x1;
	s10 =	sld [smem:$0x3FAF];
	_ =	sdelay $0x3  }
0x37: {  	[smem:$0x3FAF] =	sst s10  }
0x38: {  	s10 =	sld [smem:$0x3FB0]  }
0x39: {  	_ = 	snop;
	(pc) =	sbr.ind lr, $3  }
0x3a: {  	_ = 	snop  }
0x3b: {  	_ = 	snop  }
0x3c: {  	p2 =	seq.s32 s10, $0x1;
	s10 =	sld [smem:$0x3FAF]  }
0x3d: {  	_ =	shalt  }
0x3e: {  	_ =	shalt  }
0x3f: {  	_ =	shalt  }
0x40: {  	_ =	shalt  }
0x41: {  	_ =	shalt  }
0x42: {  	_ =	shalt  }
0x43: {  	_ =	shalt  }
0x44: {  	_ =	shalt  }
0x45: {  	_ =	shalt  }
0x46: {  	_ =	shalt  }
0x47: {  	_ =	shalt  }
0x48: {  	_ =	shalt  }
0x49: {  	_ =	shalt  }
0x4a: {  	_ =	shalt  }
0x4b: {  	_ =	shalt  }
0x4c: {  	_ =	shalt  }
0x4d: {  	_ =	shalt  }
0x4e: {  	_ =	shalt  }
0x4f: {  	_ =	shalt  }
0x50: {  	_ =	shalt  }
0x51: {  	_ =	shalt  }
0x52: {  	_ =	shalt  }
0x53: {  	_ =	shalt  }
0x54: {  	_ =	shalt  }
0x55: {  	_ =	shalt  }
0x56: {  	_ =	shalt  }
0x57: {  	_ =	shalt  }
0x58: {  	_ =	shalt  }
0x59: {  	_ =	shalt  }
0x5a: {  	_ =	shalt  }
0x5b: {  	_ =	shalt  }
0x5c: {  	_ =	shalt  }
0x5d: {  	_ =	shalt  }
0x5e: {  	_ =	shalt  }
0x5f: {  	_ =	shalt  }
0x60: {  	_ =	shalt  }
0x61: {  	_ =	shalt  }
0x62: {  	_ =	shalt  }
0x63: {  	_ =	shalt  }
0x64: {  	_ =	shalt  }
0x65: {  	_ =	shalt  }
0x66: {  	_ =	shalt  }
0x67: {  	_ =	shalt  }
0x68: {  	_ =	shalt  }
0x69: {  	_ =	shalt  }
0x6a: {  	_ =	shalt  }
0x6b: {  	_ =	shalt  }
0x6c: {  	_ =	shalt  }
0x6d: {  	_ =	shalt  }
0x6e: {  	_ =	shalt  }
0x6f: {  	_ =	shalt  }
0x70: {  	_ =	shalt  }
0x71: {  	_ =	shalt  }
0x72: {  	_ =	shalt  }
0x73: {  	_ =	shalt  }
0x74: {  	_ =	shalt  }
0x75: {  	_ =	shalt  }
0x76: {  	_ =	shalt  }
0x77: {  	_ =	shalt  }
0x78: {  	_ =	shalt  }
0x79: {  	_ =	shalt  }
0x7a: {  	_ =	shalt  }
0x7b: {  	_ =	shalt  }
0x7c: {  	_ =	shalt  }
0x7d: {  	_ =	shalt  }
0x7e: {  	_ =	shalt  }
0x7f: {  	_ =	shalt  }
0x80: {  	_ =	shalt  }
0x81: {  	_ =	shalt  }
0x82: {  	_ =	shalt  }
0x83: {  	_ =	shalt  }
0x84: {  	_ =	shalt  }
0x85: {  	_ =	shalt  }
0x86: {  	_ =	shalt  }
0x87: {  	_ =	shalt  }
.Lfunc_end0:
.L_simem_size_0:
called_computation.2_lowered:
.L_overlay_start_0:
0x88: {  	s2 =	sld [smem:$0x3FD9]  }
0x89: {  	s3 =	sld [smem:$0x3FFE];
	_ =	sdelay $0x1  }
0x8a: {  	s1 =	srdreg.scid  }
0x8b: {  	s0 =	sand.u32 $0x1, s1  }
0x8c: {  	s17 =	sshll.u32 s0, $0xA;
	s2 =	sadd.s32 s3, s2  }
0x8d: {  	s2 =	sadd.s32 s2, s17  }
0x8e: {  	[smem:$0x3FBB] =	sst s2  }
0x8f: {  	_ = 	snop  }
0x90: {  	s2 =	sld [smem:$0x3FD0];
	(tm) =	ssettm $0x1  }
0x91: {  	s18 =	sld [smem:$0x3FFB];
	_ =	sdelay $0x3  }
0x92: {  	_ =	strace s18  }
0x93: {  	s3 =	sld [smem:$0x3FFC];
	_ =	sdelay $0x3  }
0x94: {  	_ =	strace s3  }
0x95: {  	s3 =	sld [smem:$0x3FFD];
	_ =	sdelay $0x3  }
0x96: {  	_ =	strace s3  }
0x97: {  	_ =	strace $0x8FFFFFFF  }
0x98: {  	s19 =	sld [smem:$0x3FDB];
	_ =	sdelay $0x1  }
0x99: {  	s4 =	simm.s32 $_scs_section_size  }
0x9a: {  	s5 =	simm.s32 $_size__tile_overlayer_lowered;
	s6 =	simm.s32 $_tile_overlayer_lowered  }
0x9b: {  	s22 =	simm.s32 $0x1BFF;
	s21 =	sshll.u32 s6, $0x1;
	s3 =	sadd.s32 s4, s19  }
0x9c: {  	s7 =	simm.s32 $0x0;
	s20 =	sshll.u32 s5, $0x1;
	s5 =	sadd.s32 s21, s3  }
0x9d: {  	[timem:s7], [sflag:s22] =	dma.local [hbm:s5], s20  }
0x9e: {  	_ =	swait.ge [sflag:s22], s20  }
0x9f: {  	s4 =	ssub.s32 $0x0, s20;
	[sflag:s22] =	ssyncset.done $0x0  }
0xa0: {  	[sflag:s22] =	ssyncadd.s32 s4;
	_ =	sdelay $0x1  }
0xa1: {  	s23 =	simm.s32 $0x1B8B  }
0xa2: {  	_ =	swait.ge [sflag:s23], $0x1  }
0xa3: {  	[sflag:s23] =	ssyncset.done $0x0  }
0xa4: {  	s25 =	simm.s32 $0x1B8E;
	s24 =	sld [smem:$0x3FFE];
	[sflag:s23] =	ssyncadd.s32 $0xFFFFFFFF  }
0xa5: {  	s26 =	simm.s32 $execute0_lowered;
	[smem:$0x3FD2] =	sst s25  }
0xa6: {  	s5 =	sshll.u32 s26, $0x1;
	_ =	strace $0x8000004C;
	[dreg:$0x1] =	wrdreg $0xFFFFFFFF  }
0xa7: {  	s28 =	simm.s32 $_size_execute0_lowered;
	s3 =	sadd.s32 s3, s5;
	[dreg:$0x0] =	wrdreg $0x0  }
0xa8: {  	s5 =	sshll.u32 s28, $0x1;
	[dreg:$0x2] =	wrdreg s3  }
0xa9: {  	[dreg:$0x3] =	wrdreg s5  }
0xaa: {  	[dreg:$0x4] =	wrdreg $0xC0  }
0xab: {  	_ =	task [dreg:s7], $0x5FFFF  }
0xac: {  	[dreg:$0x1] =	wrdreg $0xFFFFFFFF  }
0xad: {  	[dreg:$0x0] =	wrdreg $0x60  }
0xae: {  	[dreg:$0x2] =	wrdreg s24  }
0xaf: {  	[dreg:$0x3] =	wrdreg s2  }
0xb0: {  	[dreg:$0x4] =	wrdreg $0x82000  }
0xb1: {  	[dreg:$0x5] =	wrdreg $0x9  }
0xb2: {  	_ =	task.clear_ibuf [dreg:s7], $0x6FFFF;
	_ =	strace $0x9000004C  }
0xb3: {  	s29 =	simm.s32 $0x9;
	_ =	strace $0x8000004E  }
0xb4: {  	_ =	swait.ge [sflag:s29], $0x1  }
0xb5: {  	[sflag:s29] =	ssyncadd.s32 $0xFFFFFFFF  }
0xb6: {  	_ =	strace $0x9000004E  }
0xb7: {  	_ =	sfence  }
0xb8: {  	s30 =	sld [smem:$0x0];
	_ =	sdelay $0x2  }
0xb9: {  	s31 =	sshll.u32 s1, $0xD;
	s1 =	sshrl.u32 s1, $0x2  }
0xba: {  	s3 =	sand.u32 $0x4000, s31;
	s1 =	sadd.s32 s1, s30  }
0xbb: {  	s0 =	sor.u32 s3, s0;
	s1 =	sshll.u32 s1, $0x11  }
0xbc: {  	s0 =	sor.u32 s1, s0  }
0xbd: {  	s0 =	sadd.s32 $0x8F2B, s0  }
0xbe: {  	[sflag:s0] =	ssyncadd.remote.s32 $0x1  }
0xbf: {  	_ =	sfence.sel $0xFFFF  }
0xc0: {  	[dreg:$0x0] =	wrdreg $0xFFFFFFFF;
	(pc) =	sbr.abs _section_cstart, $3  }
0xc1: {  	[dreg:$0x1] =	wrdreg $0xFFFFFFFF  }
0xc2: {  	_ =	task.clear_ibuf [dreg:s7], $0x2FFFF;
	_ =	strace $0x9FFFFFFF  }
0xc3: {  	(tm) =	ssettm $0x7FFFFFFF  }
tec
execute0_lowered:
.L_overlay_start_1:
0x0: {  	(tag) =	ssettag $0x1  }
0x1: {  	s8 =	rddreg [dreg:$0x0]  }
0x2: {  	s2 =	rddreg [dreg:$0x1]  }
0x3: {  	s3 =	rddreg [dreg:$0x2];
	s0 =	stileid.u32;
	s4 =	simm.s32 $0x0  }
0x4: {  	s5 =	srdreg.scid;
	s16 =	simm.s32 $0x9;
	s17 =	simm.s32 $0x100  }
0x5: {  	s18 =	simm.s32 $0x80;
	s19 =	simm.s32 $0x1;
	s20 =	simm.s32 $0x200  }
0x6: {  	s21 =	simm.s32 $0x2;
	s22 =	simm.s32 $0x180;
	s28 =	simm.s32 $0x4  }
0x7: {  	s29 =	simm.s32 $0x8;
	s30 =	simm.s32 $0x0;
	s7 =	smul.u32 $0x14000, s0  }
0x8: {  	[smem:$0x7FF] =	sst s4;
	s9 =	sand.u32 $0x1, s5;
	s5 =	sadd.s32 $0xCA00, s8  }
0x9: {  	s6 =	sadd.s32 $0x2A00, s8;
	s23 =	smul.u32 $0x50000, s0;
	s12 =	sshll.u32 s0, $0x1  }
0xa: {  	s26 =	sshll.u32 s0, $0x6;
	_ =	strace $0x8000004D;
	s11 =	smul.u32 $0x140000, s9  }
0xb: {  	s14 =	ssub.s32 $0x2, s9;
	s24 =	sor.u32 s9, s12;
	s9 =	sor.u32 $0x1C09, s26  }
0xc: {  	s26 =	simm.s32 $0x6;
	s10 =	sshrl.u32 s7, $0x3;
	s25 =	sshrl.u32 s14, $0x1  }
0xd: {  	s10 =	sadd.s32 s10, s8;
	s7 =	sadd.s32 s7, s11;
	s11 =	sshrl.u32 s23, $0x2  }
0xe: {  	s14 =	ssub.s32 s14, s25;
	s13 =	sshrl.u32 s7, $0x3;
	s7 =	smul.u32 $0x2800, s24  }
.Ltmp0:
0xf: {  	s23 =	simm.s32 $0x4200;
	s25 =	simm.s32 $0x3;
	(pc) =	sbr.rel .LBB2_1-.Ltmp0, $4  }
0x10: {  	s15 =	sadd.s32 s11, s3;
	s1 =	sadd.s32 $0x33E00, s10;
	s14 =	smax.u32 s14, $0x1  }
0x11: {  	s24 =	simm.s32 $0x5;
	s13 =	sadd.s32 s13, s8;
	s31 =	sshrl.u32 s7, $0x3  }
0x12: {  	[dreg:$0x4] =	wrdreg s1;
	s15 =	sshrl.u32 s15, $0x3;
	s10 =	sadd.s32 s2, s31  }
0x13: {  	s13 =	sadd.s32 $0x5BE00, s13;
	s11 =	sadd.s32 s6, s31;
	s12 =	sadd.s32 $0x10, s10  }
.LBB2_4:
0x14: {  	_ =	swait.ge [sflag:s29], $0x4000  }
0x15: {  	s30 =	sadd.s32 $0x1, s30;
	[sflag:s29] =	ssyncset.done $0x0  }
0x16: {  	p0 =	sne.s32 s30, s14;
	[sflag:s29] =	ssyncadd.s32 $0xFFFFC000  }
.Ltmp1:
0x17: {  	[bflag:$0x0] =	sbarrier.arrive $0xFFFF;
	(pc) =	sbr.rel @!p0 .LBB2_5-.Ltmp1, $4  }
0x18: {  	[hbm:s13], [sflag:s9] =	dma.local [spmem:s15], $0x2800  }
0x19: {  	_ =	swait.ge [sflag:s16], $0x2800  }
0x1a: {  	[sflag:s16] =	ssyncset.done $0x0  }
0x1b: {  	[sflag:s16] =	ssyncadd.s32 $0xFFFFD800  }
.LBB2_1:
0x1c: {  	s0 =	rddreg [dreg:$0x4]  }
0x1d: {  	[spmem:s15], [sflag:s9] =	dma.local [hbm:s0], $0x2800  }
0x1e: {  	_ =	swait.ge [sflag:s16], $0x2800  }
0x1f: {  	[sflag:s16] =	ssyncset.done $0x0  }
0x20: {  	[sflag:s16] =	ssyncadd.s32 $0xFFFFD800  }
0x21: {  	[bflag:$0x0] =	sbarrier.arrive $0xFFFF  }
0x22: {  	[tilespmem:s4], [sflag:$0x1] =	stream.linear.gather [hbm4b:s10+s4], $0x80, $0x38;
	[tilespmem:$0x1C200] =	vst v63  }
0x23: {  	_ = 	snop  }
0x24: {  	[tilespmem:s17], [sflag:$0x3] =	stream.linear.gather [hbm4b:s11+s4], $0x80, $0x38;
	[tilespmem:$0x1C200] =	vst v63  }
0x25: {  	_ = 	snop  }
0x26: {  	[tilespmem:s18], [sflag:$0x2] =	stream.linear.gather [hbm4b:s12+s4], $0x80, $0x38;
	[tilespmem:$0x1C200] =	vst v63  }
0x27: {  	_ =	swait.ge [sflag:s19], $0x80  }
0x28: {  	[sflag:s19] =	ssyncset.done $0x0  }
0x29: {  	s31 =	simm.s32 $0x0;
	[sflag:s19] =	ssyncadd.s32 $0xFFFFFF80  }
0x2a: {  	[tilespmem:s20], [sflag:$0x5] =	stream.indirect.gather [hbm4b:s5+s18], $0x80, s4, s18, $0xb8;
	[tilespmem:$0x1C200] =	vst v63  }
.LBB2_2:
0x2b: {  	p0 =	seq.s32 s31, $0x0  }
0x2c: {  	s0 =	simm.s32 @!p0 $0x8  }
0x2d: {  	s1 =	sand.u32 $0x3C00, s31;
	_ =	swait.ge @!p0 [sflag:s0], $0x4000  }
0x2e: {  	s8 =	sand.u32 $0x300, s31;
	s1 =	sadd.s32 s7, s1;
	[sflag:s0] =	ssyncset.done @!p0 $0x0  }
0x2f: {  	s8 =	sor.u32 s1, s8;
	[sflag:s0] =	ssyncadd.s32 @!p0 $0xFFFFC000  }
0x30: {  	s0 =	sor.u32 $0x80, s8;
	_ =	swait.ge [sflag:s21], $0x80  }
0x31: {  	s0 =	sshrl.u32 s0, $0x3;
	[sflag:s21] =	ssyncset.done $0x0  }
0x32: {  	s0 =	sadd.s32 s6, s0;
	[sflag:s21] =	ssyncadd.s32 $0xFFFFFF80  }
0x33: {  	[tilespmem:s22], [sflag:$0x4] =	stream.linear.gather [hbm4b:s0+s4], $0x80, $0x38;
	[tilespmem:$0x1C200] =	vst v63  }
0x34: {  	_ = 	snop  }
0x35: {  	[tilespmem:s23], [sflag:$0x6] =	stream.indirect.gather [hbm4b:s5+s18], $0x80, s18, s18, $0xb8;
	[tilespmem:$0x1C200] =	vst v63  }
0x36: {  	_ =	swait.ge [sflag:s24], $0x4000  }
0x37: {  	[sflag:s24] =	ssyncset.done $0x0  }
0x38: {  	p0 =	seq.s32 s31, $0x2700;
	[sflag:s24] =	ssyncadd.s32 $0xFFFFC000  }
0x39: {  	s0 =	sadd.s32 @!p0 $0x100, s31;
	_ =	swait.ge [sflag:s25], $0x80  }
0x3a: {  	s8 =	simm.s32 @p0 $0x7;
	s1 =	sand.u32 @!p0 $0x7C00, s0;
	[sflag:s25] =	ssyncset.done $0x0  }
0x3b: {  	s0 =	sand.u32 @!p0 $0x300, s0;
	s1 =	sadd.s32 @!p0 s7, s1;
	[sflag:s25] =	ssyncadd.s32 $0xFFFFFF80  }
0x3c: {  	[spmem:s3] =	stream.indirect.scatter.add.f32 [tilespmem:s20], [sflag:$0x7], $0x80, s17, s18, $0xb8;
	[tilespmem:$0x1C200] =	vst v63  }
0x3d: {  	s0 =	sor.u32 @!p0 s0, s1;
	_ =	swait.ge @p0 [sflag:s8], $0x4000  }
0x3e: {  	s0 =	sshrl.u32 @!p0 s0, $0x3;
	[sflag:s8] =	ssyncset.done @p0 $0x0  }
0x3f: {  	s1 =	sadd.s32 @!p0 s2, s0;
	[sflag:s8] =	ssyncadd.s32 @p0 $0xFFFFC000;
	s8 =	simm.s32 @!p0 $0x0  }
0x40: {  	[tilespmem:s8], [sflag:$0x1] =	stream.linear.gather @!p0 [hbm4b:s1+s8], $0x80, $0x38;
	[tilespmem:$0x1C200] =	vst v63  }
0x41: {  	s1 =	simm.s32 @!p0 $0x7  }
0x42: {  	_ =	swait.ge @!p0 [sflag:s1], $0x4000  }
0x43: {  	[sflag:s1] =	ssyncset.done @!p0 $0x0  }
0x44: {  	[sflag:s1] =	ssyncadd.s32 @!p0 $0xFFFFC000;
	s1 =	simm.s32 @!p0 $0x1  }
0x45: {  	_ =	swait.ge @!p0 [sflag:s1], $0x80  }
0x46: {  	[sflag:s1] =	ssyncset.done @!p0 $0x0  }
0x47: {  	s0 =	sadd.s32 @!p0 s6, s0;
	[sflag:s1] =	ssyncadd.s32 @!p0 $0xFFFFFF80;
	s1 =	simm.s32 @!p0 $0x100  }
0x48: {  	[tilespmem:s1], [sflag:$0x3] =	stream.linear.gather @!p0 [hbm4b:s0+s8], $0x80, $0x38;
	[tilespmem:$0x1C200] =	vst v63  }
0x49: {  	s0 =	simm.s32 @!p0 $0x80;
	s1 =	simm.s32 @!p0 $0x200  }
0x4a: {  	[tilespmem:s1], [sflag:$0x5] =	stream.indirect.gather @!p0 [hbm4b:s5+s0], $0x80, s8, s0, $0xb8;
	[tilespmem:$0x1C200] =	vst v63  }
0x4b: {  	_ =	swait.ge [sflag:s26], $0x4000  }
0x4c: {  	[sflag:s26] =	ssyncset.done $0x0  }
.Ltmp2:
0x4d: {  	[sflag:s26] =	ssyncadd.s32 $0xFFFFC000;
	(pc) =	sbr.rel @p0 .LBB2_4-.Ltmp2, $4  }
0x4e: {  	_ =	swait.ge [sflag:s28], $0x80  }
0x4f: {  	[sflag:s28] =	ssyncset.done $0x0  }
0x50: {  	[sflag:s28] =	ssyncadd.s32 $0xFFFFFF80  }
0x51: {  	[spmem:s3] =	stream.indirect.scatter.add.f32 [tilespmem:s23], [sflag:$0x8], $0x80, s22, s18, $0xb8;
	[tilespmem:$0x1C200] =	vst v63  }
0x52: {  	s0 =	sadd.s32 $0x180, s31  }
0x53: {  	s1 =	sand.u32 $0x7C00, s0  }
.Ltmp3:
0x54: {  	s0 =	sand.u32 $0x380, s0;
	s1 =	sadd.s32 s7, s1;
	(pc) =	sbr.rel .LBB2_2-.Ltmp3, $4  }
0x55: {  	s0 =	sor.u32 s0, s1  }
0x56: {  	s0 =	sshrl.u32 s0, $0x3  }
0x57: {  	s31 =	sadd.s32 $0x100, s31;
	s0 =	sadd.s32 s2, s0  }
0x58: {  	[tilespmem:s18], [sflag:$0x2] =	stream.linear.gather [hbm4b:s0+s4], $0x80, $0x38;
	[tilespmem:$0x1C200] =	vst v63  }
.LBB2_5:
0x59: {  	_ =	sfence.sel $0x180000  }
0x5a: {  	[bflag:$0x0] =	sbarrier.arrive $0xFFFF  }
0x5b: {  	_ =	strace $0x9000004D  }
0x5c: {  	s0 =	stileid.u32;
	[bflag:$0x2] =	sbarrier.arrive $0xFFFF  }
0x5d: {  	p0 =	sne.s32 s0, $0x0;
	s0 =	rddreg [dreg:$0x3]  }
0x5e: {  	s0 =	sadd.s32 @!p0 $0x100000, s0  }
0x5f: {  	[sflag:s0] =	ssyncadd.tile.s32 @!p0 $0x1;
	_ =	shalt  }
.Lfunc_end2:
_tile_overlayer_lowered:
.L_overlay_start_2:
0x60: {  	(tag) =	ssettag $0x2  }
0x61: {  	s0 =	rddreg [dreg:$0x0];
	s2 =	stileid.u32  }
0x62: {  	s1 =	rddreg [dreg:$0x1];
	p0 =	sne.s32 s2, $0x0  }
0x63: {  	s3 =	rddreg [dreg:$0x2];
	[bflag:$0x3] =	sbarrier.arrive $0xFFFF;
	s2 =	simm.s32 @!p0 $0x1C09  }
0x64: {  	[timem:s3], [sflag:s2] =	dma.local @!p0 [hbm:s0], s1  }
0x65: {  	s0 =	simm.s32 @!p0 $0x9  }
0x66: {  	_ =	swait.ge @!p0 [sflag:s0], s1  }
0x67: {  	s1 =	ssub.s32 @!p0 $0x0, s1;
	[sflag:s0] =	ssyncset.done @!p0 $0x0  }
0x68: {  	[sflag:s0] =	ssyncadd.s32 @!p0 s1  }
0x69: {  	[bflag:$0x3] =	sbarrier.arrive $0xFFFF  }
0x6a: {  	_ =	shalt  }

// kernel: sc_agg_128_1.3.cloned.1.call-start
scs
__scs_entry_jumppad:
0x0: {  	(pc) =	sbr.rel $0x88, $3  }
0x1: {  	(tag) =	ssettag $0x0;
	lr =	simm.s32 $0x1  }
0x2: {  	[smem:$0x3F94] =	sst lr;
	_ =	strace $0xD0000000  }
0x3: {  	_ = 	snop  }
0x4: {  	_ = 	snop  }
0x5: {  	_ = 	snop  }
0x6: {  	_ = 	snop  }
0x7: {  	_ = 	snop  }
__scs_overlays_trampoline_lowered:
0x8: {  	[smem:$0x3FA3] =	sst s0  }
0x9: {  	[smem:$0x3FA4] =	sst s1  }
0xa: {  	[smem:$0x3FA5] =	sst s2  }
0xb: {  	[smem:$0x3FA6] =	sst s3  }
0xc: {  	[smem:$0x3FA7] =	sst s4  }
0xd: {  	[smem:$0x3FA8] =	sst s5  }
0xe: {  	[smem:$0x3FA9] =	sst s6  }
0xf: {  	[smem:$0x3FAA] =	sst s7  }
0x10: {  	[smem:$0x3FAB] =	sst s8  }
0x11: {  	[smem:$0x3FAC] =	sst s9;
	s0 =	simm.s32 @!p0 $0x0  }
0x12: {  	s1 =	sld [smem:$0x3F92];
	s0 =	simm.s32 @p0 $0x1  }
0x13: {  	[smem:$0x3FAD] =	sst s0;
	s0 =	simm.s32 @!p1 $0x0  }
0x14: {  	s2 =	sld [smem:$0x3F91];
	s0 =	simm.s32 @p1 $0x1  }
0x15: {  	[smem:$0x3FAE] =	sst s0;
	s0 =	simm.s32 @!p2 $0x0  }
0x16: {  	s3 =	sld [smem:$0x3FDB];
	s0 =	simm.s32 @p2 $0x1  }
0x17: {  	s4 =	simm.s32 $0x1BF5;
	[smem:$0x3FB0] =	sst s0  }
0x18: {  	s0 =	sld [smem:$0x3F93];
	_ =	swait.ge [sflag:s4], $0x0  }
0x19: {  	s7 =	sld [smem:$0x3F94]  }
0x1a: {  	s8 =	sadd.s32 $0xFFFFE003, lr  }
0x1b: {  	s9 =	sadd.s32 $0xFFFFFEF7, lr;
	s5 =	simm.s32 $0xFFFFFFFF;
	p2 =	slt.u32 s8, $0xFFFFF086  }
0x1c: {  	p1 =	slt.u32 s9, $0xF7A;
	s5 =	simm.s32 @!p2 $0x0  }
0x1d: {  	s5 =	simm.s32 @p1 $0x1;
	p0 =	seq.s32 s7, s2  }
0x1e: {  	s7 =	smul.u32 @!p0 $0xF7A, s2;
	p2 =	seq.s32 @!p0 s5, $0x0  }
0x1f: {  	s9 =	smul.u32 $0xF7A, s1;
	s8 =	simm.s32 @!p0 $0x1BF5;
	p2 =	por !p2, p0  }
0x20: {  	[sflag:s8] =	ssyncset.s32 @!p0 $0xFFFFF086;
	s6 =	sadd.s32 @!p0 s3, s7;
	s7 =	simm.s32 @!p0 $0x108  }
0x21: {  	s3 =	sadd.s32 s3, s9;
	s6 =	sadd.s32 @!p0 $0x88, s6;
	s7 =	simm.s32 @p2 $0x1082  }
0x22: {  	[simem:s7], [sflag:s8] =	dma.local @!p0 [hbm:s6], $0xF7A  }
0x23: {  	s9 =	sor.u32 $0xD0000000, s2;
	s6 =	simm.s32 $0x108;
	_ =	swait.ge @!p0 [sflag:s8], $0x0  }
0x24: {  	s3 =	sadd.s32 $0x88, s3;
	s6 =	simm.s32 @!p1 $0x1082;
	[sflag:s4] =	ssyncset.s32 $0xFFFFF086  }
0x25: {  	[simem:s6], [sflag:s4] =	dma.local [hbm:s3], $0xF7A  }
0x26: {  	[smem:$0x3F94] =	sst s1;
	(tag) =	ssettag s2;
	_ =	strace s9  }
0x27: {  	s1 =	sld [smem:$0x3FA4]  }
0x28: {  	s2 =	sld [smem:$0x3FA5]  }
0x29: {  	s4 =	sld [smem:$0x3FA7]  }
0x2a: {  	p0 =	seq.s32 s5, $0x0;
	s5 =	sld [smem:$0x3FA8]  }
0x2b: {  	s6 =	sld [smem:$0x3FA9]  }
0x2c: {  	s7 =	sld [smem:$0x3FAA]  }
0x2d: {  	s3 =	simm.s32 $0x108;
	s8 =	sld [smem:$0x3FAB]  }
0x2e: {  	s3 =	simm.s32 @!p0 $0x1082;
	s9 =	sld [smem:$0x3FAC]  }
0x2f: {  	lr =	sadd.s32 s0, s3;
	s0 =	sld [smem:$0x3FA3]  }
0x30: {  	s3 =	sld [smem:$0x3FA6]  }
0x31: {  	[smem:$0x3FAF] =	sst s10  }
0x32: {  	s10 =	sld [smem:$0x3FAD];
	_ =	sdelay $0x3  }
0x33: {  	p0 =	seq.s32 s10, $0x1;
	s10 =	sld [smem:$0x3FAF];
	_ =	sdelay $0x3  }
0x34: {  	[smem:$0x3FAF] =	sst s10  }
0x35: {  	s10 =	sld [smem:$0x3FAE];
	_ =	sdelay $0x3  }
0x36: {  	p1 =	seq.s32 s10, $0x1;
	s10 =	sld [smem:$0x3FAF];
	_ =	sdelay $0x3  }
0x37: {  	[smem:$0x3FAF] =	sst s10  }
0x38: {  	s10 =	sld [smem:$0x3FB0]  }
0x39: {  	_ = 	snop;
	(pc) =	sbr.ind lr, $3  }
0x3a: {  	_ = 	snop  }
0x3b: {  	_ = 	snop  }
0x3c: {  	p2 =	seq.s32 s10, $0x1;
	s10 =	sld [smem:$0x3FAF]  }
0x3d: {  	_ =	shalt  }
0x3e: {  	_ =	shalt  }
0x3f: {  	_ =	shalt  }
0x40: {  	_ =	shalt  }
0x41: {  	_ =	shalt  }
0x42: {  	_ =	shalt  }
0x43: {  	_ =	shalt  }
0x44: {  	_ =	shalt  }
0x45: {  	_ =	shalt  }
0x46: {  	_ =	shalt  }
0x47: {  	_ =	shalt  }
0x48: {  	_ =	shalt  }
0x49: {  	_ =	shalt  }
0x4a: {  	_ =	shalt  }
0x4b: {  	_ =	shalt  }
0x4c: {  	_ =	shalt  }
0x4d: {  	_ =	shalt  }
0x4e: {  	_ =	shalt  }
0x4f: {  	_ =	shalt  }
0x50: {  	_ =	shalt  }
0x51: {  	_ =	shalt  }
0x52: {  	_ =	shalt  }
0x53: {  	_ =	shalt  }
0x54: {  	_ =	shalt  }
0x55: {  	_ =	shalt  }
0x56: {  	_ =	shalt  }
0x57: {  	_ =	shalt  }
0x58: {  	_ =	shalt  }
0x59: {  	_ =	shalt  }
0x5a: {  	_ =	shalt  }
0x5b: {  	_ =	shalt  }
0x5c: {  	_ =	shalt  }
0x5d: {  	_ =	shalt  }
0x5e: {  	_ =	shalt  }
0x5f: {  	_ =	shalt  }
0x60: {  	_ =	shalt  }
0x61: {  	_ =	shalt  }
0x62: {  	_ =	shalt  }
0x63: {  	_ =	shalt  }
0x64: {  	_ =	shalt  }
0x65: {  	_ =	shalt  }
0x66: {  	_ =	shalt  }
0x67: {  	_ =	shalt  }
0x68: {  	_ =	shalt  }
0x69: {  	_ =	shalt  }
0x6a: {  	_ =	shalt  }
0x6b: {  	_ =	shalt  }
0x6c: {  	_ =	shalt  }
0x6d: {  	_ =	shalt  }
0x6e: {  	_ =	shalt  }
0x6f: {  	_ =	shalt  }
0x70: {  	_ =	shalt  }
0x71: {  	_ =	shalt  }
0x72: {  	_ =	shalt  }
0x73: {  	_ =	shalt  }
0x74: {  	_ =	shalt  }
0x75: {  	_ =	shalt  }
0x76: {  	_ =	shalt  }
0x77: {  	_ =	shalt  }
0x78: {  	_ =	shalt  }
0x79: {  	_ =	shalt  }
0x7a: {  	_ =	shalt  }
0x7b: {  	_ =	shalt  }
0x7c: {  	_ =	shalt  }
0x7d: {  	_ =	shalt  }
0x7e: {  	_ =	shalt  }
0x7f: {  	_ =	shalt  }
0x80: {  	_ =	shalt  }
0x81: {  	_ =	shalt  }
0x82: {  	_ =	shalt  }
0x83: {  	_ =	shalt  }
0x84: {  	_ =	shalt  }
0x85: {  	_ =	shalt  }
0x86: {  	_ =	shalt  }
0x87: {  	_ =	shalt  }
.Lfunc_end0:
.L_simem_size_0:
called_computation_lowered:
.L_overlay_start_0:
0x88: {  	s2 =	sld [smem:$0x3FD9]  }
0x89: {  	s3 =	sld [smem:$0x3FFE];
	_ =	sdelay $0x1  }
0x8a: {  	s1 =	srdreg.scid  }
0x8b: {  	s0 =	sand.u32 $0x1, s1  }
0x8c: {  	s17 =	sshll.u32 s0, $0xA;
	s2 =	sadd.s32 s3, s2  }
0x8d: {  	s2 =	sadd.s32 s2, s17  }
0x8e: {  	[smem:$0x3FBB] =	sst s2  }
0x8f: {  	_ = 	snop  }
0x90: {  	s2 =	sld [smem:$0x3FD0];
	(tm) =	ssettm $0x1  }
0x91: {  	s18 =	sld [smem:$0x3FFB];
	_ =	sdelay $0x3  }
0x92: {  	_ =	strace s18  }
0x93: {  	s3 =	sld [smem:$0x3FFC];
	_ =	sdelay $0x3  }
0x94: {  	_ =	strace s3  }
0x95: {  	s3 =	sld [smem:$0x3FFD];
	_ =	sdelay $0x3  }
0x96: {  	_ =	strace s3  }
0x97: {  	_ =	strace $0x8FFFFFFF  }
0x98: {  	s19 =	sld [smem:$0x3FDB];
	_ =	sdelay $0x1  }
0x99: {  	s4 =	simm.s32 $_scs_section_size  }
0x9a: {  	s5 =	simm.s32 $_size__tile_overlayer_lowered;
	s6 =	simm.s32 $_tile_overlayer_lowered  }
0x9b: {  	s22 =	simm.s32 $0x1BFF;
	s21 =	sshll.u32 s6, $0x1;
	s3 =	sadd.s32 s4, s19  }
0x9c: {  	s7 =	simm.s32 $0x0;
	s20 =	sshll.u32 s5, $0x1;
	s5 =	sadd.s32 s21, s3  }
0x9d: {  	[timem:s7], [sflag:s22] =	dma.local [hbm:s5], s20  }
0x9e: {  	_ =	swait.ge [sflag:s22], s20  }
0x9f: {  	s4 =	ssub.s32 $0x0, s20;
	[sflag:s22] =	ssyncset.done $0x0  }
0xa0: {  	[sflag:s22] =	ssyncadd.s32 s4;
	_ =	sdelay $0x1  }
0xa1: {  	s23 =	simm.s32 $0x1B8B  }
0xa2: {  	_ =	swait.ge [sflag:s23], $0x1  }
0xa3: {  	[sflag:s23] =	ssyncset.done $0x0  }
0xa4: {  	s25 =	simm.s32 $0x1B8E;
	s24 =	sld [smem:$0x3FFE];
	[sflag:s23] =	ssyncadd.s32 $0xFFFFFFFF  }
0xa5: {  	s26 =	simm.s32 $execute0_lowered;
	[smem:$0x3FD2] =	sst s25  }
0xa6: {  	s5 =	sshll.u32 s26, $0x1;
	_ =	strace $0x80000046;
	[dreg:$0x1] =	wrdreg $0xFFFFFFFF  }
0xa7: {  	s28 =	simm.s32 $_size_execute0_lowered;
	s3 =	sadd.s32 s3, s5;
	[dreg:$0x0] =	wrdreg $0x0  }
0xa8: {  	s5 =	sshll.u32 s28, $0x1;
	[dreg:$0x2] =	wrdreg s3  }
0xa9: {  	[dreg:$0x3] =	wrdreg s5  }
0xaa: {  	[dreg:$0x4] =	wrdreg $0xC0  }
0xab: {  	_ =	task [dreg:s7], $0x5FFFF  }
0xac: {  	[dreg:$0x1] =	wrdreg $0xFFFFFFFF  }
0xad: {  	[dreg:$0x0] =	wrdreg $0x60  }
0xae: {  	[dreg:$0x2] =	wrdreg s24  }
0xaf: {  	[dreg:$0x3] =	wrdreg s2  }
0xb0: {  	[dreg:$0x4] =	wrdreg $0x82000  }
0xb1: {  	[dreg:$0x5] =	wrdreg $0x1EB800  }
0xb2: {  	[dreg:$0x6] =	wrdreg $0x9  }
0xb3: {  	_ =	task.clear_ibuf [dreg:s7], $0x7FFFF;
	_ =	strace $0x90000046  }
0xb4: {  	s29 =	simm.s32 $0x9;
	_ =	strace $0x80000048  }
0xb5: {  	_ =	swait.ge [sflag:s29], $0x1  }
0xb6: {  	[sflag:s29] =	ssyncadd.s32 $0xFFFFFFFF  }
0xb7: {  	_ =	strace $0x90000048  }
0xb8: {  	_ =	sfence  }
0xb9: {  	s30 =	sld [smem:$0x0];
	_ =	sdelay $0x2  }
0xba: {  	s31 =	sshll.u32 s1, $0xD;
	s1 =	sshrl.u32 s1, $0x2  }
0xbb: {  	s3 =	sand.u32 $0x4000, s31;
	s1 =	sadd.s32 s1, s30  }
0xbc: {  	s0 =	sor.u32 s3, s0;
	s1 =	sshll.u32 s1, $0x11  }
0xbd: {  	s0 =	sor.u32 s1, s0  }
0xbe: {  	s0 =	sadd.s32 $0x8F2B, s0  }
0xbf: {  	[sflag:s0] =	ssyncadd.remote.s32 $0x1  }
0xc0: {  	_ =	sfence.sel $0xFFFF  }
0xc1: {  	[dreg:$0x0] =	wrdreg $0xFFFFFFFF;
	(pc) =	sbr.abs _section_cstart, $3  }
0xc2: {  	[dreg:$0x1] =	wrdreg $0xFFFFFFFF  }
0xc3: {  	_ =	task.clear_ibuf [dreg:s7], $0x2FFFF;
	_ =	strace $0x9FFFFFFF  }
0xc4: {  	(tm) =	ssettm $0x7FFFFFFF  }
0xc5: {  	_ =	shalt  }
tec
execute0_lowered:
.L_overlay_start_1:
0x0: {  	(tag) =	ssettag $0x1  }
0x1: {  	s0 =	rddreg [dreg:$0x0]  }
0x2: {  	s1 =	rddreg [dreg:$0x1]  }
0x3: {  	s3 =	rddreg [dreg:$0x2]  }
0x4: {  	s18 =	rddreg [dreg:$0x3]  }
0x5: {  	s2 =	srdreg.scid;
	s17 =	stileid.u32  }
0x6: {  	s5 =	simm.s32 $0x0;
	s29 =	simm.s32 $0x80;
	s31 =	simm.s32 $0x200  }
0x7: {  	s28 =	simm.s32 $0x4200;
	s2 =	sand.u32 $0x1, s2;
	s4 =	smul.u32 $0x14000, s17  }
0x8: {  	[smem:$0x7FF] =	sst s5;
	s6 =	sadd.s32 $0xCA00, s0;
	s7 =	sadd.s32 $0x2A00, s0  }
0x9: {  	s11 =	sshll.u32 s17, $0xA;
	s12 =	sadd.s32 $0x33C00, s0;
	s15 =	smul.u32 $0x50000, s17  }
0xa: {  	s30 =	sshll.u32 s17, $0x1;
	s20 =	sshll.u32 s17, $0x6;
	s8 =	smul.u32 $0x140000, s2  }
0xb: {  	p0 =	sgt.u32 s17, $0x9;
	_ =	strace $0x80000047;
	s9 =	smul.u32 $0x2800, s2  }
0xc: {  	[dreg:$0x5] =	wrdreg s12;
	s26 =	ssub.s32 $0x2, s2;
	s13 =	sor.u32 s2, s30  }
0xd: {  	s2 =	ssub.s32 s30, s2;
	s12 =	sor.u32 $0x1C09, s20;
	s22 =	sadd.s32 s11, s18  }
0xe: {  	s18 =	simm.s32 $0x0;
	s16 =	sshrl.u32 s26, $0x1;
	s19 =	sshrl.u32 s15, $0x2  }
0xf: {  	s2 =	smul.u32 $0x2800, s2;
	[dreg:$0x7] =	wrdreg s22;
	s10 =	sadd.s32 s4, s8  }
0x10: {  	s8 =	sadd.s32 $0x33E00, s0;
	s9 =	sadd.s32 s9, s11;
	s4 =	sshrl.u32 s4, $0x3  }
0x11: {  	s11 =	simm.s32 $0x3;
	s10 =	sshrl.u32 s10, $0x3;
	s9 =	sshrl.u32 s9, $0x3  }
0x12: {  	s4 =	sadd.s32 s8, s4;
	s14 =	sadd.s32 s10, s0;
	s0 =	sadd.s32 s9, s0  }
0x13: {  	s9 =	ssub.s32 s26, s16;
	s10 =	smul.u32 $0x2800, s13;
	s13 =	sadd.s32 $0x2800, s2  }
0x14: {  	s16 =	sadd.s32 s19, s3;
	[dreg:$0x6] =	wrdreg s4;
	s24 =	sshrl.u32 s13, $0x3  }
0x15: {  	s26 =	sadd.s32 $0x5BE00, s14;
	s0 =	sadd.s32 $0xABE00, s0;
	s30 =	smax.u32 s9, $0x1  }
0x16: {  	s22 =	sshrl.u32 s16, $0x3;
	s9 =	simm.s32 $0x5;
	[dreg:$0xc] =	wrdreg s26  }
0x17: {  	s14 =	simm.s32 $0x6;
	s16 =	simm.s32 $0x4;
	[dreg:$0xd] =	wrdreg s0  }
0x18: {  	s21 =	sshrl.u32 s10, $0x3;
	s2 =	sadd.s32 s7, s24;
	[dreg:$0xe] =	wrdreg s30  }
.Ltmp0:
0x19: {  	s24 =	simm.s32 $0x1C300;
	s26 =	simm.s32 $0x100;
	(pc) =	sbr.rel .LBB2_1-.Ltmp0, $4  }
0x1a: {  	s0 =	simm.s32 $0x2;
	s4 =	sadd.s32 s7, s21;
	[dreg:$0xa] =	wrdreg s2  }
0x1b: {  	s23 =	sadd.s32 s1, s21;
	s21 =	simm.s32 $0x1EB00;
	[dreg:$0x9] =	wrdreg s4  }
0x1c: {  	s2 =	simm.s32 $0x180;
	[dreg:$0x8] =	wrdreg s23;
	s25 =	sadd.s32 $0x10, s23  }
0x1d: {  	v0 =	vimm.f32 $1.000000000e+00;
	s23 =	simm.s32 $0x9;
	s4 =	simm.s32 $0x1C280;
	[dreg:$0xb] =	wrdreg s25  }
.LBB2_4:
0x1e: {  	s15 =	simm.s32 $0x8  }
0x1f: {  	_ =	swait.ge [sflag:s15], $0x4000  }
0x20: {  	[sflag:s15] =	ssyncset.done $0x0  }
0x21: {  	[sflag:s15] =	ssyncadd.s32 $0xFFFFC000  }
0x22: {  	[bflag:$0x0] =	sbarrier.arrive $0xFFFF  }
0x23: {  	s21 =	rddreg [dreg:$0xc]  }
0x24: {  	[hbm:s21], [sflag:s12] =	dma.local [spmem:s22], $0x2800  }
0x25: {  	_ =	swait.ge [sflag:s23], $0x2800  }
0x26: {  	[sflag:s23] =	ssyncset.done $0x0  }
0x27: {  	[sflag:s23] =	ssyncadd.s32 $0xFFFFD800  }
0x28: {  	s17 =	simm.s32 $0x50;
	s21 =	simm.s32 $0x1EB00;
	s25 =	rddreg [dreg:$0x3]  }
0x29: {  	[spmem:s25] =	stream.indirect.scatter.add.f32 [tilespmem:s24], [sflag:$0x9], $0x80, s21, s17, $0xb8;
	[tilespmem:$0x1EE00] =	vst v63  }
0x2a: {  	_ =	swait.ge [sflag:s23], $0x2800  }
0x2b: {  	[sflag:s23] =	ssyncset.done $0x0  }
0x2c: {  	[sflag:s23] =	ssyncadd.s32 $0xFFFFD800  }
0x2d: {  	[bflag:$0x0] =	sbarrier.arrive $0xFFFF  }
0x2e: {  	s15 =	rddreg [dreg:$0xd]  }
0x2f: {  	[hbm:s15], [sflag:s12] =	dma.local @!p0 [spmem:s19], $0x80  }
0x30: {  	s15 =	simm.s32 @!p0 $0x9  }
0x31: {  	_ =	swait.ge @!p0 [sflag:s15], $0x80  }
0x32: {  	s18 =	sadd.s32 $0x1, s18;
	s30 =	rddreg [dreg:$0xe]  }
0x33: {  	p1 =	sne.s32 s18, s30  }
.Ltmp1:
0x34: {  	_ = 	snop;
	(pc) =	sbr.rel @!p1 .LBB2_5-.Ltmp1, $3  }
0x35: {  	_ =	sdelay $0x1  }
0x36: {  	[sflag:s15] =	ssyncset.done @!p0 $0x0  }
0x37: {  	[sflag:s15] =	ssyncadd.s32 @!p0 $0xFFFFFF80  }
.LBB2_1:
0x38: {  	s15 =	rddreg [dreg:$0x6]  }
0x39: {  	[spmem:s22], [sflag:s12] =	dma.local [hbm:s15], $0x2800  }
0x3a: {  	_ =	swait.ge [sflag:s23], $0x2800  }
0x3b: {  	[sflag:s23] =	ssyncset.done $0x0;
	s15 =	rddreg [dreg:$0x7]  }
0x3c: {  	s20 =	simm.s32 @!p0 $0x9;
	[sflag:s23] =	ssyncadd.s32 $0xFFFFD800;
	s19 =	sshrl.u32 @!p0 s15, $0x3  }
0x3d: {  	[spmem:s19], [sflag:s12] =	dma.local @!p0 [hbm:s8], $0x80  }
0x3e: {  	_ =	swait.ge @!p0 [sflag:s20], $0x80  }
0x3f: {  	[sflag:s20] =	ssyncset.done @!p0 $0x0  }
0x40: {  	[sflag:s20] =	ssyncadd.s32 @!p0 $0xFFFFFF80  }
0x41: {  	[tilespmem:s24], [sflag:$0x9] =	stream.linear.gather [hbm4b:s8+s5], $0x2800, $0x38;
	[tilespmem:$0x1EE00] =	vst v63  }
0x42: {  	_ =	swait.ge [sflag:s23], $0x2800  }
0x43: {  	[sflag:s23] =	ssyncset.done $0x0  }
0x44: {  	s30 =	rddreg [dreg:$0x5];
	[sflag:s23] =	ssyncadd.s32 $0xFFFFD800  }
0x45: {  	[tilespmem:s21], [sflag:$0x9] =	stream.linear.gather [hbm4b:s30+s5], $0x80, $0x38;
	[tilespmem:$0x1EE00] =	vst v63  }
0x46: {  	_ =	swait.ge [sflag:s23], $0x80  }
0x47: {  	[sflag:s23] =	ssyncset.done $0x0  }
0x48: {  	[sflag:s23] =	ssyncadd.s32 $0xFFFFFF80  }
0x49: {  	[bflag:$0x0] =	sbarrier.arrive $0xFFFF  }
0x4a: {  	s17 =	rddreg [dreg:$0x8]  }
0x4b: {  	[tilespmem:s5], [sflag:$0x1] =	stream.linear.gather [hbm4b:s17+s5], $0x80, $0x38;
	[tilespmem:$0x1EE00] =	vst v63  }
0x4c: {  	s20 =	rddreg [dreg:$0x9]  }
0x4d: {  	[tilespmem:s26], [sflag:$0x3] =	stream.linear.gather [hbm4b:s20+s5], $0x80, $0x38;
	[tilespmem:$0x1EE00] =	vst v63  }
0x4e: {  	s21 =	rddreg [dreg:$0xa];
	s17 =	simm.s32 $0x1C200  }
0x4f: {  	[tilespmem:s17], [sflag:$0x3] =	stream.linear.gather [hbm4b:s21+s5], $0x80, $0x38;
	[tilespmem:$0x1EE00] =	vst v63  }
0x50: {  	s30 =	simm.s32 $0x1;
	s25 =	rddreg [dreg:$0xb]  }
0x51: {  	[tilespmem:s29], [sflag:$0x2] =	stream.linear.gather [hbm4b:s25+s5], $0x80, $0x38;
	[tilespmem:$0x1EE00] =	vst v63  }
0x52: {  	_ =	swait.ge [sflag:s30], $0x80  }
0x53: {  	[sflag:s30] =	ssyncset.done $0x0  }
0x54: {  	s20 =	simm.s32 $0x0;
	[sflag:s30] =	ssyncadd.s32 $0xFFFFFF80  }
0x55: {  	[tilespmem:s31], [sflag:$0x5] =	stream.indirect.gather [hbm4b:s6+s29], $0x80, s5, s29, $0xb8;
	[tilespmem:$0x1EE00] =	vst v63  }
.LBB2_2:
0x56: {  	p1 =	seq.s32 s20, $0x0  }
0x57: {  	s21 =	simm.s32 @!p1 $0x8  }
0x58: {  	_ =	swait.ge @!p1 [sflag:s21], $0x4000  }
0x59: {  	s15 =	sand.u32 $0x3C00, s20;
	s25 =	sand.u32 $0x300, s20;
	[sflag:s21] =	ssyncset.done @!p1 $0x0  }
0x5a: {  	s30 =	sadd.s32 s10, s15;
	s25 =	sor.u32 $0x80, s25;
	[sflag:s21] =	ssyncadd.s32 @!p1 $0xFFFFC000  }
0x5b: {  	s15 =	sadd.s32 s13, s15;
	s21 =	sor.u32 s25, s30;
	_ =	swait.ge [sflag:s0], $0x80  }
0x5c: {  	s15 =	sor.u32 s25, s15;
	s21 =	sshrl.u32 s21, $0x3;
	[sflag:s0] =	ssyncset.done $0x0  }
0x5d: {  	s15 =	sshrl.u32 s15, $0x3;
	s21 =	sadd.s32 s7, s21;
	[sflag:s0] =	ssyncadd.s32 $0xFFFFFF80  }
0x5e: {  	[tilespmem:s2], [sflag:$0x4] =	stream.linear.gather [hbm4b:s21+s5], $0x80, $0x38;
	[tilespmem:$0x1EE00] =	vst v63  }
0x5f: {  	s15 =	sadd.s32 s7, s15  }
0x60: {  	[tilespmem:s4], [sflag:$0x4] =	stream.linear.gather [hbm4b:s15+s5], $0x80, $0x38;
	[tilespmem:$0x1EE00] =	vst v63  }
0x61: {  	_ = 	snop  }
0x62: {  	[tilespmem:s28], [sflag:$0x6] =	stream.indirect.gather [hbm4b:s6+s29], $0x80, s29, s29, $0xb8;
	[tilespmem:$0x1EE00] =	vst v63  }
0x63: {  	_ =	swait.ge [sflag:s9], $0x4000  }
0x64: {  	[sflag:s9] =	ssyncset.done $0x0  }
0x65: {  	[sflag:s9] =	ssyncadd.s32 $0xFFFFC000  }
0x66: {  	_ =	swait.ge [sflag:s11], $0x80  }
0x67: {  	[sflag:s11] =	ssyncset.done $0x0  }
0x68: {  	[sflag:s11] =	ssyncadd.s32 $0xFFFFFF80  }
0x69: {  	_ =	swait.ge [sflag:s11], $0x80  }
0x6a: {  	[sflag:s11] =	ssyncset.done $0x0  }
0x6b: {  	[sflag:s11] =	ssyncadd.s32 $0xFFFFFF80  }
0x6c: {  	v1 =	vld [tilespmem:$0x100];
	_ =	sdelay $0x7  }
0x6d: {  	[tilespmem:v1+s24+$0x0] =	vst.idx.add.f32.msk $0xffff, v0  }
0x6e: {  	v1 =	vld [tilespmem:$0x110];
	_ =	sdelay $0x7  }
0x6f: {  	[tilespmem:v1+s24+$0x0] =	vst.idx.add.f32.msk $0xffff, v0  }
0x70: {  	v1 =	vld [tilespmem:$0x120];
	_ =	sdelay $0x7  }
0x71: {  	[tilespmem:v1+s24+$0x0] =	vst.idx.add.f32.msk $0xffff, v0  }
0x72: {  	v1 =	vld [tilespmem:$0x130];
	_ =	sdelay $0x7  }
0x73: {  	[tilespmem:v1+s24+$0x0] =	vst.idx.add.f32.msk $0xffff, v0  }
0x74: {  	v1 =	vld [tilespmem:$0x140];
	_ =	sdelay $0x7  }
0x75: {  	[tilespmem:v1+s24+$0x0] =	vst.idx.add.f32.msk $0xffff, v0  }
0x76: {  	v1 =	vld [tilespmem:$0x150];
	_ =	sdelay $0x7  }
0x77: {  	[tilespmem:v1+s24+$0x0] =	vst.idx.add.f32.msk $0xffff, v0  }
0x78: {  	v1 =	vld [tilespmem:$0x160];
	_ =	sdelay $0x7  }
0x79: {  	[tilespmem:v1+s24+$0x0] =	vst.idx.add.f32.msk $0xffff, v0  }
0x7a: {  	v1 =	vld [tilespmem:$0x170];
	_ =	sdelay $0x7  }
0x7b: {  	[tilespmem:v1+s24+$0x0] =	vst.idx.add.f32.msk $0xffff, v0  }
0x7c: {  	v1 =	vld [tilespmem:$0x1C200];
	_ =	sdelay $0x7  }
0x7d: {  	[tilespmem:v1+s24+$0x0] =	vst.idx.add.f32.msk $0xffff, v0  }
0x7e: {  	v1 =	vld [tilespmem:$0x1C210];
	_ =	sdelay $0x7  }
0x7f: {  	[tilespmem:v1+s24+$0x0] =	vst.idx.add.f32.msk $0xffff, v0  }
0x80: {  	v1 =	vld [tilespmem:$0x1C220];
	_ =	sdelay $0x7  }
0x81: {  	[tilespmem:v1+s24+$0x0] =	vst.idx.add.f32.msk $0xffff, v0  }
0x82: {  	v1 =	vld [tilespmem:$0x1C230];
	_ =	sdelay $0x7  }
0x83: {  	[tilespmem:v1+s24+$0x0] =	vst.idx.add.f32.msk $0xffff, v0  }
0x84: {  	v1 =	vld [tilespmem:$0x1C240];
	_ =	sdelay $0x7  }
0x85: {  	[tilespmem:v1+s24+$0x0] =	vst.idx.add.f32.msk $0xffff, v0  }
0x86: {  	v1 =	vld [tilespmem:$0x1C250];
	_ =	sdelay $0x7  }
0x87: {  	[tilespmem:v1+s24+$0x0] =	vst.idx.add.f32.msk $0xffff, v0  }
0x88: {  	v1 =	vld [tilespmem:$0x1C260];
	_ =	sdelay $0x7  }
0x89: {  	[tilespmem:v1+s24+$0x0] =	vst.idx.add.f32.msk $0xffff, v0  }
0x8a: {  	v1 =	vld [tilespmem:$0x1C270];
	_ =	sdelay $0x4  }
0x8b: {  	p1 =	seq.s32 s20, $0x2700  }
0x8c: {  	s15 =	sadd.s32 @!p1 $0x100, s20  }
0x8d: {  	s21 =	sand.u32 @!p1 $0x7C00, s15  }
0x8e: {  	s25 =	simm.s32 @p1 $0x7;
	s15 =	sand.u32 @!p1 $0x300, s15;
	s30 =	sadd.s32 @!p1 s10, s21;
	[tilespmem:v1+s24+$0x0] =	vst.idx.add.f32.msk $0xffff, v0  }
0x8f: {  	[spmem:s3] =	stream.indirect.scatter.add.f32 [tilespmem:s31], [sflag:$0x7], $0x80, s26, s29, $0xb8;
	[tilespmem:$0x1EE00] =	vst v63  }
0x90: {  	s30 =	sor.u32 @!p1 s15, s30;
	_ =	swait.ge @p1 [sflag:s25], $0x4000  }
0x91: {  	s30 =	sshrl.u32 @!p1 s30, $0x3;
	[sflag:s25] =	ssyncset.done @p1 $0x0  }
0x92: {  	s17 =	simm.s32 @!p1 $0x0;
	[sflag:s25] =	ssyncadd.s32 @p1 $0xFFFFC000;
	s25 =	sadd.s32 @!p1 s1, s30  }
0x93: {  	[tilespmem:s17], [sflag:$0x1] =	stream.linear.gather @!p1 [hbm4b:s25+s17], $0x80, $0x38;
	[tilespmem:$0x1EE00] =	vst v63  }
0x94: {  	s25 =	simm.s32 @!p1 $0x7  }
0x95: {  	_ =	swait.ge @!p1 [sflag:s25], $0x4000  }
0x96: {  	[sflag:s25] =	ssyncset.done @!p1 $0x0  }
0x97: {  	s21 =	sadd.s32 @!p1 s13, s21;
	[sflag:s25] =	ssyncadd.s32 @!p1 $0xFFFFC000;
	s25 =	simm.s32 @!p1 $0x1  }
0x98: {  	s15 =	sor.u32 @!p1 s15, s21;
	_ =	swait.ge @!p1 [sflag:s25], $0x80  }
0x99: {  	s15 =	sshrl.u32 @!p1 s15, $0x3;
	[sflag:s25] =	ssyncset.done @!p1 $0x0  }
0x9a: {  	[sflag:s25] =	ssyncadd.s32 @!p1 $0xFFFFFF80;
	s25 =	sadd.s32 @!p1 s7, s30;
	s30 =	simm.s32 @!p1 $0x100  }
0x9b: {  	[tilespmem:s30], [sflag:$0x3] =	stream.linear.gather @!p1 [hbm4b:s25+s17], $0x80, $0x38;
	[tilespmem:$0x1EE00] =	vst v63  }
0x9c: {  	s21 =	simm.s32 @!p1 $0x1C200;
	s15 =	sadd.s32 @!p1 s7, s15  }
0x9d: {  	[tilespmem:s21], [sflag:$0x3] =	stream.linear.gather @!p1 [hbm4b:s15+s17], $0x80, $0x38;
	[tilespmem:$0x1EE00] =	vst v63  }
0x9e: {  	s15 =	simm.s32 @!p1 $0x80;
	s21 =	simm.s32 @!p1 $0x200  }
0x9f: {  	[tilespmem:s21], [sflag:$0x5] =	stream.indirect.gather @!p1 [hbm4b:s6+s15], $0x80, s17, s15, $0xb8;
	[tilespmem:$0x1EE00] =	vst v63  }
0xa0: {  	_ =	swait.ge [sflag:s14], $0x4000  }
0xa1: {  	[sflag:s14] =	ssyncset.done $0x0  }
0xa2: {  	[sflag:s14] =	ssyncadd.s32 $0xFFFFC000  }
0xa3: {  	_ =	swait.ge [sflag:s16], $0x80  }
0xa4: {  	[sflag:s16] =	ssyncset.done $0x0  }
0xa5: {  	[sflag:s16] =	ssyncadd.s32 $0xFFFFFF80  }
0xa6: {  	_ =	swait.ge [sflag:s16], $0x80  }
0xa7: {  	[sflag:s16] =	ssyncset.done $0x0  }
0xa8: {  	[sflag:s16] =	ssyncadd.s32 $0xFFFFFF80  }
0xa9: {  	v1 =	vld [tilespmem:$0x180];
	_ =	sdelay $0x7  }
0xaa: {  	[tilespmem:v1+s24+$0x0] =	vst.idx.add.f32.msk $0xffff, v0  }
0xab: {  	v1 =	vld [tilespmem:$0x190];
	_ =	sdelay $0x7  }
0xac: {  	[tilespmem:v1+s24+$0x0] =	vst.idx.add.f32.msk $0xffff, v0  }
0xad: {  	v1 =	vld [tilespmem:$0x1A0];
	_ =	sdelay $0x7  }
0xae: {  	[tilespmem:v1+s24+$0x0] =	vst.idx.add.f32.msk $0xffff, v0  }
0xaf: {  	v1 =	vld [tilespmem:$0x1B0];
	_ =	sdelay $0x7  }
0xb0: {  	[tilespmem:v1+s24+$0x0] =	vst.idx.add.f32.msk $0xffff, v0  }
0xb1: {  	v1 =	vld [tilespmem:$0x1C0];
	_ =	sdelay $0x7  }
0xb2: {  	[tilespmem:v1+s24+$0x0] =	vst.idx.add.f32.msk $0xffff, v0  }
0xb3: {  	v1 =	vld [tilespmem:$0x1D0];
	_ =	sdelay $0x7  }
0xb4: {  	[tilespmem:v1+s24+$0x0] =	vst.idx.add.f32.msk $0xffff, v0  }
0xb5: {  	v1 =	vld [tilespmem:$0x1E0];
	_ =	sdelay $0x7  }
0xb6: {  	[tilespmem:v1+s24+$0x0] =	vst.idx.add.f32.msk $0xffff, v0  }
0xb7: {  	v1 =	vld [tilespmem:$0x1F0];
	_ =	sdelay $0x7  }
0xb8: {  	[tilespmem:v1+s24+$0x0] =	vst.idx.add.f32.msk $0xffff, v0  }
0xb9: {  	v1 =	vld [tilespmem:$0x1C280];
	_ =	sdelay $0x7  }
0xba: {  	[tilespmem:v1+s24+$0x0] =	vst.idx.add.f32.msk $0xffff, v0  }
0xbb: {  	v1 =	vld [tilespmem:$0x1C290];
	_ =	sdelay $0x7  }
0xbc: {  	[tilespmem:v1+s24+$0x0] =	vst.idx.add.f32.msk $0xffff, v0  }
0xbd: {  	v1 =	vld [tilespmem:$0x1C2A0];
	_ =	sdelay $0x7  }
0xbe: {  	[tilespmem:v1+s24+$0x0] =	vst.idx.add.f32.msk $0xffff, v0  }
0xbf: {  	v1 =	vld [tilespmem:$0x1C2B0];
	_ =	sdelay $0x7  }
0xc0: {  	[tilespmem:v1+s24+$0x0] =	vst.idx.add.f32.msk $0xffff, v0  }
0xc1: {  	v1 =	vld [tilespmem:$0x1C2C0];
	_ =	sdelay $0x7  }
0xc2: {  	[tilespmem:v1+s24+$0x0] =	vst.idx.add.f32.msk $0xffff, v0  }
0xc3: {  	v1 =	vld [tilespmem:$0x1C2D0];
	_ =	sdelay $0x7  }
0xc4: {  	[tilespmem:v1+s24+$0x0] =	vst.idx.add.f32.msk $0xffff, v0  }
0xc5: {  	v1 =	vld [tilespmem:$0x1C2E0];
	_ =	sdelay $0x7  }
0xc6: {  	[tilespmem:v1+s24+$0x0] =	vst.idx.add.f32.msk $0xffff, v0  }
0xc7: {  	v1 =	vld [tilespmem:$0x1C2F0];
	_ =	sdelay $0x4  }
.Ltmp2:
0xc8: {  	_ = 	snop;
	(pc) =	sbr.rel @p1 .LBB2_4-.Ltmp2, $3  }
0xc9: {  	_ =	sdelay $0x1  }
0xca: {  	[tilespmem:v1+s24+$0x0] =	vst.idx.add.f32.msk $0xffff, v0  }
0xcb: {  	[spmem:s3] =	stream.indirect.scatter.add.f32 [tilespmem:s28], [sflag:$0x8], $0x80, s2, s29, $0xb8;
	[tilespmem:$0x1EE00] =	vst v63  }
0xcc: {  	s15 =	sadd.s32 $0x180, s20  }
0xcd: {  	s17 =	sand.u32 $0x7C00, s15  }
.Ltmp3:
0xce: {  	s15 =	sand.u32 $0x380, s15;
	s17 =	sadd.s32 s10, s17;
	(pc) =	sbr.rel .LBB2_2-.Ltmp3, $4  }
0xcf: {  	s15 =	sor.u32 s15, s17  }
0xd0: {  	s15 =	sshrl.u32 s15, $0x3  }
0xd1: {  	s20 =	sadd.s32 $0x100, s20;
	s15 =	sadd.s32 s1, s15  }
0xd2: {  	[tilespmem:s29], [sflag:$0x2] =	stream.linear.gather [hbm4b:s15+s5], $0x80, $0x38;
	[tilespmem:$0x1EE00] =	vst v63  }
.LBB2_5:
0xd3: {  	_ =	sfence.sel $0x180000  }
0xd4: {  	[bflag:$0x0] =	sbarrier.arrive $0xFFFF  }
0xd5: {  	_ =	strace $0x90000047  }
0xd6: {  	s0 =	stileid.u32;
	[bflag:$0x2] =	sbarrier.arrive $0xFFFF  }
0xd7: {  	p0 =	sne.s32 s0, $0x0;
	s0 =	rddreg [dreg:$0x4]  }
0xd8: {  	s0 =	sadd.s32 @!p0 $0x100000, s0  }
0xd9: {  	[sflag:s0] =	ssyncadd.tile.s32 @!p0 $0x1;
	_ =	shalt  }
.Lfunc_end2:
_tile_overlayer_lowered:
.L_overlay_start_2:
0xda: {  	(tag) =	ssettag $0x2  }
0xdb: {  	s0 =	rddreg [dreg:$0x0];
	s2 =	stileid.u32  }
0xdc: {  	s1 =	rddreg [dreg:$0x1];
	p0 =	sne.s32 s2, $0x0  }
0xdd: {  	s3 =	rddreg [dreg:$0x2];
	[bflag:$0x3] =	sbarrier.arrive $0xFFFF;
	s2 =	simm.s32 @!p0 $0x1C09  }
0xde: {  	[timem:s3], [sflag:s2] =	dma.local @!p0 [hbm:s0], s1  }
0xdf: {  	s0 =	simm.s32 @!p0 $0x9  }
0xe0: {  	_ =	swait.ge @!p0 [sflag:s0], s1  }
0xe1: {  	s1 =	ssub.s32 @!p0 $0x0, s1;
	[sflag:s0] =	ssyncset.done @!p0 $0x0  }
0xe2: {  	[sflag:s0] =	ssyncadd.s32 @!p0 s1  }
0xe3: {  	[bflag:$0x3] =	sbarrier.arrive $0xFFFF  }
0xe4: {  	_ =	shalt  }

</sc_bundles>
